<compile_context>
chip_gen: v7x
topology: tpu7x:2x2x1
jax: 0.10.2.dev20260603
libtpu: 0.0.44.dev20260713+nightly
codegen_flags: <defaults>
</compile_context>

<pallas_src>
import functools

import jax
import jax.numpy as jnp
from jax import lax
from jax.experimental import pallas as pl
from jax.experimental.pallas import tpu as pltpu
from jax.experimental.pallas import tpu_sc as plsc

N = 10000
E = 320000
D = 128
H = 128

NC = 2
NS = 16
NW = NC * NS
CHUNK = 128
CH0 = 80
CH1 = 80
CHMAX = max(CH0, CH1)
CHT = NS * (CH0 + CH1)
EPAD = CHT * CHUNK
NPAD = 10240
RPT = NPAD // NS

_mesh = plsc.VectorSubcoreMesh(core_axis_name="c", subcore_axis_name="s")



UNROLL = 8


def _split_loop(cid, body):
    lo, hi = min(CH0, CH1), max(CH0, CH1)

    def group(base):
        def g(k, carry):
            for u in range(UNROLL):
                body(k * UNROLL + u, carry)
            return carry
        return g

    lax.fori_loop(0, lo // UNROLL, group(0), 0)
    if hi > lo:
        @pl.when(cid == (0 if CH0 > CH1 else 1))
        def _():
            lax.fori_loop(lo // UNROLL, hi // UNROLL, group(0), 0)


def _deg_body(dst3, zeros_z, ones128, degp, idx_v, ones_v, deg_sh):
    cid = lax.axis_index("c")
    sid = lax.axis_index("s")
    wid = cid * NS + sid
    pltpu.sync_copy(dst3.at[wid], idx_v)
    pltpu.sync_copy(ones128, ones_v)
    pltpu.sync_copy(zeros_z.at[pl.ds(sid * RPT, RPT)],
                    deg_sh.at[pl.ds(sid * RPT, RPT)])
    plsc.subcore_barrier()

    def body(j, carry):
        pltpu.sync_copy(ones_v, deg_sh.at[idx_v.at[j]], add=True)
        return carry

    _split_loop(cid, body)
    plsc.subcore_barrier()
    pltpu.sync_copy(deg_sh.at[pl.ds(sid * RPT, RPT)],
                    degp.at[cid, pl.ds(sid * RPT, RPT)])


_deg_call = pl.kernel(
    _deg_body,
    out_type=jax.ShapeDtypeStruct((NC, NPAD, D), jnp.float32),
    mesh=_mesh,
    scratch_types=[
        pltpu.VMEM((CHMAX, CHUNK), jnp.int32),
        pltpu.VMEM((CHUNK, D), jnp.float32),
        pltpu.VMEM_SHARED((NPAD, D), jnp.float32),
    ],
)



def _conv_body(y, src3, dst3, zeros_z, zp, src_v, dst_v, rows_v, sem, z_sh):
    cid = lax.axis_index("c")
    sid = lax.axis_index("s")
    wid = cid * NS + sid
    pltpu.sync_copy(src3.at[wid], src_v)
    pltpu.sync_copy(dst3.at[wid], dst_v)
    pltpu.sync_copy(zeros_z.at[pl.ds(sid * RPT, RPT)],
                    z_sh.at[pl.ds(sid * RPT, RPT)])
    plsc.subcore_barrier()

    def body(j, carry):
        pltpu.async_copy(y.at[src_v.at[j]], rows_v, sem).wait()
        pltpu.sync_copy(rows_v, z_sh.at[dst_v.at[j]], add=True)
        return carry

    _split_loop(cid, body)
    plsc.subcore_barrier()
    pltpu.sync_copy(z_sh.at[pl.ds(sid * RPT, RPT)],
                    zp.at[cid, pl.ds(sid * RPT, RPT)])


_conv_call = pl.kernel(
    _conv_body,
    out_type=jax.ShapeDtypeStruct((NC, NPAD, D), jnp.float32),
    mesh=_mesh,
    scratch_types=[
        pltpu.VMEM((CHMAX, CHUNK), jnp.int32),
        pltpu.VMEM((CHMAX, CHUNK), jnp.int32),
        pltpu.VMEM((CHUNK, D), jnp.float32),
        pltpu.SemaphoreType.DMA,
        pltpu.VMEM_SHARED((NPAD, D), jnp.float32),
    ],
)



BN = 2048
GRID = NPAD // BN


def _leaky(h):
    return jnp.where(h > 0, h, 0.01 * h)


def _tc1_body(x_ref, w_ref, degp_ref, y_ref, dinv_ref):
    deg = degp_ref[0, :, 0:1] + degp_ref[1, :, 0:1] + 1.0
    dinvb = jnp.broadcast_to(lax.rsqrt(deg), (BN, D))
    xw = jnp.dot(x_ref[...], w_ref[...], preferred_element_type=jnp.float32)
    y_ref[...] = xw * dinvb
    dinv_ref[...] = dinvb


_tc1_call = pl.pallas_call(
    _tc1_body,
    grid=(GRID,),
    in_specs=[
        pl.BlockSpec((BN, D), lambda i: (i, 0)),
        pl.BlockSpec((D, H), lambda i: (0, 0)),
        pl.BlockSpec((NC, BN, H), lambda i: (0, i, 0)),
    ],
    out_specs=[
        pl.BlockSpec((BN, H), lambda i: (i, 0)),
        pl.BlockSpec((BN, H), lambda i: (i, 0)),
    ],
    out_shape=[
        jax.ShapeDtypeStruct((NPAD, H), jnp.float32),
        jax.ShapeDtypeStruct((NPAD, H), jnp.float32),
    ],
)


def _tcmid_body(zp_ref, y_ref, dinv_ref, b_ref, w_ref, yn_ref):
    z = zp_ref[0] + zp_ref[1] + y_ref[...]
    h = _leaky(dinv_ref[...] * z + b_ref[...])
    yn_ref[...] = jnp.dot(h, w_ref[...],
                          preferred_element_type=jnp.float32) * dinv_ref[...]


_tcmid_call = pl.pallas_call(
    _tcmid_body,
    grid=(GRID,),
    in_specs=[
        pl.BlockSpec((NC, BN, H), lambda i: (0, i, 0)),
        pl.BlockSpec((BN, H), lambda i: (i, 0)),
        pl.BlockSpec((BN, H), lambda i: (i, 0)),
        pl.BlockSpec((1, H), lambda i: (0, 0)),
        pl.BlockSpec((H, H), lambda i: (0, 0)),
    ],
    out_specs=pl.BlockSpec((BN, H), lambda i: (i, 0)),
    out_shape=jax.ShapeDtypeStruct((NPAD, H), jnp.float32),
)


def _tcfin_body(zp_ref, y_ref, dinv_ref, b3_ref, f1w_ref, f1b_ref,
                f2w_ref, f2b_ref, f3w_ref, f3b_ref, out_ref):
    z = zp_ref[0] + zp_ref[1] + y_ref[...]
    h = _leaky(dinv_ref[...] * z + b3_ref[...])
    h = _leaky(jnp.dot(h, f1w_ref[...],
                       preferred_element_type=jnp.float32) + f1b_ref[...])
    h = _leaky(jnp.dot(h, f2w_ref[...],
                       preferred_element_type=jnp.float32) + f2b_ref[...])
    logits = jnp.dot(h, f3w_ref[...],
                     preferred_element_type=jnp.float32) + f3b_ref[...]
    m = jnp.max(logits, axis=1, keepdims=True)
    lse = jnp.log(jnp.sum(jnp.exp(logits - m), axis=1, keepdims=True)) + m
    out_ref[...] = logits - lse


_tcfin_call = pl.pallas_call(
    _tcfin_body,
    grid=(GRID,),
    in_specs=[
        pl.BlockSpec((NC, BN, H), lambda i: (0, i, 0)),
        pl.BlockSpec((BN, H), lambda i: (i, 0)),
        pl.BlockSpec((BN, H), lambda i: (i, 0)),
        pl.BlockSpec((1, H), lambda i: (0, 0)),
        pl.BlockSpec((H, H), lambda i: (0, 0)),
        pl.BlockSpec((1, H), lambda i: (0, 0)),
        pl.BlockSpec((H, H), lambda i: (0, 0)),
        pl.BlockSpec((1, H), lambda i: (0, 0)),
        pl.BlockSpec((H, 2), lambda i: (0, 0)),
        pl.BlockSpec((1, 2), lambda i: (0, 0)),
    ],
    out_specs=pl.BlockSpec((BN, 2), lambda i: (i, 0)),
    out_shape=jax.ShapeDtypeStruct((NPAD, 2), jnp.float32),
)


def kernel(x, edge_index, batch, conv1_w, conv1_b, conv2_w, conv2_b,
           conv3_w, conv3_b, fc1_w, fc1_b, fc2_w, fc2_b, fc3_w, fc3_b):
    del batch
    pad_idx = N + (jnp.arange(EPAD - E, dtype=jnp.int32) % (NPAD - N))

    def _worker_layout(e):
        flat = jnp.concatenate([e.astype(jnp.int32), pad_idx])
        cut = NS * CH0 * CHUNK
        e0 = flat[:cut].reshape(NS, CH0, CHUNK)
        e1 = flat[cut:].reshape(NS, CH1, CHUNK)
        e0 = jnp.pad(e0, ((0, 0), (0, CHMAX - CH0), (0, 0)),
                     constant_values=N)
        e1 = jnp.pad(e1, ((0, 0), (0, CHMAX - CH1), (0, 0)),
                     constant_values=N)
        return jnp.concatenate([e0, e1], axis=0)

    src = _worker_layout(edge_index[0])
    dst = _worker_layout(edge_index[1])
    xp = jnp.pad(x, ((0, NPAD - N), (0, 0)))
    zeros_z = jnp.zeros((NPAD, D), jnp.float32)
    ones128 = jnp.ones((CHUNK, D), jnp.float32)

    degp = _deg_call(dst, zeros_z, ones128)
    y1, dinv = _tc1_call(xp, conv1_w, degp)
    z1 = _conv_call(y1, src, dst, zeros_z)
    y2 = _tcmid_call(z1, y1, dinv, conv1_b.reshape(1, H), conv2_w)
    z2 = _conv_call(y2, src, dst, zeros_z)
    y3 = _tcmid_call(z2, y2, dinv, conv2_b.reshape(1, H), conv3_w)
    z3 = _conv_call(y3, src, dst, zeros_z)
    out = _tcfin_call(z3, y3, dinv, conv3_b.reshape(1, H),
                      fc1_w, fc1_b.reshape(1, H),
                      fc2_w, fc2_b.reshape(1, H),
                      fc3_w, fc3_b.reshape(1, 2))
    return out[:N]

# --- scband reference (transcript-rebuilt; emitter-appended) ---
"""Pipeline reference for scband-gcn-6957847019967 (READ-ONLY COPY).

The authoritative reference and input builder live on the scoring server;
editing this copy changes nothing except your own understanding.
"""

import jax, jax.numpy as jnp
import numpy as np

N = 10000
E = 320000
D = 128
H = 128

def gcn_conv(x, edge_index, W, b):
    xw = x @ W
    src = jnp.concatenate([edge_index[0], jnp.arange(N, dtype=edge_index.dtype)])
    dst = jnp.concatenate([edge_index[1], jnp.arange(N, dtype=edge_index.dtype)])
    deg = jnp.zeros((N,), dtype=xw.dtype).at[dst].add(1.0)
    dinv = jnp.where(deg > 0, 1.0 / jnp.sqrt(deg), 0.0)
    norm = dinv[src] * dinv[dst]
    msg = xw[src] * norm[:, None]
    out = jax.ops.segment_sum(msg, dst, num_segments=N)
    return out + b

def setup_inputs(seed: int = 0) -> dict:
    key = jax.random.key(seed)
    ks = jax.random.split(key, 16)
    inp = {}
    inp['x'] = jax.random.normal(ks[0], (N, D), dtype=jnp.float32)
    inp['edge_index'] = jax.random.randint(ks[1], (2, E), 0, N, dtype=jnp.int64 if jax.config.jax_enable_x64 else jnp.int32)
    inp['batch'] = jnp.zeros((N,), dtype=jnp.int32)
    s_in = 1.0 / np.sqrt(D)
    s_h = 1.0 / np.sqrt(H)
    inp['conv1_w'] = jax.random.uniform(ks[2], (D, H), jnp.float32, -s_in, s_in)
    inp['conv1_b'] = jnp.zeros((H,), jnp.float32)
    inp['conv2_w'] = jax.random.uniform(ks[3], (H, H), jnp.float32, -s_h, s_h)
    inp['conv2_b'] = jnp.zeros((H,), jnp.float32)
    inp['conv3_w'] = jax.random.uniform(ks[4], (H, H), jnp.float32, -s_h, s_h)
    inp['conv3_b'] = jnp.zeros((H,), jnp.float32)
    inp['fc1_w'] = jax.random.uniform(ks[5], (H, H), jnp.float32, -s_h, s_h)
    inp['fc1_b'] = jax.random.uniform(ks[6], (H,), jnp.float32, -s_h, s_h)
    inp['fc2_w'] = jax.random.uniform(ks[7], (H, H), jnp.float32, -s_h, s_h)
    inp['fc2_b'] = jax.random.uniform(ks[8], (H,), jnp.float32, -s_h, s_h)
    inp['fc3_w'] = jax.random.uniform(ks[9], (H, 2), jnp.float32, -s_h, s_h)
    inp['fc3_b'] = jax.random.uniform(ks[10], (2,), jnp.float32, -s_h, s_h)
    return inp

def reference(x, edge_index, batch, conv1_w, conv1_b, conv2_w, conv2_b, conv3_w, conv3_b, fc1_w, fc1_b, fc2_w, fc2_b, fc3_w, fc3_b):
    # dropout treated as identity (deterministic eval reference)
    h = jax.nn.leaky_relu(gcn_conv(x, edge_index, conv1_w, conv1_b), negative_slope=0.01)
    h = jax.nn.leaky_relu(gcn_conv(h, edge_index, conv2_w, conv2_b), negative_slope=0.01)
    h = jax.nn.leaky_relu(gcn_conv(h, edge_index, conv3_w, conv3_b), negative_slope=0.01)
    h = jax.nn.leaky_relu(h @ fc1_w + fc1_b, negative_slope=0.01)
    h = jax.nn.leaky_relu(h @ fc2_w + fc2_b, negative_slope=0.01)
    h = h @ fc3_w + fc3_b
    return jax.nn.log_softmax(h, axis=1)

if __name__ == "__main__":
    import jax
    _d = setup_inputs()
    print(jax.jit(kernel)(*tuple(_d.values())))

</pallas_src>

<mosaic_0001>
#map = affine_map<(d0, d1) -> (0, 0)>
#map1 = affine_map<(d0, d1) -> (0, 0, 0)>
module attributes {stable_mosaic.version = 14 : i64} {
  func.func @_conv_body(%arg0: i32, %arg1: i32, %arg2: memref<10240x128xf32, #tpu.memory_space<hbm>>, %arg3: memref<32x80x128xi32, #tpu.memory_space<hbm>>, %arg4: memref<32x80x128xi32, #tpu.memory_space<hbm>>, %arg5: memref<10240x128xf32, #tpu.memory_space<hbm>>, %arg6: memref<2x10240x128xf32, #tpu.memory_space<hbm>>, %arg7: memref<80x128xi32, #tpu.memory_space<vmem>>, %arg8: memref<80x128xi32, #tpu.memory_space<vmem>>, %arg9: memref<128x128xf32, #tpu.memory_space<vmem>>, %arg10: memref<!tpu.dma_semaphore, #tpu.memory_space<semaphore_mem>>, %arg11: memref<10240x128xf32, #tpu.memory_space<vmem_shared>>) attributes {dimension_semantics = [#tpu.dimension_semantics<core_parallel>, #tpu.dimension_semantics<subcore_parallel>], iteration_bounds = array<i64: 2, 16>, scalar_prefetch = 0 : i64, scratch_operands = 5 : i64, tpu.core_type = #tpu.core_type<sc_vector_subcore>, window_params = [{transform_indices = #map}, {transform_indices = #map1}, {transform_indices = #map1}, {transform_indices = #map}, {transform_indices = #map1}]} {
    %mul3A = arith.constant 16 : i32
    %mul3A_0 = arith.muli %arg0, %mul3A : i32
    %add3A = arith.addi %mul3A_0, %arg1 : i32
    "tpu.region"() ({
      %run_scoped3A = tpu.sem_alloc : memref<!tpu.dma_semaphore, #tpu.memory_space<semaphore_mem>>
      %dma_start3A = arith.constant 0 : i32
      %dma_start3A_15 = arith.constant 0 : i32
      %dma_start3A_16 = tpu.memref_slice %arg3[%add3A, %dma_start3A, %dma_start3A_15] : memref<32x80x128xi32, #tpu.memory_space<hbm>> -> memref<1x80x128xi32, #tpu.memory_space<hbm>>
      %dma_start3A_17 = tpu.memref_squeeze %dma_start3A_16 : memref<1x80x128xi32, #tpu.memory_space<hbm>> -> memref<80x128xi32, #tpu.memory_space<hbm>>
      %dma_start3A_18 = arith.constant 0 : i32
      %dma_start3A_19 = arith.constant 0 : i32
      %dma_start3A_20 = tpu.memref_slice %arg3[%add3A, %dma_start3A_18, %dma_start3A_19] : memref<32x80x128xi32, #tpu.memory_space<hbm>> -> memref<1x80x128xi32, #tpu.memory_space<hbm>>
      %dma_start3A_21 = tpu.memref_squeeze %dma_start3A_20 : memref<1x80x128xi32, #tpu.memory_space<hbm>> -> memref<80x128xi32, #tpu.memory_space<hbm>>
      tpu.enqueue_dma source(%dma_start3A_21 : memref<80x128xi32, #tpu.memory_space<hbm>>) target(%arg7 : memref<80x128xi32, #tpu.memory_space<vmem>>) target_semaphore(%run_scoped3A : memref<!tpu.dma_semaphore, #tpu.memory_space<semaphore_mem>>)
      %dma_wait3A = arith.constant 0 : i32
      %dma_wait3A_22 = arith.constant 0 : i32
      %dma_wait3A_23 = tpu.memref_slice %arg3[%add3A, %dma_wait3A, %dma_wait3A_22] : memref<32x80x128xi32, #tpu.memory_space<hbm>> -> memref<1x80x128xi32, #tpu.memory_space<hbm>>
      %dma_wait3A_24 = tpu.memref_squeeze %dma_wait3A_23 : memref<1x80x128xi32, #tpu.memory_space<hbm>> -> memref<80x128xi32, #tpu.memory_space<hbm>>
      %dma_wait3A_25 = arith.constant 0 : i32
      %dma_wait3A_26 = arith.constant 0 : i32
      %dma_wait3A_27 = tpu.memref_slice %arg3[%add3A, %dma_wait3A_25, %dma_wait3A_26] : memref<32x80x128xi32, #tpu.memory_space<hbm>> -> memref<1x80x128xi32, #tpu.memory_space<hbm>>
      %dma_wait3A_28 = tpu.memref_squeeze %dma_wait3A_27 : memref<1x80x128xi32, #tpu.memory_space<hbm>> -> memref<80x128xi32, #tpu.memory_space<hbm>>
      tpu.wait_dma2 semaphore(%run_scoped3A : memref<!tpu.dma_semaphore, #tpu.memory_space<semaphore_mem>>) src(%dma_wait3A_28 : memref<80x128xi32, #tpu.memory_space<hbm>>) dst(%arg7 : memref<80x128xi32, #tpu.memory_space<vmem>>)
      tpu.yield
    }) : () -> ()
    "tpu.region"() ({
      %run_scoped3A = tpu.sem_alloc : memref<!tpu.dma_semaphore, #tpu.memory_space<semaphore_mem>>
      %dma_start3A = arith.constant 0 : i32
      %dma_start3A_15 = arith.constant 0 : i32
      %dma_start3A_16 = tpu.memref_slice %arg4[%add3A, %dma_start3A, %dma_start3A_15] : memref<32x80x128xi32, #tpu.memory_space<hbm>> -> memref<1x80x128xi32, #tpu.memory_space<hbm>>
      %dma_start3A_17 = tpu.memref_squeeze %dma_start3A_16 : memref<1x80x128xi32, #tpu.memory_space<hbm>> -> memref<80x128xi32, #tpu.memory_space<hbm>>
      %dma_start3A_18 = arith.constant 0 : i32
      %dma_start3A_19 = arith.constant 0 : i32
      %dma_start3A_20 = tpu.memref_slice %arg4[%add3A, %dma_start3A_18, %dma_start3A_19] : memref<32x80x128xi32, #tpu.memory_space<hbm>> -> memref<1x80x128xi32, #tpu.memory_space<hbm>>
      %dma_start3A_21 = tpu.memref_squeeze %dma_start3A_20 : memref<1x80x128xi32, #tpu.memory_space<hbm>> -> memref<80x128xi32, #tpu.memory_space<hbm>>
      tpu.enqueue_dma source(%dma_start3A_21 : memref<80x128xi32, #tpu.memory_space<hbm>>) target(%arg8 : memref<80x128xi32, #tpu.memory_space<vmem>>) target_semaphore(%run_scoped3A : memref<!tpu.dma_semaphore, #tpu.memory_space<semaphore_mem>>)
      %dma_wait3A = arith.constant 0 : i32
      %dma_wait3A_22 = arith.constant 0 : i32
      %dma_wait3A_23 = tpu.memref_slice %arg4[%add3A, %dma_wait3A, %dma_wait3A_22] : memref<32x80x128xi32, #tpu.memory_space<hbm>> -> memref<1x80x128xi32, #tpu.memory_space<hbm>>
      %dma_wait3A_24 = tpu.memref_squeeze %dma_wait3A_23 : memref<1x80x128xi32, #tpu.memory_space<hbm>> -> memref<80x128xi32, #tpu.memory_space<hbm>>
      %dma_wait3A_25 = arith.constant 0 : i32
      %dma_wait3A_26 = arith.constant 0 : i32
      %dma_wait3A_27 = tpu.memref_slice %arg4[%add3A, %dma_wait3A_25, %dma_wait3A_26] : memref<32x80x128xi32, #tpu.memory_space<hbm>> -> memref<1x80x128xi32, #tpu.memory_space<hbm>>
      %dma_wait3A_28 = tpu.memref_squeeze %dma_wait3A_27 : memref<1x80x128xi32, #tpu.memory_space<hbm>> -> memref<80x128xi32, #tpu.memory_space<hbm>>
      tpu.wait_dma2 semaphore(%run_scoped3A : memref<!tpu.dma_semaphore, #tpu.memory_space<semaphore_mem>>) src(%dma_wait3A_28 : memref<80x128xi32, #tpu.memory_space<hbm>>) dst(%arg8 : memref<80x128xi32, #tpu.memory_space<vmem>>)
      tpu.yield
    }) : () -> ()
    %mul3A_1 = arith.constant 640 : i32
    %mul3A_2 = arith.muli %arg1, %mul3A_1 : i32
    %mul3A_3 = arith.constant 640 : i32
    %mul3A_4 = arith.muli %arg1, %mul3A_3 : i32
    "tpu.region"() ({
      %run_scoped3A = tpu.sem_alloc : memref<!tpu.dma_semaphore, #tpu.memory_space<semaphore_mem>>
      %dma_start3A = arith.constant 0 : i32
      %dma_start3A_15 = tpu.memref_slice %arg11[%mul3A_4, %dma_start3A] : memref<10240x128xf32, #tpu.memory_space<vmem_shared>> -> memref<640x128xf32, #tpu.memory_space<vmem_shared>>
      %dma_start3A_16 = arith.constant 0 : i32
      %dma_start3A_17 = tpu.memref_slice %arg5[%mul3A_2, %dma_start3A_16] : memref<10240x128xf32, #tpu.memory_space<hbm>> -> memref<640x128xf32, #tpu.memory_space<hbm>>
      tpu.enqueue_dma source(%dma_start3A_17 : memref<640x128xf32, #tpu.memory_space<hbm>>) target(%dma_start3A_15 : memref<640x128xf32, #tpu.memory_space<vmem_shared>>) target_semaphore(%run_scoped3A : memref<!tpu.dma_semaphore, #tpu.memory_space<semaphore_mem>>)
      %dma_wait3A = arith.constant 0 : i32
      %dma_wait3A_18 = tpu.memref_slice %arg11[%mul3A_4, %dma_wait3A] : memref<10240x128xf32, #tpu.memory_space<vmem_shared>> -> memref<640x128xf32, #tpu.memory_space<vmem_shared>>
      %dma_wait3A_19 = arith.constant 0 : i32
      %dma_wait3A_20 = tpu.memref_slice %arg5[%mul3A_2, %dma_wait3A_19] : memref<10240x128xf32, #tpu.memory_space<hbm>> -> memref<640x128xf32, #tpu.memory_space<hbm>>
      tpu.wait_dma2 semaphore(%run_scoped3A : memref<!tpu.dma_semaphore, #tpu.memory_space<semaphore_mem>>) src(%dma_wait3A_20 : memref<640x128xf32, #tpu.memory_space<hbm>>) dst(%dma_wait3A_18 : memref<640x128xf32, #tpu.memory_space<vmem_shared>>)
      tpu.yield
    }) : () -> ()
    %barrier3A = arith.constant 0 : index
    tpu.barrier barrier_id(%barrier3A)
    %scan3A = arith.constant 0 : i32
    %scan3A_5 = arith.constant 0 : i32
    %scan3A_6 = arith.constant 10 : i32
    %scan3A_7 = arith.addi %scan3A_5, %scan3A_6 : i32
    %scan3A_8 = arith.constant 1 : i32
    scf.for %scan3A_15 = %scan3A_5 to %scan3A_7 step %scan3A_8  : i32 {
      %mul3A_16 = arith.constant 8 : i32
      %mul3A_17 = arith.muli %scan3A_15, %mul3A_16 : i32
      %add3A_18 = arith.constant 0 : i32
      %add3A_19 = arith.addi %mul3A_17, %add3A_18 : i32
      %dma_start3A = arith.constant 0 : i32
      %dma_start3A_20 = tpu.memref_slice %arg7[%add3A_19, %dma_start3A] : memref<80x128xi32, #tpu.memory_space<vmem>> -> memref<1x128xi32, #tpu.memory_space<vmem>>
      %dma_start3A_21 = tpu.memref_squeeze %dma_start3A_20 : memref<1x128xi32, #tpu.memory_space<vmem>> -> memref<128xi32, #tpu.memory_space<vmem>>
      %dma_start3A_22 = arith.constant 0 : i32
      %dma_start3A_23 = arith.constant 0 : i32
      %dma_start3A_24 = tpu.memref_slice %arg2[%dma_start3A_22, %dma_start3A_23] : memref<10240x128xf32, #tpu.memory_space<hbm>> -> memref<10240x128xf32, #tpu.memory_space<hbm>>
      tpu.enqueue_indirect_dma source(%dma_start3A_24 : memref<10240x128xf32, #tpu.memory_space<hbm>>) target(%arg9 : memref<128x128xf32, #tpu.memory_space<vmem>>) offsets(%dma_start3A_21 : memref<128xi32, #tpu.memory_space<vmem>>) semaphore(%arg10 : memref<!tpu.dma_semaphore, #tpu.memory_space<semaphore_mem>>)
      %dma_wait3A = arith.constant 0 : i32
      %dma_wait3A_25 = tpu.memref_slice %arg7[%add3A_19, %dma_wait3A] : memref<80x128xi32, #tpu.memory_space<vmem>> -> memref<1x128xi32, #tpu.memory_space<vmem>>
      %dma_wait3A_26 = tpu.memref_squeeze %dma_wait3A_25 : memref<1x128xi32, #tpu.memory_space<vmem>> -> memref<128xi32, #tpu.memory_space<vmem>>
      %dma_wait3A_27 = arith.constant 0 : i32
      %dma_wait3A_28 = arith.constant 0 : i32
      %dma_wait3A_29 = tpu.memref_slice %arg2[%dma_wait3A_27, %dma_wait3A_28] : memref<10240x128xf32, #tpu.memory_space<hbm>> -> memref<10240x128xf32, #tpu.memory_space<hbm>>
      tpu.wait_indirect_dma semaphore(%arg10 : memref<!tpu.dma_semaphore, #tpu.memory_space<semaphore_mem>>) src(%dma_wait3A_29 : memref<10240x128xf32, #tpu.memory_space<hbm>>) dst(%arg9 : memref<128x128xf32, #tpu.memory_space<vmem>>)
      "tpu.region"() ({
        %run_scoped3A = tpu.sem_alloc : memref<!tpu.dma_semaphore, #tpu.memory_space<semaphore_mem>>
        %dma_start3A_142 = arith.constant 0 : i32
        %dma_start3A_143 = tpu.memref_slice %arg8[%add3A_19, %dma_start3A_142] : memref<80x128xi32, #tpu.memory_space<vmem>> -> memref<1x128xi32, #tpu.memory_space<vmem>>
        %dma_start3A_144 = tpu.memref_squeeze %dma_start3A_143 : memref<1x128xi32, #tpu.memory_space<vmem>> -> memref<128xi32, #tpu.memory_space<vmem>>
        %dma_start3A_145 = arith.constant 0 : i32
        %dma_start3A_146 = arith.constant 0 : i32
        %dma_start3A_147 = tpu.memref_slice %arg11[%dma_start3A_145, %dma_start3A_146] : memref<10240x128xf32, #tpu.memory_space<vmem_shared>> -> memref<10240x128xf32, #tpu.memory_space<vmem_shared>>
        tpu.enqueue_indirect_dma source(%arg9 : memref<128x128xf32, #tpu.memory_space<vmem>>) target(%dma_start3A_147 : memref<10240x128xf32, #tpu.memory_space<vmem_shared>>) offsets(%dma_start3A_144 : memref<128xi32, #tpu.memory_space<vmem>>) semaphore(%run_scoped3A : memref<!tpu.dma_semaphore, #tpu.memory_space<semaphore_mem>>) {add = true}
        %dma_wait3A_148 = arith.constant 0 : i32
        %dma_wait3A_149 = tpu.memref_slice %arg8[%add3A_19, %dma_wait3A_148] : memref<80x128xi32, #tpu.memory_space<vmem>> -> memref<1x128xi32, #tpu.memory_space<vmem>>
        %dma_wait3A_150 = tpu.memref_squeeze %dma_wait3A_149 : memref<1x128xi32, #tpu.memory_space<vmem>> -> memref<128xi32, #tpu.memory_space<vmem>>
        %dma_wait3A_151 = arith.constant 0 : i32
        %dma_wait3A_152 = arith.constant 0 : i32
        %dma_wait3A_153 = tpu.memref_slice %arg11[%dma_wait3A_151, %dma_wait3A_152] : memref<10240x128xf32, #tpu.memory_space<vmem_shared>> -> memref<10240x128xf32, #tpu.memory_space<vmem_shared>>
        tpu.wait_indirect_dma semaphore(%run_scoped3A : memref<!tpu.dma_semaphore, #tpu.memory_space<semaphore_mem>>) src(%arg9 : memref<128x128xf32, #tpu.memory_space<vmem>>) dst(%dma_wait3A_153 : memref<10240x128xf32, #tpu.memory_space<vmem_shared>>)
        tpu.yield
      }) : () -> ()
      %mul3A_30 = arith.constant 8 : i32
      %mul3A_31 = arith.muli %scan3A_15, %mul3A_30 : i32
      %add3A_32 = arith.constant 1 : i32
      %add3A_33 = arith.addi %mul3A_31, %add3A_32 : i32
      %dma_start3A_34 = arith.constant 0 : i32
      %dma_start3A_35 = tpu.memref_slice %arg7[%add3A_33, %dma_start3A_34] : memref<80x128xi32, #tpu.memory_space<vmem>> -> memref<1x128xi32, #tpu.memory_space<vmem>>
      %dma_start3A_36 = tpu.memref_squeeze %dma_start3A_35 : memref<1x128xi32, #tpu.memory_space<vmem>> -> memref<128xi32, #tpu.memory_space<vmem>>
      %dma_start3A_37 = arith.constant 0 : i32
      %dma_start3A_38 = arith.constant 0 : i32
      %dma_start3A_39 = tpu.memref_slice %arg2[%dma_start3A_37, %dma_start3A_38] : memref<10240x128xf32, #tpu.memory_space<hbm>> -> memref<10240x128xf32, #tpu.memory_space<hbm>>
      tpu.enqueue_indirect_dma source(%dma_start3A_39 : memref<10240x128xf32, #tpu.memory_space<hbm>>) target(%arg9 : memref<128x128xf32, #tpu.memory_space<vmem>>) offsets(%dma_start3A_36 : memref<128xi32, #tpu.memory_space<vmem>>) semaphore(%arg10 : memref<!tpu.dma_semaphore, #tpu.memory_space<semaphore_mem>>)
      %dma_wait3A_40 = arith.constant 0 : i32
      %dma_wait3A_41 = tpu.memref_slice %arg7[%add3A_33, %dma_wait3A_40] : memref<80x128xi32, #tpu.memory_space<vmem>> -> memref<1x128xi32, #tpu.memory_space<vmem>>
      %dma_wait3A_42 = tpu.memref_squeeze %dma_wait3A_41 : memref<1x128xi32, #tpu.memory_space<vmem>> -> memref<128xi32, #tpu.memory_space<vmem>>
      %dma_wait3A_43 = arith.constant 0 : i32
      %dma_wait3A_44 = arith.constant 0 : i32
      %dma_wait3A_45 = tpu.memref_slice %arg2[%dma_wait3A_43, %dma_wait3A_44] : memref<10240x128xf32, #tpu.memory_space<hbm>> -> memref<10240x128xf32, #tpu.memory_space<hbm>>
      tpu.wait_indirect_dma semaphore(%arg10 : memref<!tpu.dma_semaphore, #tpu.memory_space<semaphore_mem>>) src(%dma_wait3A_45 : memref<10240x128xf32, #tpu.memory_space<hbm>>) dst(%arg9 : memref<128x128xf32, #tpu.memory_space<vmem>>)
      "tpu.region"() ({
        %run_scoped3A = tpu.sem_alloc : memref<!tpu.dma_semaphore, #tpu.memory_space<semaphore_mem>>
        %dma_start3A_142 = arith.constant 0 : i32
        %dma_start3A_143 = tpu.memref_slice %arg8[%add3A_33, %dma_start3A_142] : memref<80x128xi32, #tpu.memory_space<vmem>> -> memref<1x128xi32, #tpu.memory_space<vmem>>
        %dma_start3A_144 = tpu.memref_squeeze %dma_start3A_143 : memref<1x128xi32, #tpu.memory_space<vmem>> -> memref<128xi32, #tpu.memory_space<vmem>>
        %dma_start3A_145 = arith.constant 0 : i32
        %dma_start3A_146 = arith.constant 0 : i32
        %dma_start3A_147 = tpu.memref_slice %arg11[%dma_start3A_145, %dma_start3A_146] : memref<10240x128xf32, #tpu.memory_space<vmem_shared>> -> memref<10240x128xf32, #tpu.memory_space<vmem_shared>>
        tpu.enqueue_indirect_dma source(%arg9 : memref<128x128xf32, #tpu.memory_space<vmem>>) target(%dma_start3A_147 : memref<10240x128xf32, #tpu.memory_space<vmem_shared>>) offsets(%dma_start3A_144 : memref<128xi32, #tpu.memory_space<vmem>>) semaphore(%run_scoped3A : memref<!tpu.dma_semaphore, #tpu.memory_space<semaphore_mem>>) {add = true}
        %dma_wait3A_148 = arith.constant 0 : i32
        %dma_wait3A_149 = tpu.memref_slice %arg8[%add3A_33, %dma_wait3A_148] : memref<80x128xi32, #tpu.memory_space<vmem>> -> memref<1x128xi32, #tpu.memory_space<vmem>>
        %dma_wait3A_150 = tpu.memref_squeeze %dma_wait3A_149 : memref<1x128xi32, #tpu.memory_space<vmem>> -> memref<128xi32, #tpu.memory_space<vmem>>
        %dma_wait3A_151 = arith.constant 0 : i32
        %dma_wait3A_152 = arith.constant 0 : i32
        %dma_wait3A_153 = tpu.memref_slice %arg11[%dma_wait3A_151, %dma_wait3A_152] : memref<10240x128xf32, #tpu.memory_space<vmem_shared>> -> memref<10240x128xf32, #tpu.memory_space<vmem_shared>>
        tpu.wait_indirect_dma semaphore(%run_scoped3A : memref<!tpu.dma_semaphore, #tpu.memory_space<semaphore_mem>>) src(%arg9 : memref<128x128xf32, #tpu.memory_space<vmem>>) dst(%dma_wait3A_153 : memref<10240x128xf32, #tpu.memory_space<vmem_shared>>)
        tpu.yield
      }) : () -> ()
      %mul3A_46 = arith.constant 8 : i32
      %mul3A_47 = arith.muli %scan3A_15, %mul3A_46 : i32
      %add3A_48 = arith.constant 2 : i32
      %add3A_49 = arith.addi %mul3A_47, %add3A_48 : i32
      %dma_start3A_50 = arith.constant 0 : i32
      %dma_start3A_51 = tpu.memref_slice %arg7[%add3A_49, %dma_start3A_50] : memref<80x128xi32, #tpu.memory_space<vmem>> -> memref<1x128xi32, #tpu.memory_space<vmem>>
      %dma_start3A_52 = tpu.memref_squeeze %dma_start3A_51 : memref<1x128xi32, #tpu.memory_space<vmem>> -> memref<128xi32, #tpu.memory_space<vmem>>
      %dma_start3A_53 = arith.constant 0 : i32
      %dma_start3A_54 = arith.constant 0 : i32
      %dma_start3A_55 = tpu.memref_slice %arg2[%dma_start3A_53, %dma_start3A_54] : memref<10240x128xf32, #tpu.memory_space<hbm>> -> memref<10240x128xf32, #tpu.memory_space<hbm>>
      tpu.enqueue_indirect_dma source(%dma_start3A_55 : memref<10240x128xf32, #tpu.memory_space<hbm>>) target(%arg9 : memref<128x128xf32, #tpu.memory_space<vmem>>) offsets(%dma_start3A_52 : memref<128xi32, #tpu.memory_space<vmem>>) semaphore(%arg10 : memref<!tpu.dma_semaphore, #tpu.memory_space<semaphore_mem>>)
      %dma_wait3A_56 = arith.constant 0 : i32
      %dma_wait3A_57 = tpu.memref_slice %arg7[%add3A_49, %dma_wait3A_56] : memref<80x128xi32, #tpu.memory_space<vmem>> -> memref<1x128xi32, #tpu.memory_space<vmem>>
      %dma_wait3A_58 = tpu.memref_squeeze %dma_wait3A_57 : memref<1x128xi32, #tpu.memory_space<vmem>> -> memref<128xi32, #tpu.memory_space<vmem>>
      %dma_wait3A_59 = arith.constant 0 : i32
      %dma_wait3A_60 = arith.constant 0 : i32
      %dma_wait3A_61 = tpu.memref_slice %arg2[%dma_wait3A_59, %dma_wait3A_60] : memref<10240x128xf32, #tpu.memory_space<hbm>> -> memref<10240x128xf32, #tpu.memory_space<hbm>>
      tpu.wait_indirect_dma semaphore(%arg10 : memref<!tpu.dma_semaphore, #tpu.memory_space<semaphore_mem>>) src(%dma_wait3A_61 : memref<10240x128xf32, #tpu.memory_space<hbm>>) dst(%arg9 : memref<128x128xf32, #tpu.memory_space<vmem>>)
      "tpu.region"() ({
        %run_scoped3A = tpu.sem_alloc : memref<!tpu.dma_semaphore, #tpu.memory_space<semaphore_mem>>
        %dma_start3A_142 = arith.constant 0 : i32
        %dma_start3A_143 = tpu.memref_slice %arg8[%add3A_49, %dma_start3A_142] : memref<80x128xi32, #tpu.memory_space<vmem>> -> memref<1x128xi32, #tpu.memory_space<vmem>>
        %dma_start3A_144 = tpu.memref_squeeze %dma_start3A_143 : memref<1x128xi32, #tpu.memory_space<vmem>> -> memref<128xi32, #tpu.memory_space<vmem>>
        %dma_start3A_145 = arith.constant 0 : i32
        %dma_start3A_146 = arith.constant 0 : i32
        %dma_start3A_147 = tpu.memref_slice %arg11[%dma_start3A_145, %dma_start3A_146] : memref<10240x128xf32, #tpu.memory_space<vmem_shared>> -> memref<10240x128xf32, #tpu.memory_space<vmem_shared>>
        tpu.enqueue_indirect_dma source(%arg9 : memref<128x128xf32, #tpu.memory_space<vmem>>) target(%dma_start3A_147 : memref<10240x128xf32, #tpu.memory_space<vmem_shared>>) offsets(%dma_start3A_144 : memref<128xi32, #tpu.memory_space<vmem>>) semaphore(%run_scoped3A : memref<!tpu.dma_semaphore, #tpu.memory_space<semaphore_mem>>) {add = true}
        %dma_wait3A_148 = arith.constant 0 : i32
        %dma_wait3A_149 = tpu.memref_slice %arg8[%add3A_49, %dma_wait3A_148] : memref<80x128xi32, #tpu.memory_space<vmem>> -> memref<1x128xi32, #tpu.memory_space<vmem>>
        %dma_wait3A_150 = tpu.memref_squeeze %dma_wait3A_149 : memref<1x128xi32, #tpu.memory_space<vmem>> -> memref<128xi32, #tpu.memory_space<vmem>>
        %dma_wait3A_151 = arith.constant 0 : i32
        %dma_wait3A_152 = arith.constant 0 : i32
        %dma_wait3A_153 = tpu.memref_slice %arg11[%dma_wait3A_151, %dma_wait3A_152] : memref<10240x128xf32, #tpu.memory_space<vmem_shared>> -> memref<10240x128xf32, #tpu.memory_space<vmem_shared>>
        tpu.wait_indirect_dma semaphore(%run_scoped3A : memref<!tpu.dma_semaphore, #tpu.memory_space<semaphore_mem>>) src(%arg9 : memref<128x128xf32, #tpu.memory_space<vmem>>) dst(%dma_wait3A_153 : memref<10240x128xf32, #tpu.memory_space<vmem_shared>>)
        tpu.yield
      }) : () -> ()
      %mul3A_62 = arith.constant 8 : i32
      %mul3A_63 = arith.muli %scan3A_15, %mul3A_62 : i32
      %add3A_64 = arith.constant 3 : i32
      %add3A_65 = arith.addi %mul3A_63, %add3A_64 : i32
      %dma_start3A_66 = arith.constant 0 : i32
      %dma_start3A_67 = tpu.memref_slice %arg7[%add3A_65, %dma_start3A_66] : memref<80x128xi32, #tpu.memory_space<vmem>> -> memref<1x128xi32, #tpu.memory_space<vmem>>
      %dma_start3A_68 = tpu.memref_squeeze %dma_start3A_67 : memref<1x128xi32, #tpu.memory_space<vmem>> -> memref<128xi32, #tpu.memory_space<vmem>>
      %dma_start3A_69 = arith.constant 0 : i32
      %dma_start3A_70 = arith.constant 0 : i32
      %dma_start3A_71 = tpu.memref_slice %arg2[%dma_start3A_69, %dma_start3A_70] : memref<10240x128xf32, #tpu.memory_space<hbm>> -> memref<10240x128xf32, #tpu.memory_space<hbm>>
      tpu.enqueue_indirect_dma source(%dma_start3A_71 : memref<10240x128xf32, #tpu.memory_space<hbm>>) target(%arg9 : memref<128x128xf32, #tpu.memory_space<vmem>>) offsets(%dma_start3A_68 : memref<128xi32, #tpu.memory_space<vmem>>) semaphore(%arg10 : memref<!tpu.dma_semaphore, #tpu.memory_space<semaphore_mem>>)
      %dma_wait3A_72 = arith.constant 0 : i32
      %dma_wait3A_73 = tpu.memref_slice %arg7[%add3A_65, %dma_wait3A_72] : memref<80x128xi32, #tpu.memory_space<vmem>> -> memref<1x128xi32, #tpu.memory_space<vmem>>
      %dma_wait3A_74 = tpu.memref_squeeze %dma_wait3A_73 : memref<1x128xi32, #tpu.memory_space<vmem>> -> memref<128xi32, #tpu.memory_space<vmem>>
      %dma_wait3A_75 = arith.constant 0 : i32
      %dma_wait3A_76 = arith.constant 0 : i32
      %dma_wait3A_77 = tpu.memref_slice %arg2[%dma_wait3A_75, %dma_wait3A_76] : memref<10240x128xf32, #tpu.memory_space<hbm>> -> memref<10240x128xf32, #tpu.memory_space<hbm>>
      tpu.wait_indirect_dma semaphore(%arg10 : memref<!tpu.dma_semaphore, #tpu.memory_space<semaphore_mem>>) src(%dma_wait3A_77 : memref<10240x128xf32, #tpu.memory_space<hbm>>) dst(%arg9 : memref<128x128xf32, #tpu.memory_space<vmem>>)
      "tpu.region"() ({
        %run_scoped3A = tpu.sem_alloc : memref<!tpu.dma_semaphore, #tpu.memory_space<semaphore_mem>>
        %dma_start3A_142 = arith.constant 0 : i32
        %dma_start3A_143 = tpu.memref_slice %arg8[%add3A_65, %dma_start3A_142] : memref<80x128xi32, #tpu.memory_space<vmem>> -> memref<1x128xi32, #tpu.memory_space<vmem>>
        %dma_start3A_144 = tpu.memref_squeeze %dma_start3A_143 : memref<1x128xi32, #tpu.memory_space<vmem>> -> memref<128xi32, #tpu.memory_space<vmem>>
        %dma_start3A_145 = arith.constant 0 : i32
        %dma_start3A_146 = arith.constant 0 : i32
        %dma_start3A_147 = tpu.memref_slice %arg11[%dma_start3A_145, %dma_start3A_146] : memref<10240x128xf32, #tpu.memory_space<vmem_shared>> -> memref<10240x128xf32, #tpu.memory_space<vmem_shared>>
        tpu.enqueue_indirect_dma source(%arg9 : memref<128x128xf32, #tpu.memory_space<vmem>>) target(%dma_start3A_147 : memref<10240x128xf32, #tpu.memory_space<vmem_shared>>) offsets(%dma_start3A_144 : memref<128xi32, #tpu.memory_space<vmem>>) semaphore(%run_scoped3A : memref<!tpu.dma_semaphore, #tpu.memory_space<semaphore_mem>>) {add = true}
        %dma_wait3A_148 = arith.constant 0 : i32
        %dma_wait3A_149 = tpu.memref_slice %arg8[%add3A_65, %dma_wait3A_148] : memref<80x128xi32, #tpu.memory_space<vmem>> -> memref<1x128xi32, #tpu.memory_space<vmem>>
        %dma_wait3A_150 = tpu.memref_squeeze %dma_wait3A_149 : memref<1x128xi32, #tpu.memory_space<vmem>> -> memref<128xi32, #tpu.memory_space<vmem>>
        %dma_wait3A_151 = arith.constant 0 : i32
        %dma_wait3A_152 = arith.constant 0 : i32
        %dma_wait3A_153 = tpu.memref_slice %arg11[%dma_wait3A_151, %dma_wait3A_152] : memref<10240x128xf32, #tpu.memory_space<vmem_shared>> -> memref<10240x128xf32, #tpu.memory_space<vmem_shared>>
        tpu.wait_indirect_dma semaphore(%run_scoped3A : memref<!tpu.dma_semaphore, #tpu.memory_space<semaphore_mem>>) src(%arg9 : memref<128x128xf32, #tpu.memory_space<vmem>>) dst(%dma_wait3A_153 : memref<10240x128xf32, #tpu.memory_space<vmem_shared>>)
        tpu.yield
      }) : () -> ()
      %mul3A_78 = arith.constant 8 : i32
      %mul3A_79 = arith.muli %scan3A_15, %mul3A_78 : i32
      %add3A_80 = arith.constant 4 : i32
      %add3A_81 = arith.addi %mul3A_79, %add3A_80 : i32
      %dma_start3A_82 = arith.constant 0 : i32
      %dma_start3A_83 = tpu.memref_slice %arg7[%add3A_81, %dma_start3A_82] : memref<80x128xi32, #tpu.memory_space<vmem>> -> memref<1x128xi32, #tpu.memory_space<vmem>>
      %dma_start3A_84 = tpu.memref_squeeze %dma_start3A_83 : memref<1x128xi32, #tpu.memory_space<vmem>> -> memref<128xi32, #tpu.memory_space<vmem>>
      %dma_start3A_85 = arith.constant 0 : i32
      %dma_start3A_86 = arith.constant 0 : i32
      %dma_start3A_87 = tpu.memref_slice %arg2[%dma_start3A_85, %dma_start3A_86] : memref<10240x128xf32, #tpu.memory_space<hbm>> -> memref<10240x128xf32, #tpu.memory_space<hbm>>
      tpu.enqueue_indirect_dma source(%dma_start3A_87 : memref<10240x128xf32, #tpu.memory_space<hbm>>) target(%arg9 : memref<128x128xf32, #tpu.memory_space<vmem>>) offsets(%dma_start3A_84 : memref<128xi32, #tpu.memory_space<vmem>>) semaphore(%arg10 : memref<!tpu.dma_semaphore, #tpu.memory_space<semaphore_mem>>)
      %dma_wait3A_88 = arith.constant 0 : i32
      %dma_wait3A_89 = tpu.memref_slice %arg7[%add3A_81, %dma_wait3A_88] : memref<80x128xi32, #tpu.memory_space<vmem>> -> memref<1x128xi32, #tpu.memory_space<vmem>>
      %dma_wait3A_90 = tpu.memref_squeeze %dma_wait3A_89 : memref<1x128xi32, #tpu.memory_space<vmem>> -> memref<128xi32, #tpu.memory_space<vmem>>
      %dma_wait3A_91 = arith.constant 0 : i32
      %dma_wait3A_92 = arith.constant 0 : i32
      %dma_wait3A_93 = tpu.memref_slice %arg2[%dma_wait3A_91, %dma_wait3A_92] : memref<10240x128xf32, #tpu.memory_space<hbm>> -> memref<10240x128xf32, #tpu.memory_space<hbm>>
      tpu.wait_indirect_dma semaphore(%arg10 : memref<!tpu.dma_semaphore, #tpu.memory_space<semaphore_mem>>) src(%dma_wait3A_93 : memref<10240x128xf32, #tpu.memory_space<hbm>>) dst(%arg9 : memref<128x128xf32, #tpu.memory_space<vmem>>)
      "tpu.region"() ({
        %run_scoped3A = tpu.sem_alloc : memref<!tpu.dma_semaphore, #tpu.memory_space<semaphore_mem>>
        %dma_start3A_142 = arith.constant 0 : i32
        %dma_start3A_143 = tpu.memref_slice %arg8[%add3A_81, %dma_start3A_142] : memref<80x128xi32, #tpu.memory_space<vmem>> -> memref<1x128xi32, #tpu.memory_space<vmem>>
        %dma_start3A_144 = tpu.memref_squeeze %dma_start3A_143 : memref<1x128xi32, #tpu.memory_space<vmem>> -> memref<128xi32, #tpu.memory_space<vmem>>
        %dma_start3A_145 = arith.constant 0 : i32
        %dma_start3A_146 = arith.constant 0 : i32
        %dma_start3A_147 = tpu.memref_slice %arg11[%dma_start3A_145, %dma_start3A_146] : memref<10240x128xf32, #tpu.memory_space<vmem_shared>> -> memref<10240x128xf32, #tpu.memory_space<vmem_shared>>
        tpu.enqueue_indirect_dma source(%arg9 : memref<128x128xf32, #tpu.memory_space<vmem>>) target(%dma_start3A_147 : memref<10240x128xf32, #tpu.memory_space<vmem_shared>>) offsets(%dma_start3A_144 : memref<128xi32, #tpu.memory_space<vmem>>) semaphore(%run_scoped3A : memref<!tpu.dma_semaphore, #tpu.memory_space<semaphore_mem>>) {add = true}
        %dma_wait3A_148 = arith.constant 0 : i32
        %dma_wait3A_149 = tpu.memref_slice %arg8[%add3A_81, %dma_wait3A_148] : memref<80x128xi32, #tpu.memory_space<vmem>> -> memref<1x128xi32, #tpu.memory_space<vmem>>
        %dma_wait3A_150 = tpu.memref_squeeze %dma_wait3A_149 : memref<1x128xi32, #tpu.memory_space<vmem>> -> memref<128xi32, #tpu.memory_space<vmem>>
        %dma_wait3A_151 = arith.constant 0 : i32
        %dma_wait3A_152 = arith.constant 0 : i32
        %dma_wait3A_153 = tpu.memref_slice %arg11[%dma_wait3A_151, %dma_wait3A_152] : memref<10240x128xf32, #tpu.memory_space<vmem_shared>> -> memref<10240x128xf32, #tpu.memory_space<vmem_shared>>
        tpu.wait_indirect_dma semaphore(%run_scoped3A : memref<!tpu.dma_semaphore, #tpu.memory_space<semaphore_mem>>) src(%arg9 : memref<128x128xf32, #tpu.memory_space<vmem>>) dst(%dma_wait3A_153 : memref<10240x128xf32, #tpu.memory_space<vmem_shared>>)
        tpu.yield
      }) : () -> ()
      %mul3A_94 = arith.constant 8 : i32
      %mul3A_95 = arith.muli %scan3A_15, %mul3A_94 : i32
      %add3A_96 = arith.constant 5 : i32
      %add3A_97 = arith.addi %mul3A_95, %add3A_96 : i32
      %dma_start3A_98 = arith.constant 0 : i32
      %dma_start3A_99 = tpu.memref_slice %arg7[%add3A_97, %dma_start3A_98] : memref<80x128xi32, #tpu.memory_space<vmem>> -> memref<1x128xi32, #tpu.memory_space<vmem>>
      %dma_start3A_100 = tpu.memref_squeeze %dma_start3A_99 : memref<1x128xi32, #tpu.memory_space<vmem>> -> memref<128xi32, #tpu.memory_space<vmem>>
      %dma_start3A_101 = arith.constant 0 : i32
      %dma_start3A_102 = arith.constant 0 : i32
      %dma_start3A_103 = tpu.memref_slice %arg2[%dma_start3A_101, %dma_start3A_102] : memref<10240x128xf32, #tpu.memory_space<hbm>> -> memref<10240x128xf32, #tpu.memory_space<hbm>>
      tpu.enqueue_indirect_dma source(%dma_start3A_103 : memref<10240x128xf32, #tpu.memory_space<hbm>>) target(%arg9 : memref<128x128xf32, #tpu.memory_space<vmem>>) offsets(%dma_start3A_100 : memref<128xi32, #tpu.memory_space<vmem>>) semaphore(%arg10 : memref<!tpu.dma_semaphore, #tpu.memory_space<semaphore_mem>>)
      %dma_wait3A_104 = arith.constant 0 : i32
      %dma_wait3A_105 = tpu.memref_slice %arg7[%add3A_97, %dma_wait3A_104] : memref<80x128xi32, #tpu.memory_space<vmem>> -> memref<1x128xi32, #tpu.memory_space<vmem>>
      %dma_wait3A_106 = tpu.memref_squeeze %dma_wait3A_105 : memref<1x128xi32, #tpu.memory_space<vmem>> -> memref<128xi32, #tpu.memory_space<vmem>>
      %dma_wait3A_107 = arith.constant 0 : i32
      %dma_wait3A_108 = arith.constant 0 : i32
      %dma_wait3A_109 = tpu.memref_slice %arg2[%dma_wait3A_107, %dma_wait3A_108] : memref<10240x128xf32, #tpu.memory_space<hbm>> -> memref<10240x128xf32, #tpu.memory_space<hbm>>
      tpu.wait_indirect_dma semaphore(%arg10 : memref<!tpu.dma_semaphore, #tpu.memory_space<semaphore_mem>>) src(%dma_wait3A_109 : memref<10240x128xf32, #tpu.memory_space<hbm>>) dst(%arg9 : memref<128x128xf32, #tpu.memory_space<vmem>>)
      "tpu.region"() ({
        %run_scoped3A = tpu.sem_alloc : memref<!tpu.dma_semaphore, #tpu.memory_space<semaphore_mem>>
        %dma_start3A_142 = arith.constant 0 : i32
        %dma_start3A_143 = tpu.memref_slice %arg8[%add3A_97, %dma_start3A_142] : memref<80x128xi32, #tpu.memory_space<vmem>> -> memref<1x128xi32, #tpu.memory_space<vmem>>
        %dma_start3A_144 = tpu.memref_squeeze %dma_start3A_143 : memref<1x128xi32, #tpu.memory_space<vmem>> -> memref<128xi32, #tpu.memory_space<vmem>>
        %dma_start3A_145 = arith.constant 0 : i32
        %dma_start3A_146 = arith.constant 0 : i32
        %dma_start3A_147 = tpu.memref_slice %arg11[%dma_start3A_145, %dma_start3A_146] : memref<10240x128xf32, #tpu.memory_space<vmem_shared>> -> memref<10240x128xf32, #tpu.memory_space<vmem_shared>>
        tpu.enqueue_indirect_dma source(%arg9 : memref<128x128xf32, #tpu.memory_space<vmem>>) target(%dma_start3A_147 : memref<10240x128xf32, #tpu.memory_space<vmem_shared>>) offsets(%dma_start3A_144 : memref<128xi32, #tpu.memory_space<vmem>>) semaphore(%run_scoped3A : memref<!tpu.dma_semaphore, #tpu.memory_space<semaphore_mem>>) {add = true}
        %dma_wait3A_148 = arith.constant 0 : i32
        %dma_wait3A_149 = tpu.memref_slice %arg8[%add3A_97, %dma_wait3A_148] : memref<80x128xi32, #tpu.memory_space<vmem>> -> memref<1x128xi32, #tpu.memory_space<vmem>>
        %dma_wait3A_150 = tpu.memref_squeeze %dma_wait3A_149 : memref<1x128xi32, #tpu.memory_space<vmem>> -> memref<128xi32, #tpu.memory_space<vmem>>
        %dma_wait3A_151 = arith.constant 0 : i32
        %dma_wait3A_152 = arith.constant 0 : i32
        %dma_wait3A_153 = tpu.memref_slice %arg11[%dma_wait3A_151, %dma_wait3A_152] : memref<10240x128xf32, #tpu.memory_space<vmem_shared>> -> memref<10240x128xf32, #tpu.memory_space<vmem_shared>>
        tpu.wait_indirect_dma semaphore(%run_scoped3A : memref<!tpu.dma_semaphore, #tpu.memory_space<semaphore_mem>>) src(%arg9 : memref<128x128xf32, #tpu.memory_space<vmem>>) dst(%dma_wait3A_153 : memref<10240x128xf32, #tpu.memory_space<vmem_shared>>)
        tpu.yield
      }) : () -> ()
      %mul3A_110 = arith.constant 8 : i32
      %mul3A_111 = arith.muli %scan3A_15, %mul3A_110 : i32
      %add3A_112 = arith.constant 6 : i32
      %add3A_113 = arith.addi %mul3A_111, %add3A_112 : i32
      %dma_start3A_114 = arith.constant 0 : i32
      %dma_start3A_115 = tpu.memref_slice %arg7[%add3A_113, %dma_start3A_114] : memref<80x128xi32, #tpu.memory_space<vmem>> -> memref<1x128xi32, #tpu.memory_space<vmem>>
      %dma_start3A_116 = tpu.memref_squeeze %dma_start3A_115 : memref<1x128xi32, #tpu.memory_space<vmem>> -> memref<128xi32, #tpu.memory_space<vmem>>
      %dma_start3A_117 = arith.constant 0 : i32
      %dma_start3A_118 = arith.constant 0 : i32
      %dma_start3A_119 = tpu.memref_slice %arg2[%dma_start3A_117, %dma_start3A_118] : memref<10240x128xf32, #tpu.memory_space<hbm>> -> memref<10240x128xf32, #tpu.memory_space<hbm>>
      tpu.enqueue_indirect_dma source(%dma_start3A_119 : memref<10240x128xf32, #tpu.memory_space<hbm>>) target(%arg9 : memref<128x128xf32, #tpu.memory_space<vmem>>) offsets(%dma_start3A_116 : memref<128xi32, #tpu.memory_space<vmem>>) semaphore(%arg10 : memref<!tpu.dma_semaphore, #tpu.memory_space<semaphore_mem>>)
      %dma_wait3A_120 = arith.constant 0 : i32
      %dma_wait3A_121 = tpu.memref_slice %arg7[%add3A_113, %dma_wait3A_120] : memref<80x128xi32, #tpu.memory_space<vmem>> -> memref<1x128xi32, #tpu.memory_space<vmem>>
      %dma_wait3A_122 = tpu.memref_squeeze %dma_wait3A_121 : memref<1x128xi32, #tpu.memory_space<vmem>> -> memref<128xi32, #tpu.memory_space<vmem>>
      %dma_wait3A_123 = arith.constant 0 : i32
      %dma_wait3A_124 = arith.constant 0 : i32
      %dma_wait3A_125 = tpu.memref_slice %arg2[%dma_wait3A_123, %dma_wait3A_124] : memref<10240x128xf32, #tpu.memory_space<hbm>> -> memref<10240x128xf32, #tpu.memory_space<hbm>>
      tpu.wait_indirect_dma semaphore(%arg10 : memref<!tpu.dma_semaphore, #tpu.memory_space<semaphore_mem>>) src(%dma_wait3A_125 : memref<10240x128xf32, #tpu.memory_space<hbm>>) dst(%arg9 : memref<128x128xf32, #tpu.memory_space<vmem>>)
      "tpu.region"() ({
        %run_scoped3A = tpu.sem_alloc : memref<!tpu.dma_semaphore, #tpu.memory_space<semaphore_mem>>
        %dma_start3A_142 = arith.constant 0 : i32
        %dma_start3A_143 = tpu.memref_slice %arg8[%add3A_113, %dma_start3A_142] : memref<80x128xi32, #tpu.memory_space<vmem>> -> memref<1x128xi32, #tpu.memory_space<vmem>>
        %dma_start3A_144 = tpu.memref_squeeze %dma_start3A_143 : memref<1x128xi32, #tpu.memory_space<vmem>> -> memref<128xi32, #tpu.memory_space<vmem>>
        %dma_start3A_145 = arith.constant 0 : i32
        %dma_start3A_146 = arith.constant 0 : i32
        %dma_start3A_147 = tpu.memref_slice %arg11[%dma_start3A_145, %dma_start3A_146] : memref<10240x128xf32, #tpu.memory_space<vmem_shared>> -> memref<10240x128xf32, #tpu.memory_space<vmem_shared>>
        tpu.enqueue_indirect_dma source(%arg9 : memref<128x128xf32, #tpu.memory_space<vmem>>) target(%dma_start3A_147 : memref<10240x128xf32, #tpu.memory_space<vmem_shared>>) offsets(%dma_start3A_144 : memref<128xi32, #tpu.memory_space<vmem>>) semaphore(%run_scoped3A : memref<!tpu.dma_semaphore, #tpu.memory_space<semaphore_mem>>) {add = true}
        %dma_wait3A_148 = arith.constant 0 : i32
        %dma_wait3A_149 = tpu.memref_slice %arg8[%add3A_113, %dma_wait3A_148] : memref<80x128xi32, #tpu.memory_space<vmem>> -> memref<1x128xi32, #tpu.memory_space<vmem>>
        %dma_wait3A_150 = tpu.memref_squeeze %dma_wait3A_149 : memref<1x128xi32, #tpu.memory_space<vmem>> -> memref<128xi32, #tpu.memory_space<vmem>>
        %dma_wait3A_151 = arith.constant 0 : i32
        %dma_wait3A_152 = arith.constant 0 : i32
        %dma_wait3A_153 = tpu.memref_slice %arg11[%dma_wait3A_151, %dma_wait3A_152] : memref<10240x128xf32, #tpu.memory_space<vmem_shared>> -> memref<10240x128xf32, #tpu.memory_space<vmem_shared>>
        tpu.wait_indirect_dma semaphore(%run_scoped3A : memref<!tpu.dma_semaphore, #tpu.memory_space<semaphore_mem>>) src(%arg9 : memref<128x128xf32, #tpu.memory_space<vmem>>) dst(%dma_wait3A_153 : memref<10240x128xf32, #tpu.memory_space<vmem_shared>>)
        tpu.yield
      }) : () -> ()
      %mul3A_126 = arith.constant 8 : i32
      %mul3A_127 = arith.muli %scan3A_15, %mul3A_126 : i32
      %add3A_128 = arith.constant 7 : i32
      %add3A_129 = arith.addi %mul3A_127, %add3A_128 : i32
      %dma_start3A_130 = arith.constant 0 : i32
      %dma_start3A_131 = tpu.memref_slice %arg7[%add3A_129, %dma_start3A_130] : memref<80x128xi32, #tpu.memory_space<vmem>> -> memref<1x128xi32, #tpu.memory_space<vmem>>
      %dma_start3A_132 = tpu.memref_squeeze %dma_start3A_131 : memref<1x128xi32, #tpu.memory_space<vmem>> -> memref<128xi32, #tpu.memory_space<vmem>>
      %dma_start3A_133 = arith.constant 0 : i32
      %dma_start3A_134 = arith.constant 0 : i32
      %dma_start3A_135 = tpu.memref_slice %arg2[%dma_start3A_133, %dma_start3A_134] : memref<10240x128xf32, #tpu.memory_space<hbm>> -> memref<10240x128xf32, #tpu.memory_space<hbm>>
      tpu.enqueue_indirect_dma source(%dma_start3A_135 : memref<10240x128xf32, #tpu.memory_space<hbm>>) target(%arg9 : memref<128x128xf32, #tpu.memory_space<vmem>>) offsets(%dma_start3A_132 : memref<128xi32, #tpu.memory_space<vmem>>) semaphore(%arg10 : memref<!tpu.dma_semaphore, #tpu.memory_space<semaphore_mem>>)
      %dma_wait3A_136 = arith.constant 0 : i32
      %dma_wait3A_137 = tpu.memref_slice %arg7[%add3A_129, %dma_wait3A_136] : memref<80x128xi32, #tpu.memory_space<vmem>> -> memref<1x128xi32, #tpu.memory_space<vmem>>
      %dma_wait3A_138 = tpu.memref_squeeze %dma_wait3A_137 : memref<1x128xi32, #tpu.memory_space<vmem>> -> memref<128xi32, #tpu.memory_space<vmem>>
      %dma_wait3A_139 = arith.constant 0 : i32
      %dma_wait3A_140 = arith.constant 0 : i32
      %dma_wait3A_141 = tpu.memref_slice %arg2[%dma_wait3A_139, %dma_wait3A_140] : memref<10240x128xf32, #tpu.memory_space<hbm>> -> memref<10240x128xf32, #tpu.memory_space<hbm>>
      tpu.wait_indirect_dma semaphore(%arg10 : memref<!tpu.dma_semaphore, #tpu.memory_space<semaphore_mem>>) src(%dma_wait3A_141 : memref<10240x128xf32, #tpu.memory_space<hbm>>) dst(%arg9 : memref<128x128xf32, #tpu.memory_space<vmem>>)
      "tpu.region"() ({
        %run_scoped3A = tpu.sem_alloc : memref<!tpu.dma_semaphore, #tpu.memory_space<semaphore_mem>>
        %dma_start3A_142 = arith.constant 0 : i32
        %dma_start3A_143 = tpu.memref_slice %arg8[%add3A_129, %dma_start3A_142] : memref<80x128xi32, #tpu.memory_space<vmem>> -> memref<1x128xi32, #tpu.memory_space<vmem>>
        %dma_start3A_144 = tpu.memref_squeeze %dma_start3A_143 : memref<1x128xi32, #tpu.memory_space<vmem>> -> memref<128xi32, #tpu.memory_space<vmem>>
        %dma_start3A_145 = arith.constant 0 : i32
        %dma_start3A_146 = arith.constant 0 : i32
        %dma_start3A_147 = tpu.memref_slice %arg11[%dma_start3A_145, %dma_start3A_146] : memref<10240x128xf32, #tpu.memory_space<vmem_shared>> -> memref<10240x128xf32, #tpu.memory_space<vmem_shared>>
        tpu.enqueue_indirect_dma source(%arg9 : memref<128x128xf32, #tpu.memory_space<vmem>>) target(%dma_start3A_147 : memref<10240x128xf32, #tpu.memory_space<vmem_shared>>) offsets(%dma_start3A_144 : memref<128xi32, #tpu.memory_space<vmem>>) semaphore(%run_scoped3A : memref<!tpu.dma_semaphore, #tpu.memory_space<semaphore_mem>>) {add = true}
        %dma_wait3A_148 = arith.constant 0 : i32
        %dma_wait3A_149 = tpu.memref_slice %arg8[%add3A_129, %dma_wait3A_148] : memref<80x128xi32, #tpu.memory_space<vmem>> -> memref<1x128xi32, #tpu.memory_space<vmem>>
        %dma_wait3A_150 = tpu.memref_squeeze %dma_wait3A_149 : memref<1x128xi32, #tpu.memory_space<vmem>> -> memref<128xi32, #tpu.memory_space<vmem>>
        %dma_wait3A_151 = arith.constant 0 : i32
        %dma_wait3A_152 = arith.constant 0 : i32
        %dma_wait3A_153 = tpu.memref_slice %arg11[%dma_wait3A_151, %dma_wait3A_152] : memref<10240x128xf32, #tpu.memory_space<vmem_shared>> -> memref<10240x128xf32, #tpu.memory_space<vmem_shared>>
        tpu.wait_indirect_dma semaphore(%run_scoped3A : memref<!tpu.dma_semaphore, #tpu.memory_space<semaphore_mem>>) src(%arg9 : memref<128x128xf32, #tpu.memory_space<vmem>>) dst(%dma_wait3A_153 : memref<10240x128xf32, #tpu.memory_space<vmem_shared>>)
        tpu.yield
      }) : () -> ()
    }
    %scan3A_9 = arith.constant 10 : i32
    %barrier3A_10 = arith.constant 0 : index
    tpu.barrier barrier_id(%barrier3A_10)
    %mul3A_11 = arith.constant 640 : i32
    %mul3A_12 = arith.muli %arg1, %mul3A_11 : i32
    %mul3A_13 = arith.constant 640 : i32
    %mul3A_14 = arith.muli %arg1, %mul3A_13 : i32
    "tpu.region"() ({
      %run_scoped3A = tpu.sem_alloc : memref<!tpu.dma_semaphore, #tpu.memory_space<semaphore_mem>>
      %dma_start3A = arith.constant 0 : i32
      %dma_start3A_15 = tpu.memref_slice %arg6[%arg0, %mul3A_14, %dma_start3A] : memref<2x10240x128xf32, #tpu.memory_space<hbm>> -> memref<1x640x128xf32, #tpu.memory_space<hbm>>
      %dma_start3A_16 = tpu.memref_squeeze %dma_start3A_15 : memref<1x640x128xf32, #tpu.memory_space<hbm>> -> memref<640x128xf32, #tpu.memory_space<hbm>>
      %dma_start3A_17 = arith.constant 0 : i32
      %dma_start3A_18 = tpu.memref_slice %arg11[%mul3A_12, %dma_start3A_17] : memref<10240x128xf32, #tpu.memory_space<vmem_shared>> -> memref<640x128xf32, #tpu.memory_space<vmem_shared>>
      tpu.enqueue_dma source(%dma_start3A_18 : memref<640x128xf32, #tpu.memory_space<vmem_shared>>) target(%dma_start3A_16 : memref<640x128xf32, #tpu.memory_space<hbm>>) target_semaphore(%run_scoped3A : memref<!tpu.dma_semaphore, #tpu.memory_space<semaphore_mem>>)
      %dma_wait3A = arith.constant 0 : i32
      %dma_wait3A_19 = tpu.memref_slice %arg6[%arg0, %mul3A_14, %dma_wait3A] : memref<2x10240x128xf32, #tpu.memory_space<hbm>> -> memref<1x640x128xf32, #tpu.memory_space<hbm>>
      %dma_wait3A_20 = tpu.memref_squeeze %dma_wait3A_19 : memref<1x640x128xf32, #tpu.memory_space<hbm>> -> memref<640x128xf32, #tpu.memory_space<hbm>>
      %dma_wait3A_21 = arith.constant 0 : i32
      %dma_wait3A_22 = tpu.memref_slice %arg11[%mul3A_12, %dma_wait3A_21] : memref<10240x128xf32, #tpu.memory_space<vmem_shared>> -> memref<640x128xf32, #tpu.memory_space<vmem_shared>>
      tpu.wait_dma2 semaphore(%run_scoped3A : memref<!tpu.dma_semaphore, #tpu.memory_space<semaphore_mem>>) src(%dma_wait3A_22 : memref<640x128xf32, #tpu.memory_space<vmem_shared>>) dst(%dma_wait3A_20 : memref<640x128xf32, #tpu.memory_space<hbm>>)
      tpu.yield
    }) : () -> ()
    return
  }
}

#map = affine_map<(d0, d1) -> (0, 0)>
#map1 = affine_map<(d0, d1) -> (0, 0, 0)>
module attributes {stable_mosaic.version = 14 : i64} {
  func.func @_conv_body(%arg0: i32, %arg1: i32, %arg2: memref<10240x128xf32, #tpu.memory_space<hbm>>, %arg3: memref<32x80x128xi32, #tpu.memory_space<hbm>>, %arg4: memref<32x80x128xi32, #tpu.memory_space<hbm>>, %arg5: memref<10240x128xf32, #tpu.memory_space<hbm>>, %arg6: memref<2x10240x128xf32, #tpu.memory_space<hbm>>, %arg7: memref<80x128xi32, #tpu.memory_space<vmem>>, %arg8: memref<80x128xi32, #tpu.memory_space<vmem>>, %arg9: memref<128x128xf32, #tpu.memory_space<vmem>>, %arg10: memref<!tpu.dma_semaphore, #tpu.memory_space<semaphore_mem>>, %arg11: memref<10240x128xf32, #tpu.memory_space<vmem_shared>>) attributes {dimension_semantics = [#tpu.dimension_semantics<core_parallel>, #tpu.dimension_semantics<subcore_parallel>], iteration_bounds = array<i64: 2, 16>, scalar_prefetch = 0 : i64, scratch_operands = 5 : i64, tpu.core_type = #tpu.core_type<sc_vector_subcore>, window_params = [{transform_indices = #map}, {transform_indices = #map1}, {transform_indices = #map1}, {transform_indices = #map}, {transform_indices = #map1}]} {
    %mul3A = arith.constant 16 : i32
    %mul3A_0 = arith.muli %arg0, %mul3A : i32
    %add3A = arith.addi %mul3A_0, %arg1 : i32
    "tpu.region"() ({
      %run_scoped3A = tpu.sem_alloc : memref<!tpu.dma_semaphore, #tpu.memory_space<semaphore_mem>>
      %dma_start3A = arith.constant 0 : i32
      %dma_start3A_15 = arith.constant 0 : i32
      %dma_start3A_16 = tpu.memref_slice %arg3[%add3A, %dma_start3A, %dma_start3A_15] : memref<32x80x128xi32, #tpu.memory_space<hbm>> -> memref<1x80x128xi32, #tpu.memory_space<hbm>>
      %dma_start3A_17 = tpu.memref_squeeze %dma_start3A_16 : memref<1x80x128xi32, #tpu.memory_space<hbm>> -> memref<80x128xi32, #tpu.memory_space<hbm>>
      %dma_start3A_18 = arith.constant 0 : i32
      %dma_start3A_19 = arith.constant 0 : i32
      %dma_start3A_20 = tpu.memref_slice %arg3[%add3A, %dma_start3A_18, %dma_start3A_19] : memref<32x80x128xi32, #tpu.memory_space<hbm>> -> memref<1x80x128xi32, #tpu.memory_space<hbm>>
      %dma_start3A_21 = tpu.memref_squeeze %dma_start3A_20 : memref<1x80x128xi32, #tpu.memory_space<hbm>> -> memref<80x128xi32, #tpu.memory_space<hbm>>
      tpu.enqueue_dma source(%dma_start3A_21 : memref<80x128xi32, #tpu.memory_space<hbm>>) target(%arg7 : memref<80x128xi32, #tpu.memory_space<vmem>>) target_semaphore(%run_scoped3A : memref<!tpu.dma_semaphore, #tpu.memory_space<semaphore_mem>>)
      %dma_wait3A = arith.constant 0 : i32
      %dma_wait3A_22 = arith.constant 0 : i32
      %dma_wait3A_23 = tpu.memref_slice %arg3[%add3A, %dma_wait3A, %dma_wait3A_22] : memref<32x80x128xi32, #tpu.memory_space<hbm>> -> memref<1x80x128xi32, #tpu.memory_space<hbm>>
      %dma_wait3A_24 = tpu.memref_squeeze %dma_wait3A_23 : memref<1x80x128xi32, #tpu.memory_space<hbm>> -> memref<80x128xi32, #tpu.memory_space<hbm>>
      %dma_wait3A_25 = arith.constant 0 : i32
      %dma_wait3A_26 = arith.constant 0 : i32
      %dma_wait3A_27 = tpu.memref_slice %arg3[%add3A, %dma_wait3A_25, %dma_wait3A_26] : memref<32x80x128xi32, #tpu.memory_space<hbm>> -> memref<1x80x128xi32, #tpu.memory_space<hbm>>
      %dma_wait3A_28 = tpu.memref_squeeze %dma_wait3A_27 : memref<1x80x128xi32, #tpu.memory_space<hbm>> -> memref<80x128xi32, #tpu.memory_space<hbm>>
      tpu.wait_dma2 semaphore(%run_scoped3A : memref<!tpu.dma_semaphore, #tpu.memory_space<semaphore_mem>>) src(%dma_wait3A_28 : memref<80x128xi32, #tpu.memory_space<hbm>>) dst(%arg7 : memref<80x128xi32, #tpu.memory_space<vmem>>)
      tpu.yield
    }) : () -> ()
    "tpu.region"() ({
      %run_scoped3A = tpu.sem_alloc : memref<!tpu.dma_semaphore, #tpu.memory_space<semaphore_mem>>
      %dma_start3A = arith.constant 0 : i32
      %dma_start3A_15 = arith.constant 0 : i32
      %dma_start3A_16 = tpu.memref_slice %arg4[%add3A, %dma_start3A, %dma_start3A_15] : memref<32x80x128xi32, #tpu.memory_space<hbm>> -> memref<1x80x128xi32, #tpu.memory_space<hbm>>
      %dma_start3A_17 = tpu.memref_squeeze %dma_start3A_16 : memref<1x80x128xi32, #tpu.memory_space<hbm>> -> memref<80x128xi32, #tpu.memory_space<hbm>>
      %dma_start3A_18 = arith.constant 0 : i32
      %dma_start3A_19 = arith.constant 0 : i32
      %dma_start3A_20 = tpu.memref_slice %arg4[%add3A, %dma_start3A_18, %dma_start3A_19] : memref<32x80x128xi32, #tpu.memory_space<hbm>> -> memref<1x80x128xi32, #tpu.memory_space<hbm>>
      %dma_start3A_21 = tpu.memref_squeeze %dma_start3A_20 : memref<1x80x128xi32, #tpu.memory_space<hbm>> -> memref<80x128xi32, #tpu.memory_space<hbm>>
      tpu.enqueue_dma source(%dma_start3A_21 : memref<80x128xi32, #tpu.memory_space<hbm>>) target(%arg8 : memref<80x128xi32, #tpu.memory_space<vmem>>) target_semaphore(%run_scoped3A : memref<!tpu.dma_semaphore, #tpu.memory_space<semaphore_mem>>)
      %dma_wait3A = arith.constant 0 : i32
      %dma_wait3A_22 = arith.constant 0 : i32
      %dma_wait3A_23 = tpu.memref_slice %arg4[%add3A, %dma_wait3A, %dma_wait3A_22] : memref<32x80x128xi32, #tpu.memory_space<hbm>> -> memref<1x80x128xi32, #tpu.memory_space<hbm>>
      %dma_wait3A_24 = tpu.memref_squeeze %dma_wait3A_23 : memref<1x80x128xi32, #tpu.memory_space<hbm>> -> memref<80x128xi32, #tpu.memory_space<hbm>>
      %dma_wait3A_25 = arith.constant 0 : i32
      %dma_wait3A_26 = arith.constant 0 : i32
      %dma_wait3A_27 = tpu.memref_slice %arg4[%add3A, %dma_wait3A_25, %dma_wait3A_26] : memref<32x80x128xi32, #tpu.memory_space<hbm>> -> memref<1x80x128xi32, #tpu.memory_space<hbm>>
      %dma_wait3A_28 = tpu.memref_squeeze %dma_wait3A_27 : memref<1x80x128xi32, #tpu.memory_space<hbm>> -> memref<80x128xi32, #tpu.memory_space<hbm>>
      tpu.wait_dma2 semaphore(%run_scoped3A : memref<!tpu.dma_semaphore, #tpu.memory_space<semaphore_mem>>) src(%dma_wait3A_28 : memref<80x128xi32, #tpu.memory_space<hbm>>) dst(%arg8 : memref<80x128xi32, #tpu.memory_space<vmem>>)
      tpu.yield
    }) : () -> ()
    %mul3A_1 = arith.constant 640 : i32
    %mul3A_2 = arith.muli %arg1, %mul3A_1 : i32
    %mul3A_3 = arith.constant 640 : i32
    %mul3A_4 = arith.muli %arg1, %mul3A_3 : i32
    "tpu.region"() ({
      %run_scoped3A = tpu.sem_alloc : memref<!tpu.dma_semaphore, #tpu.memory_space<semaphore_mem>>
      %dma_start3A = arith.constant 0 : i32
      %dma_start3A_15 = tpu.memref_slice %arg11[%mul3A_4, %dma_start3A] : memref<10240x128xf32, #tpu.memory_space<vmem_shared>> -> memref<640x128xf32, #tpu.memory_space<vmem_shared>>
      %dma_start3A_16 = arith.constant 0 : i32
      %dma_start3A_17 = tpu.memref_slice %arg5[%mul3A_2, %dma_start3A_16] : memref<10240x128xf32, #tpu.memory_space<hbm>> -> memref<640x128xf32, #tpu.memory_space<hbm>>
      tpu.enqueue_dma source(%dma_start3A_17 : memref<640x128xf32, #tpu.memory_space<hbm>>) target(%dma_start3A_15 : memref<640x128xf32, #tpu.memory_space<vmem_shared>>) target_semaphore(%run_scoped3A : memref<!tpu.dma_semaphore, #tpu.memory_space<semaphore_mem>>)
      %dma_wait3A = arith.constant 0 : i32
      %dma_wait3A_18 = tpu.memref_slice %arg11[%mul3A_4, %dma_wait3A] : memref<10240x128xf32, #tpu.memory_space<vmem_shared>> -> memref<640x128xf32, #tpu.memory_space<vmem_shared>>
      %dma_wait3A_19 = arith.constant 0 : i32
      %dma_wait3A_20 = tpu.memref_slice %arg5[%mul3A_2, %dma_wait3A_19] : memref<10240x128xf32, #tpu.memory_space<hbm>> -> memref<640x128xf32, #tpu.memory_space<hbm>>
      tpu.wait_dma2 semaphore(%run_scoped3A : memref<!tpu.dma_semaphore, #tpu.memory_space<semaphore_mem>>) src(%dma_wait3A_20 : memref<640x128xf32, #tpu.memory_space<hbm>>) dst(%dma_wait3A_18 : memref<640x128xf32, #tpu.memory_space<vmem_shared>>)
      tpu.yield
    }) : () -> ()
    %barrier3A = arith.constant 0 : index
    tpu.barrier barrier_id(%barrier3A)
    %scan3A = arith.constant 0 : i32
    %scan3A_5 = arith.constant 0 : i32
    %scan3A_6 = arith.constant 10 : i32
    %scan3A_7 = arith.addi %scan3A_5, %scan3A_6 : i32
    %scan3A_8 = arith.constant 1 : i32
    scf.for %scan3A_15 = %scan3A_5 to %scan3A_7 step %scan3A_8  : i32 {
      %mul3A_16 = arith.constant 8 : i32
      %mul3A_17 = arith.muli %scan3A_15, %mul3A_16 : i32
      %add3A_18 = arith.constant 0 : i32
      %add3A_19 = arith.addi %mul3A_17, %add3A_18 : i32
      %dma_start3A = arith.constant 0 : i32
      %dma_start3A_20 = tpu.memref_slice %arg7[%add3A_19, %dma_start3A] : memref<80x128xi32, #tpu.memory_space<vmem>> -> memref<1x128xi32, #tpu.memory_space<vmem>>
      %dma_start3A_21 = tpu.memref_squeeze %dma_start3A_20 : memref<1x128xi32, #tpu.memory_space<vmem>> -> memref<128xi32, #tpu.memory_space<vmem>>
      %dma_start3A_22 = arith.constant 0 : i32
      %dma_start3A_23 = arith.constant 0 : i32
      %dma_start3A_24 = tpu.memref_slice %arg2[%dma_start3A_22, %dma_start3A_23] : memref<10240x128xf32, #tpu.memory_space<hbm>> -> memref<10240x128xf32, #tpu.memory_space<hbm>>
      tpu.enqueue_indirect_dma source(%dma_start3A_24 : memref<10240x128xf32, #tpu.memory_space<hbm>>) target(%arg9 : memref<128x128xf32, #tpu.memory_space<vmem>>) offsets(%dma_start3A_21 : memref<128xi32, #tpu.memory_space<vmem>>) semaphore(%arg10 : memref<!tpu.dma_semaphore, #tpu.memory_space<semaphore_mem>>)
      %dma_wait3A = arith.constant 0 : i32
      %dma_wait3A_25 = tpu.memref_slice %arg7[%add3A_19, %dma_wait3A] : memref<80x128xi32, #tpu.memory_space<vmem>> -> memref<1x128xi32, #tpu.memory_space<vmem>>
      %dma_wait3A_26 = tpu.memref_squeeze %dma_wait3A_25 : memref<1x128xi32, #tpu.memory_space<vmem>> -> memref<128xi32, #tpu.memory_space<vmem>>
      %dma_wait3A_27 = arith.constant 0 : i32
      %dma_wait3A_28 = arith.constant 0 : i32
      %dma_wait3A_29 = tpu.memref_slice %arg2[%dma_wait3A_27, %dma_wait3A_28] : memref<10240x128xf32, #tpu.memory_space<hbm>> -> memref<10240x128xf32, #tpu.memory_space<hbm>>
      tpu.wait_indirect_dma semaphore(%arg10 : memref<!tpu.dma_semaphore, #tpu.memory_space<semaphore_mem>>) src(%dma_wait3A_29 : memref<10240x128xf32, #tpu.memory_space<hbm>>) dst(%arg9 : memref<128x128xf32, #tpu.memory_space<vmem>>)
      "tpu.region"() ({
        %run_scoped3A = tpu.sem_alloc : memref<!tpu.dma_semaphore, #tpu.memory_space<semaphore_mem>>
        %dma_start3A_142 = arith.constant 0 : i32
        %dma_start3A_143 = tpu.memref_slice %arg8[%add3A_19, %dma_start3A_142] : memref<80x128xi32, #tpu.memory_space<vmem>> -> memref<1x128xi32, #tpu.memory_space<vmem>>
        %dma_start3A_144 = tpu.memref_squeeze %dma_start3A_143 : memref<1x128xi32, #tpu.memory_space<vmem>> -> memref<128xi32, #tpu.memory_space<vmem>>
        %dma_start3A_145 = arith.constant 0 : i32
        %dma_start3A_146 = arith.constant 0 : i32
        %dma_start3A_147 = tpu.memref_slice %arg11[%dma_start3A_145, %dma_start3A_146] : memref<10240x128xf32, #tpu.memory_space<vmem_shared>> -> memref<10240x128xf32, #tpu.memory_space<vmem_shared>>
        tpu.enqueue_indirect_dma source(%arg9 : memref<128x128xf32, #tpu.memory_space<vmem>>) target(%dma_start3A_147 : memref<10240x128xf32, #tpu.memory_space<vmem_shared>>) offsets(%dma_start3A_144 : memref<128xi32, #tpu.memory_space<vmem>>) semaphore(%run_scoped3A : memref<!tpu.dma_semaphore, #tpu.memory_space<semaphore_mem>>) {add = true}
        %dma_wait3A_148 = arith.constant 0 : i32
        %dma_wait3A_149 = tpu.memref_slice %arg8[%add3A_19, %dma_wait3A_148] : memref<80x128xi32, #tpu.memory_space<vmem>> -> memref<1x128xi32, #tpu.memory_space<vmem>>
        %dma_wait3A_150 = tpu.memref_squeeze %dma_wait3A_149 : memref<1x128xi32, #tpu.memory_space<vmem>> -> memref<128xi32, #tpu.memory_space<vmem>>
        %dma_wait3A_151 = arith.constant 0 : i32
        %dma_wait3A_152 = arith.constant 0 : i32
        %dma_wait3A_153 = tpu.memref_slice %arg11[%dma_wait3A_151, %dma_wait3A_152] : memref<10240x128xf32, #tpu.memory_space<vmem_shared>> -> memref<10240x128xf32, #tpu.memory_space<vmem_shared>>
        tpu.wait_indirect_dma semaphore(%run_scoped3A : memref<!tpu.dma_semaphore, #tpu.memory_space<semaphore_mem>>) src(%arg9 : memref<128x128xf32, #tpu.memory_space<vmem>>) dst(%dma_wait3A_153 : memref<10240x128xf32, #tpu.memory_space<vmem_shared>>)
        tpu.yield
      }) : () -> ()
      %mul3A_30 = arith.constant 8 : i32
      %mul3A_31 = arith.muli %scan3A_15, %mul3A_30 : i32
      %add3A_32 = arith.constant 1 : i32
      %add3A_33 = arith.addi %mul3A_31, %add3A_32 : i32
      %dma_start3A_34 = arith.constant 0 : i32
      %dma_start3A_35 = tpu.memref_slice %arg7[%add3A_33, %dma_start3A_34] : memref<80x128xi32, #tpu.memory_space<vmem>> -> memref<1x128xi32, #tpu.memory_space<vmem>>
      %dma_start3A_36 = tpu.memref_squeeze %dma_start3A_35 : memref<1x128xi32, #tpu.memory_space<vmem>> -> memref<128xi32, #tpu.memory_space<vmem>>
      %dma_start3A_37 = arith.constant 0 : i32
      %dma_start3A_38 = arith.constant 0 : i32
      %dma_start3A_39 = tpu.memref_slice %arg2[%dma_start3A_37, %dma_start3A_38] : memref<10240x128xf32, #tpu.memory_space<hbm>> -> memref<10240x128xf32, #tpu.memory_space<hbm>>
      tpu.enqueue_indirect_dma source(%dma_start3A_39 : memref<10240x128xf32, #tpu.memory_space<hbm>>) target(%arg9 : memref<128x128xf32, #tpu.memory_space<vmem>>) offsets(%dma_start3A_36 : memref<128xi32, #tpu.memory_space<vmem>>) semaphore(%arg10 : memref<!tpu.dma_semaphore, #tpu.memory_space<semaphore_mem>>)
      %dma_wait3A_40 = arith.constant 0 : i32
      %dma_wait3A_41 = tpu.memref_slice %arg7[%add3A_33, %dma_wait3A_40] : memref<80x128xi32, #tpu.memory_space<vmem>> -> memref<1x128xi32, #tpu.memory_space<vmem>>
      %dma_wait3A_42 = tpu.memref_squeeze %dma_wait3A_41 : memref<1x128xi32, #tpu.memory_space<vmem>> -> memref<128xi32, #tpu.memory_space<vmem>>
      %dma_wait3A_43 = arith.constant 0 : i32
      %dma_wait3A_44 = arith.constant 0 : i32
      %dma_wait3A_45 = tpu.memref_slice %arg2[%dma_wait3A_43, %dma_wait3A_44] : memref<10240x128xf32, #tpu.memory_space<hbm>> -> memref<10240x128xf32, #tpu.memory_space<hbm>>
      tpu.wait_indirect_dma semaphore(%arg10 : memref<!tpu.dma_semaphore, #tpu.memory_space<semaphore_mem>>) src(%dma_wait3A_45 : memref<10240x128xf32, #tpu.memory_space<hbm>>) dst(%arg9 : memref<128x128xf32, #tpu.memory_space<vmem>>)
      "tpu.region"() ({
        %run_scoped3A = tpu.sem_alloc : memref<!tpu.dma_semaphore, #tpu.memory_space<semaphore_mem>>
        %dma_start3A_142 = arith.constant 0 : i32
        %dma_start3A_143 = tpu.memref_slice %arg8[%add3A_33, %dma_start3A_142] : memref<80x128xi32, #tpu.memory_space<vmem>> -> memref<1x128xi32, #tpu.memory_space<vmem>>
        %dma_start3A_144 = tpu.memref_squeeze %dma_start3A_143 : memref<1x128xi32, #tpu.memory_space<vmem>> -> memref<128xi32, #tpu.memory_space<vmem>>
        %dma_start3A_145 = arith.constant 0 : i32
        %dma_start3A_146 = arith.constant 0 : i32
        %dma_start3A_147 = tpu.memref_slice %arg11[%dma_start3A_145, %dma_start3A_146] : memref<10240x128xf32, #tpu.memory_space<vmem_shared>> -> memref<10240x128xf32, #tpu.memory_space<vmem_shared>>
        tpu.enqueue_indirect_dma source(%arg9 : memref<128x128xf32, #tpu.memory_space<vmem>>) target(%dma_start3A_147 : memref<10240x128xf32, #tpu.memory_space<vmem_shared>>) offsets(%dma_start3A_144 : memref<128xi32, #tpu.memory_space<vmem>>) semaphore(%run_scoped3A : memref<!tpu.dma_semaphore, #tpu.memory_space<semaphore_mem>>) {add = true}
        %dma_wait3A_148 = arith.constant 0 : i32
        %dma_wait3A_149 = tpu.memref_slice %arg8[%add3A_33, %dma_wait3A_148] : memref<80x128xi32, #tpu.memory_space<vmem>> -> memref<1x128xi32, #tpu.memory_space<vmem>>
        %dma_wait3A_150 = tpu.memref_squeeze %dma_wait3A_149 : memref<1x128xi32, #tpu.memory_space<vmem>> -> memref<128xi32, #tpu.memory_space<vmem>>
        %dma_wait3A_151 = arith.constant 0 : i32
        %dma_wait3A_152 = arith.constant 0 : i32
        %dma_wait3A_153 = tpu.memref_slice %arg11[%dma_wait3A_151, %dma_wait3A_152] : memref<10240x128xf32, #tpu.memory_space<vmem_shared>> -> memref<10240x128xf32, #tpu.memory_space<vmem_shared>>
        tpu.wait_indirect_dma semaphore(%run_scoped3A : memref<!tpu.dma_semaphore, #tpu.memory_space<semaphore_mem>>) src(%arg9 : memref<128x128xf32, #tpu.memory_space<vmem>>) dst(%dma_wait3A_153 : memref<10240x128xf32, #tpu.memory_space<vmem_shared>>)
        tpu.yield
      }) : () -> ()
      %mul3A_46 = arith.constant 8 : i32
      %mul3A_47 = arith.muli %scan3A_15, %mul3A_46 : i32
      %add3A_48 = arith.constant 2 : i32
      %add3A_49 = arith.addi %mul3A_47, %add3A_48 : i32
      %dma_start3A_50 = arith.constant 0 : i32
      %dma_start3A_51 = tpu.memref_slice %arg7[%add3A_49, %dma_start3A_50] : memref<80x128xi32, #tpu.memory_space<vmem>> -> memref<1x128xi32, #tpu.memory_space<vmem>>
      %dma_start3A_52 = tpu.memref_squeeze %dma_start3A_51 : memref<1x128xi32, #tpu.memory_space<vmem>> -> memref<128xi32, #tpu.memory_space<vmem>>
      %dma_start3A_53 = arith.constant 0 : i32
      %dma_start3A_54 = arith.constant 0 : i32
      %dma_start3A_55 = tpu.memref_slice %arg2[%dma_start3A_53, %dma_start3A_54] : memref<10240x128xf32, #tpu.memory_space<hbm>> -> memref<10240x128xf32, #tpu.memory_space<hbm>>
      tpu.enqueue_indirect_dma source(%dma_start3A_55 : memref<10240x128xf32, #tpu.memory_space<hbm>>) target(%arg9 : memref<128x128xf32, #tpu.memory_space<vmem>>) offsets(%dma_start3A_52 : memref<128xi32, #tpu.memory_space<vmem>>) semaphore(%arg10 : memref<!tpu.dma_semaphore, #tpu.memory_space<semaphore_mem>>)
      %dma_wait3A_56 = arith.constant 0 : i32
      %dma_wait3A_57 = tpu.memref_slice %arg7[%add3A_49, %dma_wait3A_56] : memref<80x128xi32, #tpu.memory_space<vmem>> -> memref<1x128xi32, #tpu.memory_space<vmem>>
      %dma_wait3A_58 = tpu.memref_squeeze %dma_wait3A_57 : memref<1x128xi32, #tpu.memory_space<vmem>> -> memref<128xi32, #tpu.memory_space<vmem>>
      %dma_wait3A_59 = arith.constant 0 : i32
      %dma_wait3A_60 = arith.constant 0 : i32
      %dma_wait3A_61 = tpu.memref_slice %arg2[%dma_wait3A_59, %dma_wait3A_60] : memref<10240x128xf32, #tpu.memory_space<hbm>> -> memref<10240x128xf32, #tpu.memory_space<hbm>>
      tpu.wait_indirect_dma semaphore(%arg10 : memref<!tpu.dma_semaphore, #tpu.memory_space<semaphore_mem>>) src(%dma_wait3A_61 : memref<10240x128xf32, #tpu.memory_space<hbm>>) dst(%arg9 : memref<128x128xf32, #tpu.memory_space<vmem>>)
      "tpu.region"() ({
        %run_scoped3A = tpu.sem_alloc : memref<!tpu.dma_semaphore, #tpu.memory_space<semaphore_mem>>
        %dma_start3A_142 = arith.constant 0 : i32
        %dma_start3A_143 = tpu.memref_slice %arg8[%add3A_49, %dma_start3A_142] : memref<80x128xi32, #tpu.memory_space<vmem>> -> memref<1x128xi32, #tpu.memory_space<vmem>>
        %dma_start3A_144 = tpu.memref_squeeze %dma_start3A_143 : memref<1x128xi32, #tpu.memory_space<vmem>> -> memref<128xi32, #tpu.memory_space<vmem>>
        %dma_start3A_145 = arith.constant 0 : i32
        %dma_start3A_146 = arith.constant 0 : i32
        %dma_start3A_147 = tpu.memref_slice %arg11[%dma_start3A_145, %dma_start3A_146] : memref<10240x128xf32, #tpu.memory_space<vmem_shared>> -> memref<10240x128xf32, #tpu.memory_space<vmem_shared>>
        tpu.enqueue_indirect_dma source(%arg9 : memref<128x128xf32, #tpu.memory_space<vmem>>) target(%dma_start3A_147 : memref<10240x128xf32, #tpu.memory_space<vmem_shared>>) offsets(%dma_start3A_144 : memref<128xi32, #tpu.memory_space<vmem>>) semaphore(%run_scoped3A : memref<!tpu.dma_semaphore, #tpu.memory_space<semaphore_mem>>) {add = true}
        %dma_wait3A_148 = arith.constant 0 : i32
        %dma_wait3A_149 = tpu.memref_slice %arg8[%add3A_49, %dma_wait3A_148] : memref<80x128xi32, #tpu.memory_space<vmem>> -> memref<1x128xi32, #tpu.memory_space<vmem>>
        %dma_wait3A_150 = tpu.memref_squeeze %dma_wait3A_149 : memref<1x128xi32, #tpu.memory_space<vmem>> -> memref<128xi32, #tpu.memory_space<vmem>>
        %dma_wait3A_151 = arith.constant 0 : i32
        %dma_wait3A_152 = arith.constant 0 : i32
        %dma_wait3A_153 = tpu.memref_slice %arg11[%dma_wait3A_151, %dma_wait3A_152] : memref<10240x128xf32, #tpu.memory_space<vmem_shared>> -> memref<10240x128xf32, #tpu.memory_space<vmem_shared>>
        tpu.wait_indirect_dma semaphore(%run_scoped3A : memref<!tpu.dma_semaphore, #tpu.memory_space<semaphore_mem>>) src(%arg9 : memref<128x128xf32, #tpu.memory_space<vmem>>) dst(%dma_wait3A_153 : memref<10240x128xf32, #tpu.memory_space<vmem_shared>>)
        tpu.yield
      }) : () -> ()
      %mul3A_62 = arith.constant 8 : i32
      %mul3A_63 = arith.muli %scan3A_15, %mul3A_62 : i32
      %add3A_64 = arith.constant 3 : i32
      %add3A_65 = arith.addi %mul3A_63, %add3A_64 : i32
      %dma_start3A_66 = arith.constant 0 : i32
      %dma_start3A_67 = tpu.memref_slice %arg7[%add3A_65, %dma_start3A_66] : memref<80x128xi32, #tpu.memory_space<vmem>> -> memref<1x128xi32, #tpu.memory_space<vmem>>
      %dma_start3A_68 = tpu.memref_squeeze %dma_start3A_67 : memref<1x128xi32, #tpu.memory_space<vmem>> -> memref<128xi32, #tpu.memory_space<vmem>>
      %dma_start3A_69 = arith.constant 0 : i32
      %dma_start3A_70 = arith.constant 0 : i32
      %dma_start3A_71 = tpu.memref_slice %arg2[%dma_start3A_69, %dma_start3A_70] : memref<10240x128xf32, #tpu.memory_space<hbm>> -> memref<10240x128xf32, #tpu.memory_space<hbm>>
      tpu.enqueue_indirect_dma source(%dma_start3A_71 : memref<10240x128xf32, #tpu.memory_space<hbm>>) target(%arg9 : memref<128x128xf32, #tpu.memory_space<vmem>>) offsets(%dma_start3A_68 : memref<128xi32, #tpu.memory_space<vmem>>) semaphore(%arg10 : memref<!tpu.dma_semaphore, #tpu.memory_space<semaphore_mem>>)
      %dma_wait3A_72 = arith.constant 0 : i32
      %dma_wait3A_73 = tpu.memref_slice %arg7[%add3A_65, %dma_wait3A_72] : memref<80x128xi32, #tpu.memory_space<vmem>> -> memref<1x128xi32, #tpu.memory_space<vmem>>
      %dma_wait3A_74 = tpu.memref_squeeze %dma_wait3A_73 : memref<1x128xi32, #tpu.memory_space<vmem>> -> memref<128xi32, #tpu.memory_space<vmem>>
      %dma_wait3A_75 = arith.constant 0 : i32
      %dma_wait3A_76 = arith.constant 0 : i32
      %dma_wait3A_77 = tpu.memref_slice %arg2[%dma_wait3A_75, %dma_wait3A_76] : memref<10240x128xf32, #tpu.memory_space<hbm>> -> memref<10240x128xf32, #tpu.memory_space<hbm>>
      tpu.wait_indirect_dma semaphore(%arg10 : memref<!tpu.dma_semaphore, #tpu.memory_space<semaphore_mem>>) src(%dma_wait3A_77 : memref<10240x128xf32, #tpu.memory_space<hbm>>) dst(%arg9 : memref<128x128xf32, #tpu.memory_space<vmem>>)
      "tpu.region"() ({
        %run_scoped3A = tpu.sem_alloc : memref<!tpu.dma_semaphore, #tpu.memory_space<semaphore_mem>>
        %dma_start3A_142 = arith.constant 0 : i32
        %dma_start3A_143 = tpu.memref_slice %arg8[%add3A_65, %dma_start3A_142] : memref<80x128xi32, #tpu.memory_space<vmem>> -> memref<1x128xi32, #tpu.memory_space<vmem>>
        %dma_start3A_144 = tpu.memref_squeeze %dma_start3A_143 : memref<1x128xi32, #tpu.memory_space<vmem>> -> memref<128xi32, #tpu.memory_space<vmem>>
        %dma_start3A_145 = arith.constant 0 : i32
        %dma_start3A_146 = arith.constant 0 : i32
        %dma_start3A_147 = tpu.memref_slice %arg11[%dma_start3A_145, %dma_start3A_146] : memref<10240x128xf32, #tpu.memory_space<vmem_shared>> -> memref<10240x128xf32, #tpu.memory_space<vmem_shared>>
        tpu.enqueue_indirect_dma source(%arg9 : memref<128x128xf32, #tpu.memory_space<vmem>>) target(%dma_start3A_147 : memref<10240x128xf32, #tpu.memory_space<vmem_shared>>) offsets(%dma_start3A_144 : memref<128xi32, #tpu.memory_space<vmem>>) semaphore(%run_scoped3A : memref<!tpu.dma_semaphore, #tpu.memory_space<semaphore_mem>>) {add = true}
        %dma_wait3A_148 = arith.constant 0 : i32
        %dma_wait3A_149 = tpu.memref_slice %arg8[%add3A_65, %dma_wait3A_148] : memref<80x128xi32, #tpu.memory_space<vmem>> -> memref<1x128xi32, #tpu.memory_space<vmem>>
        %dma_wait3A_150 = tpu.memref_squeeze %dma_wait3A_149 : memref<1x128xi32, #tpu.memory_space<vmem>> -> memref<128xi32, #tpu.memory_space<vmem>>
        %dma_wait3A_151 = arith.constant 0 : i32
        %dma_wait3A_152 = arith.constant 0 : i32
        %dma_wait3A_153 = tpu.memref_slice %arg11[%dma_wait3A_151, %dma_wait3A_152] : memref<10240x128xf32, #tpu.memory_space<vmem_shared>> -> memref<10240x128xf32, #tpu.memory_space<vmem_shared>>
        tpu.wait_indirect_dma semaphore(%run_scoped3A : memref<!tpu.dma_semaphore, #tpu.memory_space<semaphore_mem>>) src(%arg9 : memref<128x128xf32, #tpu.memory_space<vmem>>) dst(%dma_wait3A_153 : memref<10240x128xf32, #tpu.memory_space<vmem_shared>>)
        tpu.yield
      }) : () -> ()
      %mul3A_78 = arith.constant 8 : i32
      %mul3A_79 = arith.muli %scan3A_15, %mul3A_78 : i32
      %add3A_80 = arith.constant 4 : i32
      %add3A_81 = arith.addi %mul3A_79, %add3A_80 : i32
      %dma_start3A_82 = arith.constant 0 : i32
      %dma_start3A_83 = tpu.memref_slice %arg7[%add3A_81, %dma_start3A_82] : memref<80x128xi32, #tpu.memory_space<vmem>> -> memref<1x128xi32, #tpu.memory_space<vmem>>
      %dma_start3A_84 = tpu.memref_squeeze %dma_start3A_83 : memref<1x128xi32, #tpu.memory_space<vmem>> -> memref<128xi32, #tpu.memory_space<vmem>>
      %dma_start3A_85 = arith.constant 0 : i32
      %dma_start3A_86 = arith.constant 0 : i32
      %dma_start3A_87 = tpu.memref_slice %arg2[%dma_start3A_85, %dma_start3A_86] : memref<10240x128xf32, #tpu.memory_space<hbm>> -> memref<10240x128xf32, #tpu.memory_space<hbm>>
      tpu.enqueue_indirect_dma source(%dma_start3A_87 : memref<10240x128xf32, #tpu.memory_space<hbm>>) target(%arg9 : memref<128x128xf32, #tpu.memory_space<vmem>>) offsets(%dma_start3A_84 : memref<128xi32, #tpu.memory_space<vmem>>) semaphore(%arg10 : memref<!tpu.dma_semaphore, #tpu.memory_space<semaphore_mem>>)
      %dma_wait3A_88 = arith.constant 0 : i32
      %dma_wait3A_89 = tpu.memref_slice %arg7[%add3A_81, %dma_wait3A_88] : memref<80x128xi32, #tpu.memory_space<vmem>> -> memref<1x128xi32, #tpu.memory_space<vmem>>
      %dma_wait3A_90 = tpu.memref_squeeze %dma_wait3A_89 : memref<1x128xi32, #tpu.memory_space<vmem>> -> memref<128xi32, #tpu.memory_space<vmem>>
      %dma_wait3A_91 = arith.constant 0 : i32
      %dma_wait3A_92 = arith.constant 0 : i32
      %dma_wait3A_93 = tpu.memref_slice %arg2[%dma_wait3A_91, %dma_wait3A_92] : memref<10240x128xf32, #tpu.memory_space<hbm>> -> memref<10240x128xf32, #tpu.memory_space<hbm>>
      tpu.wait_indirect_dma semaphore(%arg10 : memref<!tpu.dma_semaphore, #tpu.memory_space<semaphore_mem>>) src(%dma_wait3A_93 : memref<10240x128xf32, #tpu.memory_space<hbm>>) dst(%arg9 : memref<128x128xf32, #tpu.memory_space<vmem>>)
      "tpu.region"() ({
        %run_scoped3A = tpu.sem_alloc : memref<!tpu.dma_semaphore, #tpu.memory_space<semaphore_mem>>
        %dma_start3A_142 = arith.constant 0 : i32
        %dma_start3A_143 = tpu.memref_slice %arg8[%add3A_81, %dma_start3A_142] : memref<80x128xi32, #tpu.memory_space<vmem>> -> memref<1x128xi32, #tpu.memory_space<vmem>>
        %dma_start3A_144 = tpu.memref_squeeze %dma_start3A_143 : memref<1x128xi32, #tpu.memory_space<vmem>> -> memref<128xi32, #tpu.memory_space<vmem>>
        %dma_start3A_145 = arith.constant 0 : i32
        %dma_start3A_146 = arith.constant 0 : i32
        %dma_start3A_147 = tpu.memref_slice %arg11[%dma_start3A_145, %dma_start3A_146] : memref<10240x128xf32, #tpu.memory_space<vmem_shared>> -> memref<10240x128xf32, #tpu.memory_space<vmem_shared>>
        tpu.enqueue_indirect_dma source(%arg9 : memref<128x128xf32, #tpu.memory_space<vmem>>) target(%dma_start3A_147 : memref<10240x128xf32, #tpu.memory_space<vmem_shared>>) offsets(%dma_start3A_144 : memref<128xi32, #tpu.memory_space<vmem>>) semaphore(%run_scoped3A : memref<!tpu.dma_semaphore, #tpu.memory_space<semaphore_mem>>) {add = true}
        %dma_wait3A_148 = arith.constant 0 : i32
        %dma_wait3A_149 = tpu.memref_slice %arg8[%add3A_81, %dma_wait3A_148] : memref<80x128xi32, #tpu.memory_space<vmem>> -> memref<1x128xi32, #tpu.memory_space<vmem>>
        %dma_wait3A_150 = tpu.memref_squeeze %dma_wait3A_149 : memref<1x128xi32, #tpu.memory_space<vmem>> -> memref<128xi32, #tpu.memory_space<vmem>>
        %dma_wait3A_151 = arith.constant 0 : i32
        %dma_wait3A_152 = arith.constant 0 : i32
        %dma_wait3A_153 = tpu.memref_slice %arg11[%dma_wait3A_151, %dma_wait3A_152] : memref<10240x128xf32, #tpu.memory_space<vmem_shared>> -> memref<10240x128xf32, #tpu.memory_space<vmem_shared>>
        tpu.wait_indirect_dma semaphore(%run_scoped3A : memref<!tpu.dma_semaphore, #tpu.memory_space<semaphore_mem>>) src(%arg9 : memref<128x128xf32, #tpu.memory_space<vmem>>) dst(%dma_wait3A_153 : memref<10240x128xf32, #tpu.memory_space<vmem_shared>>)
        tpu.yield
      }) : () -> ()
      %mul3A_94 = arith.constant 8 : i32
      %mul3A_95 = arith.muli %scan3A_15, %mul3A_94 : i32
      %add3A_96 = arith.constant 5 : i32
      %add3A_97 = arith.addi %mul3A_95, %add3A_96 : i32
      %dma_start3A_98 = arith.constant 0 : i32
      %dma_start3A_99 = tpu.memref_slice %arg7[%add3A_97, %dma_start3A_98] : memref<80x128xi32, #tpu.memory_space<vmem>> -> memref<1x128xi32, #tpu.memory_space<vmem>>
      %dma_start3A_100 = tpu.memref_squeeze %dma_start3A_99 : memref<1x128xi32, #tpu.memory_space<vmem>> -> memref<128xi32, #tpu.memory_space<vmem>>
      %dma_start3A_101 = arith.constant 0 : i32
      %dma_start3A_102 = arith.constant 0 : i32
      %dma_start3A_103 = tpu.memref_slice %arg2[%dma_start3A_101, %dma_start3A_102] : memref<10240x128xf32, #tpu.memory_space<hbm>> -> memref<10240x128xf32, #tpu.memory_space<hbm>>
      tpu.enqueue_indirect_dma source(%dma_start3A_103 : memref<10240x128xf32, #tpu.memory_space<hbm>>) target(%arg9 : memref<128x128xf32, #tpu.memory_space<vmem>>) offsets(%dma_start3A_100 : memref<128xi32, #tpu.memory_space<vmem>>) semaphore(%arg10 : memref<!tpu.dma_semaphore, #tpu.memory_space<semaphore_mem>>)
      %dma_wait3A_104 = arith.constant 0 : i32
      %dma_wait3A_105 = tpu.memref_slice %arg7[%add3A_97, %dma_wait3A_104] : memref<80x128xi32, #tpu.memory_space<vmem>> -> memref<1x128xi32, #tpu.memory_space<vmem>>
      %dma_wait3A_106 = tpu.memref_squeeze %dma_wait3A_105 : memref<1x128xi32, #tpu.memory_space<vmem>> -> memref<128xi32, #tpu.memory_space<vmem>>
      %dma_wait3A_107 = arith.constant 0 : i32
      %dma_wait3A_108 = arith.constant 0 : i32
      %dma_wait3A_109 = tpu.memref_slice %arg2[%dma_wait3A_107, %dma_wait3A_108] : memref<10240x128xf32, #tpu.memory_space<hbm>> -> memref<10240x128xf32, #tpu.memory_space<hbm>>
      tpu.wait_indirect_dma semaphore(%arg10 : memref<!tpu.dma_semaphore, #tpu.memory_space<semaphore_mem>>) src(%dma_wait3A_109 : memref<10240x128xf32, #tpu.memory_space<hbm>>) dst(%arg9 : memref<128x128xf32, #tpu.memory_space<vmem>>)
      "tpu.region"() ({
        %run_scoped3A = tpu.sem_alloc : memref<!tpu.dma_semaphore, #tpu.memory_space<semaphore_mem>>
        %dma_start3A_142 = arith.constant 0 : i32
        %dma_start3A_143 = tpu.memref_slice %arg8[%add3A_97, %dma_start3A_142] : memref<80x128xi32, #tpu.memory_space<vmem>> -> memref<1x128xi32, #tpu.memory_space<vmem>>
        %dma_start3A_144 = tpu.memref_squeeze %dma_start3A_143 : memref<1x128xi32, #tpu.memory_space<vmem>> -> memref<128xi32, #tpu.memory_space<vmem>>
        %dma_start3A_145 = arith.constant 0 : i32
        %dma_start3A_146 = arith.constant 0 : i32
        %dma_start3A_147 = tpu.memref_slice %arg11[%dma_start3A_145, %dma_start3A_146] : memref<10240x128xf32, #tpu.memory_space<vmem_shared>> -> memref<10240x128xf32, #tpu.memory_space<vmem_shared>>
        tpu.enqueue_indirect_dma source(%arg9 : memref<128x128xf32, #tpu.memory_space<vmem>>) target(%dma_start3A_147 : memref<10240x128xf32, #tpu.memory_space<vmem_shared>>) offsets(%dma_start3A_144 : memref<128xi32, #tpu.memory_space<vmem>>) semaphore(%run_scoped3A : memref<!tpu.dma_semaphore, #tpu.memory_space<semaphore_mem>>) {add = true}
        %dma_wait3A_148 = arith.constant 0 : i32
        %dma_wait3A_149 = tpu.memref_slice %arg8[%add3A_97, %dma_wait3A_148] : memref<80x128xi32, #tpu.memory_space<vmem>> -> memref<1x128xi32, #tpu.memory_space<vmem>>
        %dma_wait3A_150 = tpu.memref_squeeze %dma_wait3A_149 : memref<1x128xi32, #tpu.memory_space<vmem>> -> memref<128xi32, #tpu.memory_space<vmem>>
        %dma_wait3A_151 = arith.constant 0 : i32
        %dma_wait3A_152 = arith.constant 0 : i32
        %dma_wait3A_153 = tpu.memref_slice %arg11[%dma_wait3A_151, %dma_wait3A_152] : memref<10240x128xf32, #tpu.memory_space<vmem_shared>> -> memref<10240x128xf32, #tpu.memory_space<vmem_shared>>
        tpu.wait_indirect_dma semaphore(%run_scoped3A : memref<!tpu.dma_semaphore, #tpu.memory_space<semaphore_mem>>) src(%arg9 : memref<128x128xf32, #tpu.memory_space<vmem>>) dst(%dma_wait3A_153 : memref<10240x128xf32, #tpu.memory_space<vmem_shared>>)
        tpu.yield
      }) : () -> ()
      %mul3A_110 = arith.constant 8 : i32
      %mul3A_111 = arith.muli %scan3A_15, %mul3A_110 : i32
      %add3A_112 = arith.constant 6 : i32
      %add3A_113 = arith.addi %mul3A_111, %add3A_112 : i32
      %dma_start3A_114 = arith.constant 0 : i32
      %dma_start3A_115 = tpu.memref_slice %arg7[%add3A_113, %dma_start3A_114] : memref<80x128xi32, #tpu.memory_space<vmem>> -> memref<1x128xi32, #tpu.memory_space<vmem>>
      %dma_start3A_116 = tpu.memref_squeeze %dma_start3A_115 : memref<1x128xi32, #tpu.memory_space<vmem>> -> memref<128xi32, #tpu.memory_space<vmem>>
      %dma_start3A_117 = arith.constant 0 : i32
      %dma_start3A_118 = arith.constant 0 : i32
      %dma_start3A_119 = tpu.memref_slice %arg2[%dma_start3A_117, %dma_start3A_118] : memref<10240x128xf32, #tpu.memory_space<hbm>> -> memref<10240x128xf32, #tpu.memory_space<hbm>>
      tpu.enqueue_indirect_dma source(%dma_start3A_119 : memref<10240x128xf32, #tpu.memory_space<hbm>>) target(%arg9 : memref<128x128xf32, #tpu.memory_space<vmem>>) offsets(%dma_start3A_116 : memref<128xi32, #tpu.memory_space<vmem>>) semaphore(%arg10 : memref<!tpu.dma_semaphore, #tpu.memory_space<semaphore_mem>>)
      %dma_wait3A_120 = arith.constant 0 : i32
      %dma_wait3A_121 = tpu.memref_slice %arg7[%add3A_113, %dma_wait3A_120] : memref<80x128xi32, #tpu.memory_space<vmem>> -> memref<1x128xi32, #tpu.memory_space<vmem>>
      %dma_wait3A_122 = tpu.memref_squeeze %dma_wait3A_121 : memref<1x128xi32, #tpu.memory_space<vmem>> -> memref<128xi32, #tpu.memory_space<vmem>>
      %dma_wait3A_123 = arith.constant 0 : i32
      %dma_wait3A_124 = arith.constant 0 : i32
      %dma_wait3A_125 = tpu.memref_slice %arg2[%dma_wait3A_123, %dma_wait3A_124] : memref<10240x128xf32, #tpu.memory_space<hbm>> -> memref<10240x128xf32, #tpu.memory_space<hbm>>
      tpu.wait_indirect_dma semaphore(%arg10 : memref<!tpu.dma_semaphore, #tpu.memory_space<semaphore_mem>>) src(%dma_wait3A_125 : memref<10240x128xf32, #tpu.memory_space<hbm>>) dst(%arg9 : memref<128x128xf32, #tpu.memory_space<vmem>>)
      "tpu.region"() ({
        %run_scoped3A = tpu.sem_alloc : memref<!tpu.dma_semaphore, #tpu.memory_space<semaphore_mem>>
        %dma_start3A_142 = arith.constant 0 : i32
        %dma_start3A_143 = tpu.memref_slice %arg8[%add3A_113, %dma_start3A_142] : memref<80x128xi32, #tpu.memory_space<vmem>> -> memref<1x128xi32, #tpu.memory_space<vmem>>
        %dma_start3A_144 = tpu.memref_squeeze %dma_start3A_143 : memref<1x128xi32, #tpu.memory_space<vmem>> -> memref<128xi32, #tpu.memory_space<vmem>>
        %dma_start3A_145 = arith.constant 0 : i32
        %dma_start3A_146 = arith.constant 0 : i32
        %dma_start3A_147 = tpu.memref_slice %arg11[%dma_start3A_145, %dma_start3A_146] : memref<10240x128xf32, #tpu.memory_space<vmem_shared>> -> memref<10240x128xf32, #tpu.memory_space<vmem_shared>>
        tpu.enqueue_indirect_dma source(%arg9 : memref<128x128xf32, #tpu.memory_space<vmem>>) target(%dma_start3A_147 : memref<10240x128xf32, #tpu.memory_space<vmem_shared>>) offsets(%dma_start3A_144 : memref<128xi32, #tpu.memory_space<vmem>>) semaphore(%run_scoped3A : memref<!tpu.dma_semaphore, #tpu.memory_space<semaphore_mem>>) {add = true}
        %dma_wait3A_148 = arith.constant 0 : i32
        %dma_wait3A_149 = tpu.memref_slice %arg8[%add3A_113, %dma_wait3A_148] : memref<80x128xi32, #tpu.memory_space<vmem>> -> memref<1x128xi32, #tpu.memory_space<vmem>>
        %dma_wait3A_150 = tpu.memref_squeeze %dma_wait3A_149 : memref<1x128xi32, #tpu.memory_space<vmem>> -> memref<128xi32, #tpu.memory_space<vmem>>
        %dma_wait3A_151 = arith.constant 0 : i32
        %dma_wait3A_152 = arith.constant 0 : i32
        %dma_wait3A_153 = tpu.memref_slice %arg11[%dma_wait3A_151, %dma_wait3A_152] : memref<10240x128xf32, #tpu.memory_space<vmem_shared>> -> memref<10240x128xf32, #tpu.memory_space<vmem_shared>>
        tpu.wait_indirect_dma semaphore(%run_scoped3A : memref<!tpu.dma_semaphore, #tpu.memory_space<semaphore_mem>>) src(%arg9 : memref<128x128xf32, #tpu.memory_space<vmem>>) dst(%dma_wait3A_153 : memref<10240x128xf32, #tpu.memory_space<vmem_shared>>)
        tpu.yield
      }) : () -> ()
      %mul3A_126 = arith.constant 8 : i32
      %mul3A_127 = arith.muli %scan3A_15, %mul3A_126 : i32
      %add3A_128 = arith.constant 7 : i32
      %add3A_129 = arith.addi %mul3A_127, %add3A_128 : i32
      %dma_start3A_130 = arith.constant 0 : i32
      %dma_start3A_131 = tpu.memref_slice %arg7[%add3A_129, %dma_start3A_130] : memref<80x128xi32, #tpu.memory_space<vmem>> -> memref<1x128xi32, #tpu.memory_space<vmem>>
      %dma_start3A_132 = tpu.memref_squeeze %dma_start3A_131 : memref<1x128xi32, #tpu.memory_space<vmem>> -> memref<128xi32, #tpu.memory_space<vmem>>
      %dma_start3A_133 = arith.constant 0 : i32
      %dma_start3A_134 = arith.constant 0 : i32
      %dma_start3A_135 = tpu.memref_slice %arg2[%dma_start3A_133, %dma_start3A_134] : memref<10240x128xf32, #tpu.memory_space<hbm>> -> memref<10240x128xf32, #tpu.memory_space<hbm>>
      tpu.enqueue_indirect_dma source(%dma_start3A_135 : memref<10240x128xf32, #tpu.memory_space<hbm>>) target(%arg9 : memref<128x128xf32, #tpu.memory_space<vmem>>) offsets(%dma_start3A_132 : memref<128xi32, #tpu.memory_space<vmem>>) semaphore(%arg10 : memref<!tpu.dma_semaphore, #tpu.memory_space<semaphore_mem>>)
      %dma_wait3A_136 = arith.constant 0 : i32
      %dma_wait3A_137 = tpu.memref_slice %arg7[%add3A_129, %dma_wait3A_136] : memref<80x128xi32, #tpu.memory_space<vmem>> -> memref<1x128xi32, #tpu.memory_space<vmem>>
      %dma_wait3A_138 = tpu.memref_squeeze %dma_wait3A_137 : memref<1x128xi32, #tpu.memory_space<vmem>> -> memref<128xi32, #tpu.memory_space<vmem>>
      %dma_wait3A_139 = arith.constant 0 : i32
      %dma_wait3A_140 = arith.constant 0 : i32
      %dma_wait3A_141 = tpu.memref_slice %arg2[%dma_wait3A_139, %dma_wait3A_140] : memref<10240x128xf32, #tpu.memory_space<hbm>> -> memref<10240x128xf32, #tpu.memory_space<hbm>>
      tpu.wait_indirect_dma semaphore(%arg10 : memref<!tpu.dma_semaphore, #tpu.memory_space<semaphore_mem>>) src(%dma_wait3A_141 : memref<10240x128xf32, #tpu.memory_space<hbm>>) dst(%arg9 : memref<128x128xf32, #tpu.memory_space<vmem>>)
      "tpu.region"() ({
        %run_scoped3A = tpu.sem_alloc : memref<!tpu.dma_semaphore, #tpu.memory_space<semaphore_mem>>
        %dma_start3A_142 = arith.constant 0 : i32
        %dma_start3A_143 = tpu.memref_slice %arg8[%add3A_129, %dma_start3A_142] : memref<80x128xi32, #tpu.memory_space<vmem>> -> memref<1x128xi32, #tpu.memory_space<vmem>>
        %dma_start3A_144 = tpu.memref_squeeze %dma_start3A_143 : memref<1x128xi32, #tpu.memory_space<vmem>> -> memref<128xi32, #tpu.memory_space<vmem>>
        %dma_start3A_145 = arith.constant 0 : i32
        %dma_start3A_146 = arith.constant 0 : i32
        %dma_start3A_147 = tpu.memref_slice %arg11[%dma_start3A_145, %dma_start3A_146] : memref<10240x128xf32, #tpu.memory_space<vmem_shared>> -> memref<10240x128xf32, #tpu.memory_space<vmem_shared>>
        tpu.enqueue_indirect_dma source(%arg9 : memref<128x128xf32, #tpu.memory_space<vmem>>) target(%dma_start3A_147 : memref<10240x128xf32, #tpu.memory_space<vmem_shared>>) offsets(%dma_start3A_144 : memref<128xi32, #tpu.memory_space<vmem>>) semaphore(%run_scoped3A : memref<!tpu.dma_semaphore, #tpu.memory_space<semaphore_mem>>) {add = true}
        %dma_wait3A_148 = arith.constant 0 : i32
        %dma_wait3A_149 = tpu.memref_slice %arg8[%add3A_129, %dma_wait3A_148] : memref<80x128xi32, #tpu.memory_space<vmem>> -> memref<1x128xi32, #tpu.memory_space<vmem>>
        %dma_wait3A_150 = tpu.memref_squeeze %dma_wait3A_149 : memref<1x128xi32, #tpu.memory_space<vmem>> -> memref<128xi32, #tpu.memory_space<vmem>>
        %dma_wait3A_151 = arith.constant 0 : i32
        %dma_wait3A_152 = arith.constant 0 : i32
        %dma_wait3A_153 = tpu.memref_slice %arg11[%dma_wait3A_151, %dma_wait3A_152] : memref<10240x128xf32, #tpu.memory_space<vmem_shared>> -> memref<10240x128xf32, #tpu.memory_space<vmem_shared>>
        tpu.wait_indirect_dma semaphore(%run_scoped3A : memref<!tpu.dma_semaphore, #tpu.memory_space<semaphore_mem>>) src(%arg9 : memref<128x128xf32, #tpu.memory_space<vmem>>) dst(%dma_wait3A_153 : memref<10240x128xf32, #tpu.memory_space<vmem_shared>>)
        tpu.yield
      }) : () -> ()
    }
    %scan3A_9 = arith.constant 10 : i32
    %barrier3A_10 = arith.constant 0 : index
    tpu.barrier barrier_id(%barrier3A_10)
    %mul3A_11 = arith.constant 640 : i32
    %mul3A_12 = arith.muli %arg1, %mul3A_11 : i32
    %mul3A_13 = arith.constant 640 : i32
    %mul3A_14 = arith.muli %arg1, %mul3A_13 : i32
    "tpu.region"() ({
      %run_scoped3A = tpu.sem_alloc : memref<!tpu.dma_semaphore, #tpu.memory_space<semaphore_mem>>
      %dma_start3A = arith.constant 0 : i32
      %dma_start3A_15 = tpu.memref_slice %arg6[%arg0, %mul3A_14, %dma_start3A] : memref<2x10240x128xf32, #tpu.memory_space<hbm>> -> memref<1x640x128xf32, #tpu.memory_space<hbm>>
      %dma_start3A_16 = tpu.memref_squeeze %dma_start3A_15 : memref<1x640x128xf32, #tpu.memory_space<hbm>> -> memref<640x128xf32, #tpu.memory_space<hbm>>
      %dma_start3A_17 = arith.constant 0 : i32
      %dma_start3A_18 = tpu.memref_slice %arg11[%mul3A_12, %dma_start3A_17] : memref<10240x128xf32, #tpu.memory_space<vmem_shared>> -> memref<640x128xf32, #tpu.memory_space<vmem_shared>>
      tpu.enqueue_dma source(%dma_start3A_18 : memref<640x128xf32, #tpu.memory_space<vmem_shared>>) target(%dma_start3A_16 : memref<640x128xf32, #tpu.memory_space<hbm>>) target_semaphore(%run_scoped3A : memref<!tpu.dma_semaphore, #tpu.memory_space<semaphore_mem>>)
      %dma_wait3A = arith.constant 0 : i32
      %dma_wait3A_19 = tpu.memref_slice %arg6[%arg0, %mul3A_14, %dma_wait3A] : memref<2x10240x128xf32, #tpu.memory_space<hbm>> -> memref<1x640x128xf32, #tpu.memory_space<hbm>>
      %dma_wait3A_20 = tpu.memref_squeeze %dma_wait3A_19 : memref<1x640x128xf32, #tpu.memory_space<hbm>> -> memref<640x128xf32, #tpu.memory_space<hbm>>
      %dma_wait3A_21 = arith.constant 0 : i32
      %dma_wait3A_22 = tpu.memref_slice %arg11[%mul3A_12, %dma_wait3A_21] : memref<10240x128xf32, #tpu.memory_space<vmem_shared>> -> memref<640x128xf32, #tpu.memory_space<vmem_shared>>
      tpu.wait_dma2 semaphore(%run_scoped3A : memref<!tpu.dma_semaphore, #tpu.memory_space<semaphore_mem>>) src(%dma_wait3A_22 : memref<640x128xf32, #tpu.memory_space<vmem_shared>>) dst(%dma_wait3A_20 : memref<640x128xf32, #tpu.memory_space<hbm>>)
      tpu.yield
    }) : () -> ()
    return
  }
}

#map = affine_map<(d0, d1) -> (0, 0, 0)>
#map1 = affine_map<(d0, d1) -> (0, 0)>
module attributes {stable_mosaic.version = 14 : i64} {
  func.func @_deg_body(%arg0: i32, %arg1: i32, %arg2: memref<32x80x128xi32, #tpu.memory_space<hbm>>, %arg3: memref<10240x128xf32, #tpu.memory_space<hbm>>, %arg4: memref<128x128xf32, #tpu.memory_space<hbm>>, %arg5: memref<2x10240x128xf32, #tpu.memory_space<hbm>>, %arg6: memref<80x128xi32, #tpu.memory_space<vmem>>, %arg7: memref<128x128xf32, #tpu.memory_space<vmem>>, %arg8: memref<10240x128xf32, #tpu.memory_space<vmem_shared>>) attributes {dimension_semantics = [#tpu.dimension_semantics<core_parallel>, #tpu.dimension_semantics<subcore_parallel>], iteration_bounds = array<i64: 2, 16>, scalar_prefetch = 0 : i64, scratch_operands = 3 : i64, tpu.core_type = #tpu.core_type<sc_vector_subcore>, window_params = [{transform_indices = #map}, {transform_indices = #map1}, {transform_indices = #map1}, {transform_indices = #map}]} {
    %mul3A = arith.constant 16 : i32
    %mul3A_0 = arith.muli %arg0, %mul3A : i32
    %add3A = arith.addi %mul3A_0, %arg1 : i32
    "tpu.region"() ({
      %run_scoped3A = tpu.sem_alloc : memref<!tpu.dma_semaphore, #tpu.memory_space<semaphore_mem>>
      %dma_start3A = arith.constant 0 : i32
      %dma_start3A_15 = arith.constant 0 : i32
      %dma_start3A_16 = tpu.memref_slice %arg2[%add3A, %dma_start3A, %dma_start3A_15] : memref<32x80x128xi32, #tpu.memory_space<hbm>> -> memref<1x80x128xi32, #tpu.memory_space<hbm>>
      %dma_start3A_17 = tpu.memref_squeeze %dma_start3A_16 : memref<1x80x128xi32, #tpu.memory_space<hbm>> -> memref<80x128xi32, #tpu.memory_space<hbm>>
      %dma_start3A_18 = arith.constant 0 : i32
      %dma_start3A_19 = arith.constant 0 : i32
      %dma_start3A_20 = tpu.memref_slice %arg2[%add3A, %dma_start3A_18, %dma_start3A_19] : memref<32x80x128xi32, #tpu.memory_space<hbm>> -> memref<1x80x128xi32, #tpu.memory_space<hbm>>
      %dma_start3A_21 = tpu.memref_squeeze %dma_start3A_20 : memref<1x80x128xi32, #tpu.memory_space<hbm>> -> memref<80x128xi32, #tpu.memory_space<hbm>>
      tpu.enqueue_dma source(%dma_start3A_21 : memref<80x128xi32, #tpu.memory_space<hbm>>) target(%arg6 : memref<80x128xi32, #tpu.memory_space<vmem>>) target_semaphore(%run_scoped3A : memref<!tpu.dma_semaphore, #tpu.memory_space<semaphore_mem>>)
      %dma_wait3A = arith.constant 0 : i32
      %dma_wait3A_22 = arith.constant 0 : i32
      %dma_wait3A_23 = tpu.memref_slice %arg2[%add3A, %dma_wait3A, %dma_wait3A_22] : memref<32x80x128xi32, #tpu.memory_space<hbm>> -> memref<1x80x128xi32, #tpu.memory_space<hbm>>
      %dma_wait3A_24 = tpu.memref_squeeze %dma_wait3A_23 : memref<1x80x128xi32, #tpu.memory_space<hbm>> -> memref<80x128xi32, #tpu.memory_space<hbm>>
      %dma_wait3A_25 = arith.constant 0 : i32
      %dma_wait3A_26 = arith.constant 0 : i32
      %dma_wait3A_27 = tpu.memref_slice %arg2[%add3A, %dma_wait3A_25, %dma_wait3A_26] : memref<32x80x128xi32, #tpu.memory_space<hbm>> -> memref<1x80x128xi32, #tpu.memory_space<hbm>>
      %dma_wait3A_28 = tpu.memref_squeeze %dma_wait3A_27 : memref<1x80x128xi32, #tpu.memory_space<hbm>> -> memref<80x128xi32, #tpu.memory_space<hbm>>
      tpu.wait_dma2 semaphore(%run_scoped3A : memref<!tpu.dma_semaphore, #tpu.memory_space<semaphore_mem>>) src(%dma_wait3A_28 : memref<80x128xi32, #tpu.memory_space<hbm>>) dst(%arg6 : memref<80x128xi32, #tpu.memory_space<vmem>>)
      tpu.yield
    }) : () -> ()
    "tpu.region"() ({
      %run_scoped3A = tpu.sem_alloc : memref<!tpu.dma_semaphore, #tpu.memory_space<semaphore_mem>>
      tpu.enqueue_dma source(%arg4 : memref<128x128xf32, #tpu.memory_space<hbm>>) target(%arg7 : memref<128x128xf32, #tpu.memory_space<vmem>>) target_semaphore(%run_scoped3A : memref<!tpu.dma_semaphore, #tpu.memory_space<semaphore_mem>>)
      tpu.wait_dma2 semaphore(%run_scoped3A : memref<!tpu.dma_semaphore, #tpu.memory_space<semaphore_mem>>) src(%arg4 : memref<128x128xf32, #tpu.memory_space<hbm>>) dst(%arg7 : memref<128x128xf32, #tpu.memory_space<vmem>>)
      tpu.yield
    }) : () -> ()
    %mul3A_1 = arith.constant 640 : i32
    %mul3A_2 = arith.muli %arg1, %mul3A_1 : i32
    %mul3A_3 = arith.constant 640 : i32
    %mul3A_4 = arith.muli %arg1, %mul3A_3 : i32
    "tpu.region"() ({
      %run_scoped3A = tpu.sem_alloc : memref<!tpu.dma_semaphore, #tpu.memory_space<semaphore_mem>>
      %dma_start3A = arith.constant 0 : i32
      %dma_start3A_15 = tpu.memref_slice %arg8[%mul3A_4, %dma_start3A] : memref<10240x128xf32, #tpu.memory_space<vmem_shared>> -> memref<640x128xf32, #tpu.memory_space<vmem_shared>>
      %dma_start3A_16 = arith.constant 0 : i32
      %dma_start3A_17 = tpu.memref_slice %arg3[%mul3A_2, %dma_start3A_16] : memref<10240x128xf32, #tpu.memory_space<hbm>> -> memref<640x128xf32, #tpu.memory_space<hbm>>
      tpu.enqueue_dma source(%dma_start3A_17 : memref<640x128xf32, #tpu.memory_space<hbm>>) target(%dma_start3A_15 : memref<640x128xf32, #tpu.memory_space<vmem_shared>>) target_semaphore(%run_scoped3A : memref<!tpu.dma_semaphore, #tpu.memory_space<semaphore_mem>>)
      %dma_wait3A = arith.constant 0 : i32
      %dma_wait3A_18 = tpu.memref_slice %arg8[%mul3A_4, %dma_wait3A] : memref<10240x128xf32, #tpu.memory_space<vmem_shared>> -> memref<640x128xf32, #tpu.memory_space<vmem_shared>>
      %dma_wait3A_19 = arith.constant 0 : i32
      %dma_wait3A_20 = tpu.memref_slice %arg3[%mul3A_2, %dma_wait3A_19] : memref<10240x128xf32, #tpu.memory_space<hbm>> -> memref<640x128xf32, #tpu.memory_space<hbm>>
      tpu.wait_dma2 semaphore(%run_scoped3A : memref<!tpu.dma_semaphore, #tpu.memory_space<semaphore_mem>>) src(%dma_wait3A_20 : memref<640x128xf32, #tpu.memory_space<hbm>>) dst(%dma_wait3A_18 : memref<640x128xf32, #tpu.memory_space<vmem_shared>>)
      tpu.yield
    }) : () -> ()
    %barrier3A = arith.constant 0 : index
    tpu.barrier barrier_id(%barrier3A)
    %scan3A = arith.constant 0 : i32
    %scan3A_5 = arith.constant 0 : i32
    %scan3A_6 = arith.constant 10 : i32
    %scan3A_7 = arith.addi %scan3A_5, %scan3A_6 : i32
    %scan3A_8 = arith.constant 1 : i32
    scf.for %scan3A_15 = %scan3A_5 to %scan3A_7 step %scan3A_8  : i32 {
      %mul3A_16 = arith.constant 8 : i32
      %mul3A_17 = arith.muli %scan3A_15, %mul3A_16 : i32
      %add3A_18 = arith.constant 0 : i32
      %add3A_19 = arith.addi %mul3A_17, %add3A_18 : i32
      "tpu.region"() ({
        %run_scoped3A = tpu.sem_alloc : memref<!tpu.dma_semaphore, #tpu.memory_space<semaphore_mem>>
        %dma_start3A = arith.constant 0 : i32
        %dma_start3A_48 = tpu.memref_slice %arg6[%add3A_19, %dma_start3A] : memref<80x128xi32, #tpu.memory_space<vmem>> -> memref<1x128xi32, #tpu.memory_space<vmem>>
        %dma_start3A_49 = tpu.memref_squeeze %dma_start3A_48 : memref<1x128xi32, #tpu.memory_space<vmem>> -> memref<128xi32, #tpu.memory_space<vmem>>
        %dma_start3A_50 = arith.constant 0 : i32
        %dma_start3A_51 = arith.constant 0 : i32
        %dma_start3A_52 = tpu.memref_slice %arg8[%dma_start3A_50, %dma_start3A_51] : memref<10240x128xf32, #tpu.memory_space<vmem_shared>> -> memref<10240x128xf32, #tpu.memory_space<vmem_shared>>
        tpu.enqueue_indirect_dma source(%arg7 : memref<128x128xf32, #tpu.memory_space<vmem>>) target(%dma_start3A_52 : memref<10240x128xf32, #tpu.memory_space<vmem_shared>>) offsets(%dma_start3A_49 : memref<128xi32, #tpu.memory_space<vmem>>) semaphore(%run_scoped3A : memref<!tpu.dma_semaphore, #tpu.memory_space<semaphore_mem>>) {add = true}
        %dma_wait3A = arith.constant 0 : i32
        %dma_wait3A_53 = tpu.memref_slice %arg6[%add3A_19, %dma_wait3A] : memref<80x128xi32, #tpu.memory_space<vmem>> -> memref<1x128xi32, #tpu.memory_space<vmem>>
        %dma_wait3A_54 = tpu.memref_squeeze %dma_wait3A_53 : memref<1x128xi32, #tpu.memory_space<vmem>> -> memref<128xi32, #tpu.memory_space<vmem>>
        %dma_wait3A_55 = arith.constant 0 : i32
        %dma_wait3A_56 = arith.constant 0 : i32
        %dma_wait3A_57 = tpu.memref_slice %arg8[%dma_wait3A_55, %dma_wait3A_56] : memref<10240x128xf32, #tpu.memory_space<vmem_shared>> -> memref<10240x128xf32, #tpu.memory_space<vmem_shared>>
        tpu.wait_indirect_dma semaphore(%run_scoped3A : memref<!tpu.dma_semaphore, #tpu.memory_space<semaphore_mem>>) src(%arg7 : memref<128x128xf32, #tpu.memory_space<vmem>>) dst(%dma_wait3A_57 : memref<10240x128xf32, #tpu.memory_space<vmem_shared>>)
        tpu.yield
      }) : () -> ()
      %mul3A_20 = arith.constant 8 : i32
      %mul3A_21 = arith.muli %scan3A_15, %mul3A_20 : i32
      %add3A_22 = arith.constant 1 : i32
      %add3A_23 = arith.addi %mul3A_21, %add3A_22 : i32
      "tpu.region"() ({
        %run_scoped3A = tpu.sem_alloc : memref<!tpu.dma_semaphore, #tpu.memory_space<semaphore_mem>>
        %dma_start3A = arith.constant 0 : i32
        %dma_start3A_48 = tpu.memref_slice %arg6[%add3A_23, %dma_start3A] : memref<80x128xi32, #tpu.memory_space<vmem>> -> memref<1x128xi32, #tpu.memory_space<vmem>>
        %dma_start3A_49 = tpu.memref_squeeze %dma_start3A_48 : memref<1x128xi32, #tpu.memory_space<vmem>> -> memref<128xi32, #tpu.memory_space<vmem>>
        %dma_start3A_50 = arith.constant 0 : i32
        %dma_start3A_51 = arith.constant 0 : i32
        %dma_start3A_52 = tpu.memref_slice %arg8[%dma_start3A_50, %dma_start3A_51] : memref<10240x128xf32, #tpu.memory_space<vmem_shared>> -> memref<10240x128xf32, #tpu.memory_space<vmem_shared>>
        tpu.enqueue_indirect_dma source(%arg7 : memref<128x128xf32, #tpu.memory_space<vmem>>) target(%dma_start3A_52 : memref<10240x128xf32, #tpu.memory_space<vmem_shared>>) offsets(%dma_start3A_49 : memref<128xi32, #tpu.memory_space<vmem>>) semaphore(%run_scoped3A : memref<!tpu.dma_semaphore, #tpu.memory_space<semaphore_mem>>) {add = true}
        %dma_wait3A = arith.constant 0 : i32
        %dma_wait3A_53 = tpu.memref_slice %arg6[%add3A_23, %dma_wait3A] : memref<80x128xi32, #tpu.memory_space<vmem>> -> memref<1x128xi32, #tpu.memory_space<vmem>>
        %dma_wait3A_54 = tpu.memref_squeeze %dma_wait3A_53 : memref<1x128xi32, #tpu.memory_space<vmem>> -> memref<128xi32, #tpu.memory_space<vmem>>
        %dma_wait3A_55 = arith.constant 0 : i32
        %dma_wait3A_56 = arith.constant 0 : i32
        %dma_wait3A_57 = tpu.memref_slice %arg8[%dma_wait3A_55, %dma_wait3A_56] : memref<10240x128xf32, #tpu.memory_space<vmem_shared>> -> memref<10240x128xf32, #tpu.memory_space<vmem_shared>>
        tpu.wait_indirect_dma semaphore(%run_scoped3A : memref<!tpu.dma_semaphore, #tpu.memory_space<semaphore_mem>>) src(%arg7 : memref<128x128xf32, #tpu.memory_space<vmem>>) dst(%dma_wait3A_57 : memref<10240x128xf32, #tpu.memory_space<vmem_shared>>)
        tpu.yield
      }) : () -> ()
      %mul3A_24 = arith.constant 8 : i32
      %mul3A_25 = arith.muli %scan3A_15, %mul3A_24 : i32
      %add3A_26 = arith.constant 2 : i32
      %add3A_27 = arith.addi %mul3A_25, %add3A_26 : i32
      "tpu.region"() ({
        %run_scoped3A = tpu.sem_alloc : memref<!tpu.dma_semaphore, #tpu.memory_space<semaphore_mem>>
        %dma_start3A = arith.constant 0 : i32
        %dma_start3A_48 = tpu.memref_slice %arg6[%add3A_27, %dma_start3A] : memref<80x128xi32, #tpu.memory_space<vmem>> -> memref<1x128xi32, #tpu.memory_space<vmem>>
        %dma_start3A_49 = tpu.memref_squeeze %dma_start3A_48 : memref<1x128xi32, #tpu.memory_space<vmem>> -> memref<128xi32, #tpu.memory_space<vmem>>
        %dma_start3A_50 = arith.constant 0 : i32
        %dma_start3A_51 = arith.constant 0 : i32
        %dma_start3A_52 = tpu.memref_slice %arg8[%dma_start3A_50, %dma_start3A_51] : memref<10240x128xf32, #tpu.memory_space<vmem_shared>> -> memref<10240x128xf32, #tpu.memory_space<vmem_shared>>
        tpu.enqueue_indirect_dma source(%arg7 : memref<128x128xf32, #tpu.memory_space<vmem>>) target(%dma_start3A_52 : memref<10240x128xf32, #tpu.memory_space<vmem_shared>>) offsets(%dma_start3A_49 : memref<128xi32, #tpu.memory_space<vmem>>) semaphore(%run_scoped3A : memref<!tpu.dma_semaphore, #tpu.memory_space<semaphore_mem>>) {add = true}
        %dma_wait3A = arith.constant 0 : i32
        %dma_wait3A_53 = tpu.memref_slice %arg6[%add3A_27, %dma_wait3A] : memref<80x128xi32, #tpu.memory_space<vmem>> -> memref<1x128xi32, #tpu.memory_space<vmem>>
        %dma_wait3A_54 = tpu.memref_squeeze %dma_wait3A_53 : memref<1x128xi32, #tpu.memory_space<vmem>> -> memref<128xi32, #tpu.memory_space<vmem>>
        %dma_wait3A_55 = arith.constant 0 : i32
        %dma_wait3A_56 = arith.constant 0 : i32
        %dma_wait3A_57 = tpu.memref_slice %arg8[%dma_wait3A_55, %dma_wait3A_56] : memref<10240x128xf32, #tpu.memory_space<vmem_shared>> -> memref<10240x128xf32, #tpu.memory_space<vmem_shared>>
        tpu.wait_indirect_dma semaphore(%run_scoped3A : memref<!tpu.dma_semaphore, #tpu.memory_space<semaphore_mem>>) src(%arg7 : memref<128x128xf32, #tpu.memory_space<vmem>>) dst(%dma_wait3A_57 : memref<10240x128xf32, #tpu.memory_space<vmem_shared>>)
        tpu.yield
      }) : () -> ()
      %mul3A_28 = arith.constant 8 : i32
      %mul3A_29 = arith.muli %scan3A_15, %mul3A_28 : i32
      %add3A_30 = arith.constant 3 : i32
      %add3A_31 = arith.addi %mul3A_29, %add3A_30 : i32
      "tpu.region"() ({
        %run_scoped3A = tpu.sem_alloc : memref<!tpu.dma_semaphore, #tpu.memory_space<semaphore_mem>>
        %dma_start3A = arith.constant 0 : i32
        %dma_start3A_48 = tpu.memref_slice %arg6[%add3A_31, %dma_start3A] : memref<80x128xi32, #tpu.memory_space<vmem>> -> memref<1x128xi32, #tpu.memory_space<vmem>>
        %dma_start3A_49 = tpu.memref_squeeze %dma_start3A_48 : memref<1x128xi32, #tpu.memory_space<vmem>> -> memref<128xi32, #tpu.memory_space<vmem>>
        %dma_start3A_50 = arith.constant 0 : i32
        %dma_start3A_51 = arith.constant 0 : i32
        %dma_start3A_52 = tpu.memref_slice %arg8[%dma_start3A_50, %dma_start3A_51] : memref<10240x128xf32, #tpu.memory_space<vmem_shared>> -> memref<10240x128xf32, #tpu.memory_space<vmem_shared>>
        tpu.enqueue_indirect_dma source(%arg7 : memref<128x128xf32, #tpu.memory_space<vmem>>) target(%dma_start3A_52 : memref<10240x128xf32, #tpu.memory_space<vmem_shared>>) offsets(%dma_start3A_49 : memref<128xi32, #tpu.memory_space<vmem>>) semaphore(%run_scoped3A : memref<!tpu.dma_semaphore, #tpu.memory_space<semaphore_mem>>) {add = true}
        %dma_wait3A = arith.constant 0 : i32
        %dma_wait3A_53 = tpu.memref_slice %arg6[%add3A_31, %dma_wait3A] : memref<80x128xi32, #tpu.memory_space<vmem>> -> memref<1x128xi32, #tpu.memory_space<vmem>>
        %dma_wait3A_54 = tpu.memref_squeeze %dma_wait3A_53 : memref<1x128xi32, #tpu.memory_space<vmem>> -> memref<128xi32, #tpu.memory_space<vmem>>
        %dma_wait3A_55 = arith.constant 0 : i32
        %dma_wait3A_56 = arith.constant 0 : i32
        %dma_wait3A_57 = tpu.memref_slice %arg8[%dma_wait3A_55, %dma_wait3A_56] : memref<10240x128xf32, #tpu.memory_space<vmem_shared>> -> memref<10240x128xf32, #tpu.memory_space<vmem_shared>>
        tpu.wait_indirect_dma semaphore(%run_scoped3A : memref<!tpu.dma_semaphore, #tpu.memory_space<semaphore_mem>>) src(%arg7 : memref<128x128xf32, #tpu.memory_space<vmem>>) dst(%dma_wait3A_57 : memref<10240x128xf32, #tpu.memory_space<vmem_shared>>)
        tpu.yield
      }) : () -> ()
      %mul3A_32 = arith.constant 8 : i32
      %mul3A_33 = arith.muli %scan3A_15, %mul3A_32 : i32
      %add3A_34 = arith.constant 4 : i32
      %add3A_35 = arith.addi %mul3A_33, %add3A_34 : i32
      "tpu.region"() ({
        %run_scoped3A = tpu.sem_alloc : memref<!tpu.dma_semaphore, #tpu.memory_space<semaphore_mem>>
        %dma_start3A = arith.constant 0 : i32
        %dma_start3A_48 = tpu.memref_slice %arg6[%add3A_35, %dma_start3A] : memref<80x128xi32, #tpu.memory_space<vmem>> -> memref<1x128xi32, #tpu.memory_space<vmem>>
        %dma_start3A_49 = tpu.memref_squeeze %dma_start3A_48 : memref<1x128xi32, #tpu.memory_space<vmem>> -> memref<128xi32, #tpu.memory_space<vmem>>
        %dma_start3A_50 = arith.constant 0 : i32
        %dma_start3A_51 = arith.constant 0 : i32
        %dma_start3A_52 = tpu.memref_slice %arg8[%dma_start3A_50, %dma_start3A_51] : memref<10240x128xf32, #tpu.memory_space<vmem_shared>> -> memref<10240x128xf32, #tpu.memory_space<vmem_shared>>
        tpu.enqueue_indirect_dma source(%arg7 : memref<128x128xf32, #tpu.memory_space<vmem>>) target(%dma_start3A_52 : memref<10240x128xf32, #tpu.memory_space<vmem_shared>>) offsets(%dma_start3A_49 : memref<128xi32, #tpu.memory_space<vmem>>) semaphore(%run_scoped3A : memref<!tpu.dma_semaphore, #tpu.memory_space<semaphore_mem>>) {add = true}
        %dma_wait3A = arith.constant 0 : i32
        %dma_wait3A_53 = tpu.memref_slice %arg6[%add3A_35, %dma_wait3A] : memref<80x128xi32, #tpu.memory_space<vmem>> -> memref<1x128xi32, #tpu.memory_space<vmem>>
        %dma_wait3A_54 = tpu.memref_squeeze %dma_wait3A_53 : memref<1x128xi32, #tpu.memory_space<vmem>> -> memref<128xi32, #tpu.memory_space<vmem>>
        %dma_wait3A_55 = arith.constant 0 : i32
        %dma_wait3A_56 = arith.constant 0 : i32
        %dma_wait3A_57 = tpu.memref_slice %arg8[%dma_wait3A_55, %dma_wait3A_56] : memref<10240x128xf32, #tpu.memory_space<vmem_shared>> -> memref<10240x128xf32, #tpu.memory_space<vmem_shared>>
        tpu.wait_indirect_dma semaphore(%run_scoped3A : memref<!tpu.dma_semaphore, #tpu.memory_space<semaphore_mem>>) src(%arg7 : memref<128x128xf32, #tpu.memory_space<vmem>>) dst(%dma_wait3A_57 : memref<10240x128xf32, #tpu.memory_space<vmem_shared>>)
        tpu.yield
      }) : () -> ()
      %mul3A_36 = arith.constant 8 : i32
      %mul3A_37 = arith.muli %scan3A_15, %mul3A_36 : i32
      %add3A_38 = arith.constant 5 : i32
      %add3A_39 = arith.addi %mul3A_37, %add3A_38 : i32
      "tpu.region"() ({
        %run_scoped3A = tpu.sem_alloc : memref<!tpu.dma_semaphore, #tpu.memory_space<semaphore_mem>>
        %dma_start3A = arith.constant 0 : i32
        %dma_start3A_48 = tpu.memref_slice %arg6[%add3A_39, %dma_start3A] : memref<80x128xi32, #tpu.memory_space<vmem>> -> memref<1x128xi32, #tpu.memory_space<vmem>>
        %dma_start3A_49 = tpu.memref_squeeze %dma_start3A_48 : memref<1x128xi32, #tpu.memory_space<vmem>> -> memref<128xi32, #tpu.memory_space<vmem>>
        %dma_start3A_50 = arith.constant 0 : i32
        %dma_start3A_51 = arith.constant 0 : i32
        %dma_start3A_52 = tpu.memref_slice %arg8[%dma_start3A_50, %dma_start3A_51] : memref<10240x128xf32, #tpu.memory_space<vmem_shared>> -> memref<10240x128xf32, #tpu.memory_space<vmem_shared>>
        tpu.enqueue_indirect_dma source(%arg7 : memref<128x128xf32, #tpu.memory_space<vmem>>) target(%dma_start3A_52 : memref<10240x128xf32, #tpu.memory_space<vmem_shared>>) offsets(%dma_start3A_49 : memref<128xi32, #tpu.memory_space<vmem>>) semaphore(%run_scoped3A : memref<!tpu.dma_semaphore, #tpu.memory_space<semaphore_mem>>) {add = true}
        %dma_wait3A = arith.constant 0 : i32
        %dma_wait3A_53 = tpu.memref_slice %arg6[%add3A_39, %dma_wait3A] : memref<80x128xi32, #tpu.memory_space<vmem>> -> memref<1x128xi32, #tpu.memory_space<vmem>>
        %dma_wait3A_54 = tpu.memref_squeeze %dma_wait3A_53 : memref<1x128xi32, #tpu.memory_space<vmem>> -> memref<128xi32, #tpu.memory_space<vmem>>
        %dma_wait3A_55 = arith.constant 0 : i32
        %dma_wait3A_56 = arith.constant 0 : i32
        %dma_wait3A_57 = tpu.memref_slice %arg8[%dma_wait3A_55, %dma_wait3A_56] : memref<10240x128xf32, #tpu.memory_space<vmem_shared>> -> memref<10240x128xf32, #tpu.memory_space<vmem_shared>>
        tpu.wait_indirect_dma semaphore(%run_scoped3A : memref<!tpu.dma_semaphore, #tpu.memory_space<semaphore_mem>>) src(%arg7 : memref<128x128xf32, #tpu.memory_space<vmem>>) dst(%dma_wait3A_57 : memref<10240x128xf32, #tpu.memory_space<vmem_shared>>)
        tpu.yield
      }) : () -> ()
      %mul3A_40 = arith.constant 8 : i32
      %mul3A_41 = arith.muli %scan3A_15, %mul3A_40 : i32
      %add3A_42 = arith.constant 6 : i32
      %add3A_43 = arith.addi %mul3A_41, %add3A_42 : i32
      "tpu.region"() ({
        %run_scoped3A = tpu.sem_alloc : memref<!tpu.dma_semaphore, #tpu.memory_space<semaphore_mem>>
        %dma_start3A = arith.constant 0 : i32
        %dma_start3A_48 = tpu.memref_slice %arg6[%add3A_43, %dma_start3A] : memref<80x128xi32, #tpu.memory_space<vmem>> -> memref<1x128xi32, #tpu.memory_space<vmem>>
        %dma_start3A_49 = tpu.memref_squeeze %dma_start3A_48 : memref<1x128xi32, #tpu.memory_space<vmem>> -> memref<128xi32, #tpu.memory_space<vmem>>
        %dma_start3A_50 = arith.constant 0 : i32
        %dma_start3A_51 = arith.constant 0 : i32
        %dma_start3A_52 = tpu.memref_slice %arg8[%dma_start3A_50, %dma_start3A_51] : memref<10240x128xf32, #tpu.memory_space<vmem_shared>> -> memref<10240x128xf32, #tpu.memory_space<vmem_shared>>
        tpu.enqueue_indirect_dma source(%arg7 : memref<128x128xf32, #tpu.memory_space<vmem>>) target(%dma_start3A_52 : memref<10240x128xf32, #tpu.memory_space<vmem_shared>>) offsets(%dma_start3A_49 : memref<128xi32, #tpu.memory_space<vmem>>) semaphore(%run_scoped3A : memref<!tpu.dma_semaphore, #tpu.memory_space<semaphore_mem>>) {add = true}
        %dma_wait3A = arith.constant 0 : i32
        %dma_wait3A_53 = tpu.memref_slice %arg6[%add3A_43, %dma_wait3A] : memref<80x128xi32, #tpu.memory_space<vmem>> -> memref<1x128xi32, #tpu.memory_space<vmem>>
        %dma_wait3A_54 = tpu.memref_squeeze %dma_wait3A_53 : memref<1x128xi32, #tpu.memory_space<vmem>> -> memref<128xi32, #tpu.memory_space<vmem>>
        %dma_wait3A_55 = arith.constant 0 : i32
        %dma_wait3A_56 = arith.constant 0 : i32
        %dma_wait3A_57 = tpu.memref_slice %arg8[%dma_wait3A_55, %dma_wait3A_56] : memref<10240x128xf32, #tpu.memory_space<vmem_shared>> -> memref<10240x128xf32, #tpu.memory_space<vmem_shared>>
        tpu.wait_indirect_dma semaphore(%run_scoped3A : memref<!tpu.dma_semaphore, #tpu.memory_space<semaphore_mem>>) src(%arg7 : memref<128x128xf32, #tpu.memory_space<vmem>>) dst(%dma_wait3A_57 : memref<10240x128xf32, #tpu.memory_space<vmem_shared>>)
        tpu.yield
      }) : () -> ()
      %mul3A_44 = arith.constant 8 : i32
      %mul3A_45 = arith.muli %scan3A_15, %mul3A_44 : i32
      %add3A_46 = arith.constant 7 : i32
      %add3A_47 = arith.addi %mul3A_45, %add3A_46 : i32
      "tpu.region"() ({
        %run_scoped3A = tpu.sem_alloc : memref<!tpu.dma_semaphore, #tpu.memory_space<semaphore_mem>>
        %dma_start3A = arith.constant 0 : i32
        %dma_start3A_48 = tpu.memref_slice %arg6[%add3A_47, %dma_start3A] : memref<80x128xi32, #tpu.memory_space<vmem>> -> memref<1x128xi32, #tpu.memory_space<vmem>>
        %dma_start3A_49 = tpu.memref_squeeze %dma_start3A_48 : memref<1x128xi32, #tpu.memory_space<vmem>> -> memref<128xi32, #tpu.memory_space<vmem>>
        %dma_start3A_50 = arith.constant 0 : i32
        %dma_start3A_51 = arith.constant 0 : i32
        %dma_start3A_52 = tpu.memref_slice %arg8[%dma_start3A_50, %dma_start3A_51] : memref<10240x128xf32, #tpu.memory_space<vmem_shared>> -> memref<10240x128xf32, #tpu.memory_space<vmem_shared>>
        tpu.enqueue_indirect_dma source(%arg7 : memref<128x128xf32, #tpu.memory_space<vmem>>) target(%dma_start3A_52 : memref<10240x128xf32, #tpu.memory_space<vmem_shared>>) offsets(%dma_start3A_49 : memref<128xi32, #tpu.memory_space<vmem>>) semaphore(%run_scoped3A : memref<!tpu.dma_semaphore, #tpu.memory_space<semaphore_mem>>) {add = true}
        %dma_wait3A = arith.constant 0 : i32
        %dma_wait3A_53 = tpu.memref_slice %arg6[%add3A_47, %dma_wait3A] : memref<80x128xi32, #tpu.memory_space<vmem>> -> memref<1x128xi32, #tpu.memory_space<vmem>>
        %dma_wait3A_54 = tpu.memref_squeeze %dma_wait3A_53 : memref<1x128xi32, #tpu.memory_space<vmem>> -> memref<128xi32, #tpu.memory_space<vmem>>
        %dma_wait3A_55 = arith.constant 0 : i32
        %dma_wait3A_56 = arith.constant 0 : i32
        %dma_wait3A_57 = tpu.memref_slice %arg8[%dma_wait3A_55, %dma_wait3A_56] : memref<10240x128xf32, #tpu.memory_space<vmem_shared>> -> memref<10240x128xf32, #tpu.memory_space<vmem_shared>>
        tpu.wait_indirect_dma semaphore(%run_scoped3A : memref<!tpu.dma_semaphore, #tpu.memory_space<semaphore_mem>>) src(%arg7 : memref<128x128xf32, #tpu.memory_space<vmem>>) dst(%dma_wait3A_57 : memref<10240x128xf32, #tpu.memory_space<vmem_shared>>)
        tpu.yield
      }) : () -> ()
    }
    %scan3A_9 = arith.constant 10 : i32
    %barrier3A_10 = arith.constant 0 : index
    tpu.barrier barrier_id(%barrier3A_10)
    %mul3A_11 = arith.constant 640 : i32
    %mul3A_12 = arith.muli %arg1, %mul3A_11 : i32
    %mul3A_13 = arith.constant 640 : i32
    %mul3A_14 = arith.muli %arg1, %mul3A_13 : i32
    "tpu.region"() ({
      %run_scoped3A = tpu.sem_alloc : memref<!tpu.dma_semaphore, #tpu.memory_space<semaphore_mem>>
      %dma_start3A = arith.constant 0 : i32
      %dma_start3A_15 = tpu.memref_slice %arg5[%arg0, %mul3A_14, %dma_start3A] : memref<2x10240x128xf32, #tpu.memory_space<hbm>> -> memref<1x640x128xf32, #tpu.memory_space<hbm>>
      %dma_start3A_16 = tpu.memref_squeeze %dma_start3A_15 : memref<1x640x128xf32, #tpu.memory_space<hbm>> -> memref<640x128xf32, #tpu.memory_space<hbm>>
      %dma_start3A_17 = arith.constant 0 : i32
      %dma_start3A_18 = tpu.memref_slice %arg8[%mul3A_12, %dma_start3A_17] : memref<10240x128xf32, #tpu.memory_space<vmem_shared>> -> memref<640x128xf32, #tpu.memory_space<vmem_shared>>
      tpu.enqueue_dma source(%dma_start3A_18 : memref<640x128xf32, #tpu.memory_space<vmem_shared>>) target(%dma_start3A_16 : memref<640x128xf32, #tpu.memory_space<hbm>>) target_semaphore(%run_scoped3A : memref<!tpu.dma_semaphore, #tpu.memory_space<semaphore_mem>>)
      %dma_wait3A = arith.constant 0 : i32
      %dma_wait3A_19 = tpu.memref_slice %arg5[%arg0, %mul3A_14, %dma_wait3A] : memref<2x10240x128xf32, #tpu.memory_space<hbm>> -> memref<1x640x128xf32, #tpu.memory_space<hbm>>
      %dma_wait3A_20 = tpu.memref_squeeze %dma_wait3A_19 : memref<1x640x128xf32, #tpu.memory_space<hbm>> -> memref<640x128xf32, #tpu.memory_space<hbm>>
      %dma_wait3A_21 = arith.constant 0 : i32
      %dma_wait3A_22 = tpu.memref_slice %arg8[%mul3A_12, %dma_wait3A_21] : memref<10240x128xf32, #tpu.memory_space<vmem_shared>> -> memref<640x128xf32, #tpu.memory_space<vmem_shared>>
      tpu.wait_dma2 semaphore(%run_scoped3A : memref<!tpu.dma_semaphore, #tpu.memory_space<semaphore_mem>>) src(%dma_wait3A_22 : memref<640x128xf32, #tpu.memory_space<vmem_shared>>) dst(%dma_wait3A_20 : memref<640x128xf32, #tpu.memory_space<hbm>>)
      tpu.yield
    }) : () -> ()
    return
  }
}

#map = affine_map<(d0, d1) -> (0, 0)>
#map1 = affine_map<(d0, d1) -> (0, 0, 0)>
module attributes {stable_mosaic.version = 14 : i64} {
  func.func @_conv_body(%arg0: i32, %arg1: i32, %arg2: memref<10240x128xf32, #tpu.memory_space<hbm>>, %arg3: memref<32x80x128xi32, #tpu.memory_space<hbm>>, %arg4: memref<32x80x128xi32, #tpu.memory_space<hbm>>, %arg5: memref<10240x128xf32, #tpu.memory_space<hbm>>, %arg6: memref<2x10240x128xf32, #tpu.memory_space<hbm>>, %arg7: memref<80x128xi32, #tpu.memory_space<vmem>>, %arg8: memref<80x128xi32, #tpu.memory_space<vmem>>, %arg9: memref<128x128xf32, #tpu.memory_space<vmem>>, %arg10: memref<!tpu.dma_semaphore, #tpu.memory_space<semaphore_mem>>, %arg11: memref<10240x128xf32, #tpu.memory_space<vmem_shared>>) attributes {dimension_semantics = [#tpu.dimension_semantics<core_parallel>, #tpu.dimension_semantics<subcore_parallel>], iteration_bounds = array<i64: 2, 16>, scalar_prefetch = 0 : i64, scratch_operands = 5 : i64, tpu.core_type = #tpu.core_type<sc_vector_subcore>, window_params = [{transform_indices = #map}, {transform_indices = #map1}, {transform_indices = #map1}, {transform_indices = #map}, {transform_indices = #map1}]} {
    %mul3A = arith.constant 16 : i32
    %mul3A_0 = arith.muli %arg0, %mul3A : i32
    %add3A = arith.addi %mul3A_0, %arg1 : i32
    "tpu.region"() ({
      %run_scoped3A = tpu.sem_alloc : memref<!tpu.dma_semaphore, #tpu.memory_space<semaphore_mem>>
      %dma_start3A = arith.constant 0 : i32
      %dma_start3A_15 = arith.constant 0 : i32
      %dma_start3A_16 = tpu.memref_slice %arg3[%add3A, %dma_start3A, %dma_start3A_15] : memref<32x80x128xi32, #tpu.memory_space<hbm>> -> memref<1x80x128xi32, #tpu.memory_space<hbm>>
      %dma_start3A_17 = tpu.memref_squeeze %dma_start3A_16 : memref<1x80x128xi32, #tpu.memory_space<hbm>> -> memref<80x128xi32, #tpu.memory_space<hbm>>
      %dma_start3A_18 = arith.constant 0 : i32
      %dma_start3A_19 = arith.constant 0 : i32
      %dma_start3A_20 = tpu.memref_slice %arg3[%add3A, %dma_start3A_18, %dma_start3A_19] : memref<32x80x128xi32, #tpu.memory_space<hbm>> -> memref<1x80x128xi32, #tpu.memory_space<hbm>>
      %dma_start3A_21 = tpu.memref_squeeze %dma_start3A_20 : memref<1x80x128xi32, #tpu.memory_space<hbm>> -> memref<80x128xi32, #tpu.memory_space<hbm>>
      tpu.enqueue_dma source(%dma_start3A_21 : memref<80x128xi32, #tpu.memory_space<hbm>>) target(%arg7 : memref<80x128xi32, #tpu.memory_space<vmem>>) target_semaphore(%run_scoped3A : memref<!tpu.dma_semaphore, #tpu.memory_space<semaphore_mem>>)
      %dma_wait3A = arith.constant 0 : i32
      %dma_wait3A_22 = arith.constant 0 : i32
      %dma_wait3A_23 = tpu.memref_slice %arg3[%add3A, %dma_wait3A, %dma_wait3A_22] : memref<32x80x128xi32, #tpu.memory_space<hbm>> -> memref<1x80x128xi32, #tpu.memory_space<hbm>>
      %dma_wait3A_24 = tpu.memref_squeeze %dma_wait3A_23 : memref<1x80x128xi32, #tpu.memory_space<hbm>> -> memref<80x128xi32, #tpu.memory_space<hbm>>
      %dma_wait3A_25 = arith.constant 0 : i32
      %dma_wait3A_26 = arith.constant 0 : i32
      %dma_wait3A_27 = tpu.memref_slice %arg3[%add3A, %dma_wait3A_25, %dma_wait3A_26] : memref<32x80x128xi32, #tpu.memory_space<hbm>> -> memref<1x80x128xi32, #tpu.memory_space<hbm>>
      %dma_wait3A_28 = tpu.memref_squeeze %dma_wait3A_27 : memref<1x80x128xi32, #tpu.memory_space<hbm>> -> memref<80x128xi32, #tpu.memory_space<hbm>>
      tpu.wait_dma2 semaphore(%run_scoped3A : memref<!tpu.dma_semaphore, #tpu.memory_space<semaphore_mem>>) src(%dma_wait3A_28 : memref<80x128xi32, #tpu.memory_space<hbm>>) dst(%arg7 : memref<80x128xi32, #tpu.memory_space<vmem>>)
      tpu.yield
    }) : () -> ()
    "tpu.region"() ({
      %run_scoped3A = tpu.sem_alloc : memref<!tpu.dma_semaphore, #tpu.memory_space<semaphore_mem>>
      %dma_start3A = arith.constant 0 : i32
      %dma_start3A_15 = arith.constant 0 : i32
      %dma_start3A_16 = tpu.memref_slice %arg4[%add3A, %dma_start3A, %dma_start3A_15] : memref<32x80x128xi32, #tpu.memory_space<hbm>> -> memref<1x80x128xi32, #tpu.memory_space<hbm>>
      %dma_start3A_17 = tpu.memref_squeeze %dma_start3A_16 : memref<1x80x128xi32, #tpu.memory_space<hbm>> -> memref<80x128xi32, #tpu.memory_space<hbm>>
      %dma_start3A_18 = arith.constant 0 : i32
      %dma_start3A_19 = arith.constant 0 : i32
      %dma_start3A_20 = tpu.memref_slice %arg4[%add3A, %dma_start3A_18, %dma_start3A_19] : memref<32x80x128xi32, #tpu.memory_space<hbm>> -> memref<1x80x128xi32, #tpu.memory_space<hbm>>
      %dma_start3A_21 = tpu.memref_squeeze %dma_start3A_20 : memref<1x80x128xi32, #tpu.memory_space<hbm>> -> memref<80x128xi32, #tpu.memory_space<hbm>>
      tpu.enqueue_dma source(%dma_start3A_21 : memref<80x128xi32, #tpu.memory_space<hbm>>) target(%arg8 : memref<80x128xi32, #tpu.memory_space<vmem>>) target_semaphore(%run_scoped3A : memref<!tpu.dma_semaphore, #tpu.memory_space<semaphore_mem>>)
      %dma_wait3A = arith.constant 0 : i32
      %dma_wait3A_22 = arith.constant 0 : i32
      %dma_wait3A_23 = tpu.memref_slice %arg4[%add3A, %dma_wait3A, %dma_wait3A_22] : memref<32x80x128xi32, #tpu.memory_space<hbm>> -> memref<1x80x128xi32, #tpu.memory_space<hbm>>
      %dma_wait3A_24 = tpu.memref_squeeze %dma_wait3A_23 : memref<1x80x128xi32, #tpu.memory_space<hbm>> -> memref<80x128xi32, #tpu.memory_space<hbm>>
      %dma_wait3A_25 = arith.constant 0 : i32
      %dma_wait3A_26 = arith.constant 0 : i32
      %dma_wait3A_27 = tpu.memref_slice %arg4[%add3A, %dma_wait3A_25, %dma_wait3A_26] : memref<32x80x128xi32, #tpu.memory_space<hbm>> -> memref<1x80x128xi32, #tpu.memory_space<hbm>>
      %dma_wait3A_28 = tpu.memref_squeeze %dma_wait3A_27 : memref<1x80x128xi32, #tpu.memory_space<hbm>> -> memref<80x128xi32, #tpu.memory_space<hbm>>
      tpu.wait_dma2 semaphore(%run_scoped3A : memref<!tpu.dma_semaphore, #tpu.memory_space<semaphore_mem>>) src(%dma_wait3A_28 : memref<80x128xi32, #tpu.memory_space<hbm>>) dst(%arg8 : memref<80x128xi32, #tpu.memory_space<vmem>>)
      tpu.yield
    }) : () -> ()
    %mul3A_1 = arith.constant 640 : i32
    %mul3A_2 = arith.muli %arg1, %mul3A_1 : i32
    %mul3A_3 = arith.constant 640 : i32
    %mul3A_4 = arith.muli %arg1, %mul3A_3 : i32
    "tpu.region"() ({
      %run_scoped3A = tpu.sem_alloc : memref<!tpu.dma_semaphore, #tpu.memory_space<semaphore_mem>>
      %dma_start3A = arith.constant 0 : i32
      %dma_start3A_15 = tpu.memref_slice %arg11[%mul3A_4, %dma_start3A] : memref<10240x128xf32, #tpu.memory_space<vmem_shared>> -> memref<640x128xf32, #tpu.memory_space<vmem_shared>>
      %dma_start3A_16 = arith.constant 0 : i32
      %dma_start3A_17 = tpu.memref_slice %arg5[%mul3A_2, %dma_start3A_16] : memref<10240x128xf32, #tpu.memory_space<hbm>> -> memref<640x128xf32, #tpu.memory_space<hbm>>
      tpu.enqueue_dma source(%dma_start3A_17 : memref<640x128xf32, #tpu.memory_space<hbm>>) target(%dma_start3A_15 : memref<640x128xf32, #tpu.memory_space<vmem_shared>>) target_semaphore(%run_scoped3A : memref<!tpu.dma_semaphore, #tpu.memory_space<semaphore_mem>>)
      %dma_wait3A = arith.constant 0 : i32
      %dma_wait3A_18 = tpu.memref_slice %arg11[%mul3A_4, %dma_wait3A] : memref<10240x128xf32, #tpu.memory_space<vmem_shared>> -> memref<640x128xf32, #tpu.memory_space<vmem_shared>>
      %dma_wait3A_19 = arith.constant 0 : i32
      %dma_wait3A_20 = tpu.memref_slice %arg5[%mul3A_2, %dma_wait3A_19] : memref<10240x128xf32, #tpu.memory_space<hbm>> -> memref<640x128xf32, #tpu.memory_space<hbm>>
      tpu.wait_dma2 semaphore(%run_scoped3A : memref<!tpu.dma_semaphore, #tpu.memory_space<semaphore_mem>>) src(%dma_wait3A_20 : memref<640x128xf32, #tpu.memory_space<hbm>>) dst(%dma_wait3A_18 : memref<640x128xf32, #tpu.memory_space<vmem_shared>>)
      tpu.yield
    }) : () -> ()
    %barrier3A = arith.constant 0 : index
    tpu.barrier barrier_id(%barrier3A)
    %scan3A = arith.constant 0 : i32
    %scan3A_5 = arith.constant 0 : i32
    %scan3A_6 = arith.constant 10 : i32
    %scan3A_7 = arith.addi %scan3A_5, %scan3A_6 : i32
    %scan3A_8 = arith.constant 1 : i32
    scf.for %scan3A_15 = %scan3A_5 to %scan3A_7 step %scan3A_8  : i32 {
      %mul3A_16 = arith.constant 8 : i32
      %mul3A_17 = arith.muli %scan3A_15, %mul3A_16 : i32
      %add3A_18 = arith.constant 0 : i32
      %add3A_19 = arith.addi %mul3A_17, %add3A_18 : i32
      %dma_start3A = arith.constant 0 : i32
      %dma_start3A_20 = tpu.memref_slice %arg7[%add3A_19, %dma_start3A] : memref<80x128xi32, #tpu.memory_space<vmem>> -> memref<1x128xi32, #tpu.memory_space<vmem>>
      %dma_start3A_21 = tpu.memref_squeeze %dma_start3A_20 : memref<1x128xi32, #tpu.memory_space<vmem>> -> memref<128xi32, #tpu.memory_space<vmem>>
      %dma_start3A_22 = arith.constant 0 : i32
      %dma_start3A_23 = arith.constant 0 : i32
      %dma_start3A_24 = tpu.memref_slice %arg2[%dma_start3A_22, %dma_start3A_23] : memref<10240x128xf32, #tpu.memory_space<hbm>> -> memref<10240x128xf32, #tpu.memory_space<hbm>>
      tpu.enqueue_indirect_dma source(%dma_start3A_24 : memref<10240x128xf32, #tpu.memory_space<hbm>>) target(%arg9 : memref<128x128xf32, #tpu.memory_space<vmem>>) offsets(%dma_start3A_21 : memref<128xi32, #tpu.memory_space<vmem>>) semaphore(%arg10 : memref<!tpu.dma_semaphore, #tpu.memory_space<semaphore_mem>>)
      %dma_wait3A = arith.constant 0 : i32
      %dma_wait3A_25 = tpu.memref_slice %arg7[%add3A_19, %dma_wait3A] : memref<80x128xi32, #tpu.memory_space<vmem>> -> memref<1x128xi32, #tpu.memory_space<vmem>>
      %dma_wait3A_26 = tpu.memref_squeeze %dma_wait3A_25 : memref<1x128xi32, #tpu.memory_space<vmem>> -> memref<128xi32, #tpu.memory_space<vmem>>
      %dma_wait3A_27 = arith.constant 0 : i32
      %dma_wait3A_28 = arith.constant 0 : i32
      %dma_wait3A_29 = tpu.memref_slice %arg2[%dma_wait3A_27, %dma_wait3A_28] : memref<10240x128xf32, #tpu.memory_space<hbm>> -> memref<10240x128xf32, #tpu.memory_space<hbm>>
      tpu.wait_indirect_dma semaphore(%arg10 : memref<!tpu.dma_semaphore, #tpu.memory_space<semaphore_mem>>) src(%dma_wait3A_29 : memref<10240x128xf32, #tpu.memory_space<hbm>>) dst(%arg9 : memref<128x128xf32, #tpu.memory_space<vmem>>)
      "tpu.region"() ({
        %run_scoped3A = tpu.sem_alloc : memref<!tpu.dma_semaphore, #tpu.memory_space<semaphore_mem>>
        %dma_start3A_142 = arith.constant 0 : i32
        %dma_start3A_143 = tpu.memref_slice %arg8[%add3A_19, %dma_start3A_142] : memref<80x128xi32, #tpu.memory_space<vmem>> -> memref<1x128xi32, #tpu.memory_space<vmem>>
        %dma_start3A_144 = tpu.memref_squeeze %dma_start3A_143 : memref<1x128xi32, #tpu.memory_space<vmem>> -> memref<128xi32, #tpu.memory_space<vmem>>
        %dma_start3A_145 = arith.constant 0 : i32
        %dma_start3A_146 = arith.constant 0 : i32
        %dma_start3A_147 = tpu.memref_slice %arg11[%dma_start3A_145, %dma_start3A_146] : memref<10240x128xf32, #tpu.memory_space<vmem_shared>> -> memref<10240x128xf32, #tpu.memory_space<vmem_shared>>
        tpu.enqueue_indirect_dma source(%arg9 : memref<128x128xf32, #tpu.memory_space<vmem>>) target(%dma_start3A_147 : memref<10240x128xf32, #tpu.memory_space<vmem_shared>>) offsets(%dma_start3A_144 : memref<128xi32, #tpu.memory_space<vmem>>) semaphore(%run_scoped3A : memref<!tpu.dma_semaphore, #tpu.memory_space<semaphore_mem>>) {add = true}
        %dma_wait3A_148 = arith.constant 0 : i32
        %dma_wait3A_149 = tpu.memref_slice %arg8[%add3A_19, %dma_wait3A_148] : memref<80x128xi32, #tpu.memory_space<vmem>> -> memref<1x128xi32, #tpu.memory_space<vmem>>
        %dma_wait3A_150 = tpu.memref_squeeze %dma_wait3A_149 : memref<1x128xi32, #tpu.memory_space<vmem>> -> memref<128xi32, #tpu.memory_space<vmem>>
        %dma_wait3A_151 = arith.constant 0 : i32
        %dma_wait3A_152 = arith.constant 0 : i32
        %dma_wait3A_153 = tpu.memref_slice %arg11[%dma_wait3A_151, %dma_wait3A_152] : memref<10240x128xf32, #tpu.memory_space<vmem_shared>> -> memref<10240x128xf32, #tpu.memory_space<vmem_shared>>
        tpu.wait_indirect_dma semaphore(%run_scoped3A : memref<!tpu.dma_semaphore, #tpu.memory_space<semaphore_mem>>) src(%arg9 : memref<128x128xf32, #tpu.memory_space<vmem>>) dst(%dma_wait3A_153 : memref<10240x128xf32, #tpu.memory_space<vmem_shared>>)
        tpu.yield
      }) : () -> ()
      %mul3A_30 = arith.constant 8 : i32
      %mul3A_31 = arith.muli %scan3A_15, %mul3A_30 : i32
      %add3A_32 = arith.constant 1 : i32
      %add3A_33 = arith.addi %mul3A_31, %add3A_32 : i32
      %dma_start3A_34 = arith.constant 0 : i32
      %dma_start3A_35 = tpu.memref_slice %arg7[%add3A_33, %dma_start3A_34] : memref<80x128xi32, #tpu.memory_space<vmem>> -> memref<1x128xi32, #tpu.memory_space<vmem>>
      %dma_start3A_36 = tpu.memref_squeeze %dma_start3A_35 : memref<1x128xi32, #tpu.memory_space<vmem>> -> memref<128xi32, #tpu.memory_space<vmem>>
      %dma_start3A_37 = arith.constant 0 : i32
      %dma_start3A_38 = arith.constant 0 : i32
      %dma_start3A_39 = tpu.memref_slice %arg2[%dma_start3A_37, %dma_start3A_38] : memref<10240x128xf32, #tpu.memory_space<hbm>> -> memref<10240x128xf32, #tpu.memory_space<hbm>>
      tpu.enqueue_indirect_dma source(%dma_start3A_39 : memref<10240x128xf32, #tpu.memory_space<hbm>>) target(%arg9 : memref<128x128xf32, #tpu.memory_space<vmem>>) offsets(%dma_start3A_36 : memref<128xi32, #tpu.memory_space<vmem>>) semaphore(%arg10 : memref<!tpu.dma_semaphore, #tpu.memory_space<semaphore_mem>>)
      %dma_wait3A_40 = arith.constant 0 : i32
      %dma_wait3A_41 = tpu.memref_slice %arg7[%add3A_33, %dma_wait3A_40] : memref<80x128xi32, #tpu.memory_space<vmem>> -> memref<1x128xi32, #tpu.memory_space<vmem>>
      %dma_wait3A_42 = tpu.memref_squeeze %dma_wait3A_41 : memref<1x128xi32, #tpu.memory_space<vmem>> -> memref<128xi32, #tpu.memory_space<vmem>>
      %dma_wait3A_43 = arith.constant 0 : i32
      %dma_wait3A_44 = arith.constant 0 : i32
      %dma_wait3A_45 = tpu.memref_slice %arg2[%dma_wait3A_43, %dma_wait3A_44] : memref<10240x128xf32, #tpu.memory_space<hbm>> -> memref<10240x128xf32, #tpu.memory_space<hbm>>
      tpu.wait_indirect_dma semaphore(%arg10 : memref<!tpu.dma_semaphore, #tpu.memory_space<semaphore_mem>>) src(%dma_wait3A_45 : memref<10240x128xf32, #tpu.memory_space<hbm>>) dst(%arg9 : memref<128x128xf32, #tpu.memory_space<vmem>>)
      "tpu.region"() ({
        %run_scoped3A = tpu.sem_alloc : memref<!tpu.dma_semaphore, #tpu.memory_space<semaphore_mem>>
        %dma_start3A_142 = arith.constant 0 : i32
        %dma_start3A_143 = tpu.memref_slice %arg8[%add3A_33, %dma_start3A_142] : memref<80x128xi32, #tpu.memory_space<vmem>> -> memref<1x128xi32, #tpu.memory_space<vmem>>
        %dma_start3A_144 = tpu.memref_squeeze %dma_start3A_143 : memref<1x128xi32, #tpu.memory_space<vmem>> -> memref<128xi32, #tpu.memory_space<vmem>>
        %dma_start3A_145 = arith.constant 0 : i32
        %dma_start3A_146 = arith.constant 0 : i32
        %dma_start3A_147 = tpu.memref_slice %arg11[%dma_start3A_145, %dma_start3A_146] : memref<10240x128xf32, #tpu.memory_space<vmem_shared>> -> memref<10240x128xf32, #tpu.memory_space<vmem_shared>>
        tpu.enqueue_indirect_dma source(%arg9 : memref<128x128xf32, #tpu.memory_space<vmem>>) target(%dma_start3A_147 : memref<10240x128xf32, #tpu.memory_space<vmem_shared>>) offsets(%dma_start3A_144 : memref<128xi32, #tpu.memory_space<vmem>>) semaphore(%run_scoped3A : memref<!tpu.dma_semaphore, #tpu.memory_space<semaphore_mem>>) {add = true}
        %dma_wait3A_148 = arith.constant 0 : i32
        %dma_wait3A_149 = tpu.memref_slice %arg8[%add3A_33, %dma_wait3A_148] : memref<80x128xi32, #tpu.memory_space<vmem>> -> memref<1x128xi32, #tpu.memory_space<vmem>>
        %dma_wait3A_150 = tpu.memref_squeeze %dma_wait3A_149 : memref<1x128xi32, #tpu.memory_space<vmem>> -> memref<128xi32, #tpu.memory_space<vmem>>
        %dma_wait3A_151 = arith.constant 0 : i32
        %dma_wait3A_152 = arith.constant 0 : i32
        %dma_wait3A_153 = tpu.memref_slice %arg11[%dma_wait3A_151, %dma_wait3A_152] : memref<10240x128xf32, #tpu.memory_space<vmem_shared>> -> memref<10240x128xf32, #tpu.memory_space<vmem_shared>>
        tpu.wait_indirect_dma semaphore(%run_scoped3A : memref<!tpu.dma_semaphore, #tpu.memory_space<semaphore_mem>>) src(%arg9 : memref<128x128xf32, #tpu.memory_space<vmem>>) dst(%dma_wait3A_153 : memref<10240x128xf32, #tpu.memory_space<vmem_shared>>)
        tpu.yield
      }) : () -> ()
      %mul3A_46 = arith.constant 8 : i32
      %mul3A_47 = arith.muli %scan3A_15, %mul3A_46 : i32
      %add3A_48 = arith.constant 2 : i32
      %add3A_49 = arith.addi %mul3A_47, %add3A_48 : i32
      %dma_start3A_50 = arith.constant 0 : i32
      %dma_start3A_51 = tpu.memref_slice %arg7[%add3A_49, %dma_start3A_50] : memref<80x128xi32, #tpu.memory_space<vmem>> -> memref<1x128xi32, #tpu.memory_space<vmem>>
      %dma_start3A_52 = tpu.memref_squeeze %dma_start3A_51 : memref<1x128xi32, #tpu.memory_space<vmem>> -> memref<128xi32, #tpu.memory_space<vmem>>
      %dma_start3A_53 = arith.constant 0 : i32
      %dma_start3A_54 = arith.constant 0 : i32
      %dma_start3A_55 = tpu.memref_slice %arg2[%dma_start3A_53, %dma_start3A_54] : memref<10240x128xf32, #tpu.memory_space<hbm>> -> memref<10240x128xf32, #tpu.memory_space<hbm>>
      tpu.enqueue_indirect_dma source(%dma_start3A_55 : memref<10240x128xf32, #tpu.memory_space<hbm>>) target(%arg9 : memref<128x128xf32, #tpu.memory_space<vmem>>) offsets(%dma_start3A_52 : memref<128xi32, #tpu.memory_space<vmem>>) semaphore(%arg10 : memref<!tpu.dma_semaphore, #tpu.memory_space<semaphore_mem>>)
      %dma_wait3A_56 = arith.constant 0 : i32
      %dma_wait3A_57 = tpu.memref_slice %arg7[%add3A_49, %dma_wait3A_56] : memref<80x128xi32, #tpu.memory_space<vmem>> -> memref<1x128xi32, #tpu.memory_space<vmem>>
      %dma_wait3A_58 = tpu.memref_squeeze %dma_wait3A_57 : memref<1x128xi32, #tpu.memory_space<vmem>> -> memref<128xi32, #tpu.memory_space<vmem>>
      %dma_wait3A_59 = arith.constant 0 : i32
      %dma_wait3A_60 = arith.constant 0 : i32
      %dma_wait3A_61 = tpu.memref_slice %arg2[%dma_wait3A_59, %dma_wait3A_60] : memref<10240x128xf32, #tpu.memory_space<hbm>> -> memref<10240x128xf32, #tpu.memory_space<hbm>>
      tpu.wait_indirect_dma semaphore(%arg10 : memref<!tpu.dma_semaphore, #tpu.memory_space<semaphore_mem>>) src(%dma_wait3A_61 : memref<10240x128xf32, #tpu.memory_space<hbm>>) dst(%arg9 : memref<128x128xf32, #tpu.memory_space<vmem>>)
      "tpu.region"() ({
        %run_scoped3A = tpu.sem_alloc : memref<!tpu.dma_semaphore, #tpu.memory_space<semaphore_mem>>
        %dma_start3A_142 = arith.constant 0 : i32
        %dma_start3A_143 = tpu.memref_slice %arg8[%add3A_49, %dma_start3A_142] : memref<80x128xi32, #tpu.memory_space<vmem>> -> memref<1x128xi32, #tpu.memory_space<vmem>>
        %dma_start3A_144 = tpu.memref_squeeze %dma_start3A_143 : memref<1x128xi32, #tpu.memory_space<vmem>> -> memref<128xi32, #tpu.memory_space<vmem>>
        %dma_start3A_145 = arith.constant 0 : i32
        %dma_start3A_146 = arith.constant 0 : i32
        %dma_start3A_147 = tpu.memref_slice %arg11[%dma_start3A_145, %dma_start3A_146] : memref<10240x128xf32, #tpu.memory_space<vmem_shared>> -> memref<10240x128xf32, #tpu.memory_space<vmem_shared>>
        tpu.enqueue_indirect_dma source(%arg9 : memref<128x128xf32, #tpu.memory_space<vmem>>) target(%dma_start3A_147 : memref<10240x128xf32, #tpu.memory_space<vmem_shared>>) offsets(%dma_start3A_144 : memref<128xi32, #tpu.memory_space<vmem>>) semaphore(%run_scoped3A : memref<!tpu.dma_semaphore, #tpu.memory_space<semaphore_mem>>) {add = true}
        %dma_wait3A_148 = arith.constant 0 : i32
        %dma_wait3A_149 = tpu.memref_slice %arg8[%add3A_49, %dma_wait3A_148] : memref<80x128xi32, #tpu.memory_space<vmem>> -> memref<1x128xi32, #tpu.memory_space<vmem>>
        %dma_wait3A_150 = tpu.memref_squeeze %dma_wait3A_149 : memref<1x128xi32, #tpu.memory_space<vmem>> -> memref<128xi32, #tpu.memory_space<vmem>>
        %dma_wait3A_151 = arith.constant 0 : i32
        %dma_wait3A_152 = arith.constant 0 : i32
        %dma_wait3A_153 = tpu.memref_slice %arg11[%dma_wait3A_151, %dma_wait3A_152] : memref<10240x128xf32, #tpu.memory_space<vmem_shared>> -> memref<10240x128xf32, #tpu.memory_space<vmem_shared>>
        tpu.wait_indirect_dma semaphore(%run_scoped3A : memref<!tpu.dma_semaphore, #tpu.memory_space<semaphore_mem>>) src(%arg9 : memref<128x128xf32, #tpu.memory_space<vmem>>) dst(%dma_wait3A_153 : memref<10240x128xf32, #tpu.memory_space<vmem_shared>>)
        tpu.yield
      }) : () -> ()
      %mul3A_62 = arith.constant 8 : i32
      %mul3A_63 = arith.muli %scan3A_15, %mul3A_62 : i32
      %add3A_64 = arith.constant 3 : i32
      %add3A_65 = arith.addi %mul3A_63, %add3A_64 : i32
      %dma_start3A_66 = arith.constant 0 : i32
      %dma_start3A_67 = tpu.memref_slice %arg7[%add3A_65, %dma_start3A_66] : memref<80x128xi32, #tpu.memory_space<vmem>> -> memref<1x128xi32, #tpu.memory_space<vmem>>
      %dma_start3A_68 = tpu.memref_squeeze %dma_start3A_67 : memref<1x128xi32, #tpu.memory_space<vmem>> -> memref<128xi32, #tpu.memory_space<vmem>>
      %dma_start3A_69 = arith.constant 0 : i32
      %dma_start3A_70 = arith.constant 0 : i32
      %dma_start3A_71 = tpu.memref_slice %arg2[%dma_start3A_69, %dma_start3A_70] : memref<10240x128xf32, #tpu.memory_space<hbm>> -> memref<10240x128xf32, #tpu.memory_space<hbm>>
      tpu.enqueue_indirect_dma source(%dma_start3A_71 : memref<10240x128xf32, #tpu.memory_space<hbm>>) target(%arg9 : memref<128x128xf32, #tpu.memory_space<vmem>>) offsets(%dma_start3A_68 : memref<128xi32, #tpu.memory_space<vmem>>) semaphore(%arg10 : memref<!tpu.dma_semaphore, #tpu.memory_space<semaphore_mem>>)
      %dma_wait3A_72 = arith.constant 0 : i32
      %dma_wait3A_73 = tpu.memref_slice %arg7[%add3A_65, %dma_wait3A_72] : memref<80x128xi32, #tpu.memory_space<vmem>> -> memref<1x128xi32, #tpu.memory_space<vmem>>
      %dma_wait3A_74 = tpu.memref_squeeze %dma_wait3A_73 : memref<1x128xi32, #tpu.memory_space<vmem>> -> memref<128xi32, #tpu.memory_space<vmem>>
      %dma_wait3A_75 = arith.constant 0 : i32
      %dma_wait3A_76 = arith.constant 0 : i32
      %dma_wait3A_77 = tpu.memref_slice %arg2[%dma_wait3A_75, %dma_wait3A_76] : memref<10240x128xf32, #tpu.memory_space<hbm>> -> memref<10240x128xf32, #tpu.memory_space<hbm>>
      tpu.wait_indirect_dma semaphore(%arg10 : memref<!tpu.dma_semaphore, #tpu.memory_space<semaphore_mem>>) src(%dma_wait3A_77 : memref<10240x128xf32, #tpu.memory_space<hbm>>) dst(%arg9 : memref<128x128xf32, #tpu.memory_space<vmem>>)
      "tpu.region"() ({
        %run_scoped3A = tpu.sem_alloc : memref<!tpu.dma_semaphore, #tpu.memory_space<semaphore_mem>>
        %dma_start3A_142 = arith.constant 0 : i32
        %dma_start3A_143 = tpu.memref_slice %arg8[%add3A_65, %dma_start3A_142] : memref<80x128xi32, #tpu.memory_space<vmem>> -> memref<1x128xi32, #tpu.memory_space<vmem>>
        %dma_start3A_144 = tpu.memref_squeeze %dma_start3A_143 : memref<1x128xi32, #tpu.memory_space<vmem>> -> memref<128xi32, #tpu.memory_space<vmem>>
        %dma_start3A_145 = arith.constant 0 : i32
        %dma_start3A_146 = arith.constant 0 : i32
        %dma_start3A_147 = tpu.memref_slice %arg11[%dma_start3A_145, %dma_start3A_146] : memref<10240x128xf32, #tpu.memory_space<vmem_shared>> -> memref<10240x128xf32, #tpu.memory_space<vmem_shared>>
        tpu.enqueue_indirect_dma source(%arg9 : memref<128x128xf32, #tpu.memory_space<vmem>>) target(%dma_start3A_147 : memref<10240x128xf32, #tpu.memory_space<vmem_shared>>) offsets(%dma_start3A_144 : memref<128xi32, #tpu.memory_space<vmem>>) semaphore(%run_scoped3A : memref<!tpu.dma_semaphore, #tpu.memory_space<semaphore_mem>>) {add = true}
        %dma_wait3A_148 = arith.constant 0 : i32
        %dma_wait3A_149 = tpu.memref_slice %arg8[%add3A_65, %dma_wait3A_148] : memref<80x128xi32, #tpu.memory_space<vmem>> -> memref<1x128xi32, #tpu.memory_space<vmem>>
        %dma_wait3A_150 = tpu.memref_squeeze %dma_wait3A_149 : memref<1x128xi32, #tpu.memory_space<vmem>> -> memref<128xi32, #tpu.memory_space<vmem>>
        %dma_wait3A_151 = arith.constant 0 : i32
        %dma_wait3A_152 = arith.constant 0 : i32
        %dma_wait3A_153 = tpu.memref_slice %arg11[%dma_wait3A_151, %dma_wait3A_152] : memref<10240x128xf32, #tpu.memory_space<vmem_shared>> -> memref<10240x128xf32, #tpu.memory_space<vmem_shared>>
        tpu.wait_indirect_dma semaphore(%run_scoped3A : memref<!tpu.dma_semaphore, #tpu.memory_space<semaphore_mem>>) src(%arg9 : memref<128x128xf32, #tpu.memory_space<vmem>>) dst(%dma_wait3A_153 : memref<10240x128xf32, #tpu.memory_space<vmem_shared>>)
        tpu.yield
      }) : () -> ()
      %mul3A_78 = arith.constant 8 : i32
      %mul3A_79 = arith.muli %scan3A_15, %mul3A_78 : i32
      %add3A_80 = arith.constant 4 : i32
      %add3A_81 = arith.addi %mul3A_79, %add3A_80 : i32
      %dma_start3A_82 = arith.constant 0 : i32
      %dma_start3A_83 = tpu.memref_slice %arg7[%add3A_81, %dma_start3A_82] : memref<80x128xi32, #tpu.memory_space<vmem>> -> memref<1x128xi32, #tpu.memory_space<vmem>>
      %dma_start3A_84 = tpu.memref_squeeze %dma_start3A_83 : memref<1x128xi32, #tpu.memory_space<vmem>> -> memref<128xi32, #tpu.memory_space<vmem>>
      %dma_start3A_85 = arith.constant 0 : i32
      %dma_start3A_86 = arith.constant 0 : i32
      %dma_start3A_87 = tpu.memref_slice %arg2[%dma_start3A_85, %dma_start3A_86] : memref<10240x128xf32, #tpu.memory_space<hbm>> -> memref<10240x128xf32, #tpu.memory_space<hbm>>
      tpu.enqueue_indirect_dma source(%dma_start3A_87 : memref<10240x128xf32, #tpu.memory_space<hbm>>) target(%arg9 : memref<128x128xf32, #tpu.memory_space<vmem>>) offsets(%dma_start3A_84 : memref<128xi32, #tpu.memory_space<vmem>>) semaphore(%arg10 : memref<!tpu.dma_semaphore, #tpu.memory_space<semaphore_mem>>)
      %dma_wait3A_88 = arith.constant 0 : i32
      %dma_wait3A_89 = tpu.memref_slice %arg7[%add3A_81, %dma_wait3A_88] : memref<80x128xi32, #tpu.memory_space<vmem>> -> memref<1x128xi32, #tpu.memory_space<vmem>>
      %dma_wait3A_90 = tpu.memref_squeeze %dma_wait3A_89 : memref<1x128xi32, #tpu.memory_space<vmem>> -> memref<128xi32, #tpu.memory_space<vmem>>
      %dma_wait3A_91 = arith.constant 0 : i32
      %dma_wait3A_92 = arith.constant 0 : i32
      %dma_wait3A_93 = tpu.memref_slice %arg2[%dma_wait3A_91, %dma_wait3A_92] : memref<10240x128xf32, #tpu.memory_space<hbm>> -> memref<10240x128xf32, #tpu.memory_space<hbm>>
      tpu.wait_indirect_dma semaphore(%arg10 : memref<!tpu.dma_semaphore, #tpu.memory_space<semaphore_mem>>) src(%dma_wait3A_93 : memref<10240x128xf32, #tpu.memory_space<hbm>>) dst(%arg9 : memref<128x128xf32, #tpu.memory_space<vmem>>)
      "tpu.region"() ({
        %run_scoped3A = tpu.sem_alloc : memref<!tpu.dma_semaphore, #tpu.memory_space<semaphore_mem>>
        %dma_start3A_142 = arith.constant 0 : i32
        %dma_start3A_143 = tpu.memref_slice %arg8[%add3A_81, %dma_start3A_142] : memref<80x128xi32, #tpu.memory_space<vmem>> -> memref<1x128xi32, #tpu.memory_space<vmem>>
        %dma_start3A_144 = tpu.memref_squeeze %dma_start3A_143 : memref<1x128xi32, #tpu.memory_space<vmem>> -> memref<128xi32, #tpu.memory_space<vmem>>
        %dma_start3A_145 = arith.constant 0 : i32
        %dma_start3A_146 = arith.constant 0 : i32
        %dma_start3A_147 = tpu.memref_slice %arg11[%dma_start3A_145, %dma_start3A_146] : memref<10240x128xf32, #tpu.memory_space<vmem_shared>> -> memref<10240x128xf32, #tpu.memory_space<vmem_shared>>
        tpu.enqueue_indirect_dma source(%arg9 : memref<128x128xf32, #tpu.memory_space<vmem>>) target(%dma_start3A_147 : memref<10240x128xf32, #tpu.memory_space<vmem_shared>>) offsets(%dma_start3A_144 : memref<128xi32, #tpu.memory_space<vmem>>) semaphore(%run_scoped3A : memref<!tpu.dma_semaphore, #tpu.memory_space<semaphore_mem>>) {add = true}
        %dma_wait3A_148 = arith.constant 0 : i32
        %dma_wait3A_149 = tpu.memref_slice %arg8[%add3A_81, %dma_wait3A_148] : memref<80x128xi32, #tpu.memory_space<vmem>> -> memref<1x128xi32, #tpu.memory_space<vmem>>
        %dma_wait3A_150 = tpu.memref_squeeze %dma_wait3A_149 : memref<1x128xi32, #tpu.memory_space<vmem>> -> memref<128xi32, #tpu.memory_space<vmem>>
        %dma_wait3A_151 = arith.constant 0 : i32
        %dma_wait3A_152 = arith.constant 0 : i32
        %dma_wait3A_153 = tpu.memref_slice %arg11[%dma_wait3A_151, %dma_wait3A_152] : memref<10240x128xf32, #tpu.memory_space<vmem_shared>> -> memref<10240x128xf32, #tpu.memory_space<vmem_shared>>
        tpu.wait_indirect_dma semaphore(%run_scoped3A : memref<!tpu.dma_semaphore, #tpu.memory_space<semaphore_mem>>) src(%arg9 : memref<128x128xf32, #tpu.memory_space<vmem>>) dst(%dma_wait3A_153 : memref<10240x128xf32, #tpu.memory_space<vmem_shared>>)
        tpu.yield
      }) : () -> ()
      %mul3A_94 = arith.constant 8 : i32
      %mul3A_95 = arith.muli %scan3A_15, %mul3A_94 : i32
      %add3A_96 = arith.constant 5 : i32
      %add3A_97 = arith.addi %mul3A_95, %add3A_96 : i32
      %dma_start3A_98 = arith.constant 0 : i32
      %dma_start3A_99 = tpu.memref_slice %arg7[%add3A_97, %dma_start3A_98] : memref<80x128xi32, #tpu.memory_space<vmem>> -> memref<1x128xi32, #tpu.memory_space<vmem>>
      %dma_start3A_100 = tpu.memref_squeeze %dma_start3A_99 : memref<1x128xi32, #tpu.memory_space<vmem>> -> memref<128xi32, #tpu.memory_space<vmem>>
      %dma_start3A_101 = arith.constant 0 : i32
      %dma_start3A_102 = arith.constant 0 : i32
      %dma_start3A_103 = tpu.memref_slice %arg2[%dma_start3A_101, %dma_start3A_102] : memref<10240x128xf32, #tpu.memory_space<hbm>> -> memref<10240x128xf32, #tpu.memory_space<hbm>>
      tpu.enqueue_indirect_dma source(%dma_start3A_103 : memref<10240x128xf32, #tpu.memory_space<hbm>>) target(%arg9 : memref<128x128xf32, #tpu.memory_space<vmem>>) offsets(%dma_start3A_100 : memref<128xi32, #tpu.memory_space<vmem>>) semaphore(%arg10 : memref<!tpu.dma_semaphore, #tpu.memory_space<semaphore_mem>>)
      %dma_wait3A_104 = arith.constant 0 : i32
      %dma_wait3A_105 = tpu.memref_slice %arg7[%add3A_97, %dma_wait3A_104] : memref<80x128xi32, #tpu.memory_space<vmem>> -> memref<1x128xi32, #tpu.memory_space<vmem>>
      %dma_wait3A_106 = tpu.memref_squeeze %dma_wait3A_105 : memref<1x128xi32, #tpu.memory_space<vmem>> -> memref<128xi32, #tpu.memory_space<vmem>>
      %dma_wait3A_107 = arith.constant 0 : i32
      %dma_wait3A_108 = arith.constant 0 : i32
      %dma_wait3A_109 = tpu.memref_slice %arg2[%dma_wait3A_107, %dma_wait3A_108] : memref<10240x128xf32, #tpu.memory_space<hbm>> -> memref<10240x128xf32, #tpu.memory_space<hbm>>
      tpu.wait_indirect_dma semaphore(%arg10 : memref<!tpu.dma_semaphore, #tpu.memory_space<semaphore_mem>>) src(%dma_wait3A_109 : memref<10240x128xf32, #tpu.memory_space<hbm>>) dst(%arg9 : memref<128x128xf32, #tpu.memory_space<vmem>>)
      "tpu.region"() ({
        %run_scoped3A = tpu.sem_alloc : memref<!tpu.dma_semaphore, #tpu.memory_space<semaphore_mem>>
        %dma_start3A_142 = arith.constant 0 : i32
        %dma_start3A_143 = tpu.memref_slice %arg8[%add3A_97, %dma_start3A_142] : memref<80x128xi32, #tpu.memory_space<vmem>> -> memref<1x128xi32, #tpu.memory_space<vmem>>
        %dma_start3A_144 = tpu.memref_squeeze %dma_start3A_143 : memref<1x128xi32, #tpu.memory_space<vmem>> -> memref<128xi32, #tpu.memory_space<vmem>>
        %dma_start3A_145 = arith.constant 0 : i32
        %dma_start3A_146 = arith.constant 0 : i32
        %dma_start3A_147 = tpu.memref_slice %arg11[%dma_start3A_145, %dma_start3A_146] : memref<10240x128xf32, #tpu.memory_space<vmem_shared>> -> memref<10240x128xf32, #tpu.memory_space<vmem_shared>>
        tpu.enqueue_indirect_dma source(%arg9 : memref<128x128xf32, #tpu.memory_space<vmem>>) target(%dma_start3A_147 : memref<10240x128xf32, #tpu.memory_space<vmem_shared>>) offsets(%dma_start3A_144 : memref<128xi32, #tpu.memory_space<vmem>>) semaphore(%run_scoped3A : memref<!tpu.dma_semaphore, #tpu.memory_space<semaphore_mem>>) {add = true}
        %dma_wait3A_148 = arith.constant 0 : i32
        %dma_wait3A_149 = tpu.memref_slice %arg8[%add3A_97, %dma_wait3A_148] : memref<80x128xi32, #tpu.memory_space<vmem>> -> memref<1x128xi32, #tpu.memory_space<vmem>>
        %dma_wait3A_150 = tpu.memref_squeeze %dma_wait3A_149 : memref<1x128xi32, #tpu.memory_space<vmem>> -> memref<128xi32, #tpu.memory_space<vmem>>
        %dma_wait3A_151 = arith.constant 0 : i32
        %dma_wait3A_152 = arith.constant 0 : i32
        %dma_wait3A_153 = tpu.memref_slice %arg11[%dma_wait3A_151, %dma_wait3A_152] : memref<10240x128xf32, #tpu.memory_space<vmem_shared>> -> memref<10240x128xf32, #tpu.memory_space<vmem_shared>>
        tpu.wait_indirect_dma semaphore(%run_scoped3A : memref<!tpu.dma_semaphore, #tpu.memory_space<semaphore_mem>>) src(%arg9 : memref<128x128xf32, #tpu.memory_space<vmem>>) dst(%dma_wait3A_153 : memref<10240x128xf32, #tpu.memory_space<vmem_shared>>)
        tpu.yield
      }) : () -> ()
      %mul3A_110 = arith.constant 8 : i32
      %mul3A_111 = arith.muli %scan3A_15, %mul3A_110 : i32
      %add3A_112 = arith.constant 6 : i32
      %add3A_113 = arith.addi %mul3A_111, %add3A_112 : i32
      %dma_start3A_114 = arith.constant 0 : i32
      %dma_start3A_115 = tpu.memref_slice %arg7[%add3A_113, %dma_start3A_114] : memref<80x128xi32, #tpu.memory_space<vmem>> -> memref<1x128xi32, #tpu.memory_space<vmem>>
      %dma_start3A_116 = tpu.memref_squeeze %dma_start3A_115 : memref<1x128xi32, #tpu.memory_space<vmem>> -> memref<128xi32, #tpu.memory_space<vmem>>
      %dma_start3A_117 = arith.constant 0 : i32
      %dma_start3A_118 = arith.constant 0 : i32
      %dma_start3A_119 = tpu.memref_slice %arg2[%dma_start3A_117, %dma_start3A_118] : memref<10240x128xf32, #tpu.memory_space<hbm>> -> memref<10240x128xf32, #tpu.memory_space<hbm>>
      tpu.enqueue_indirect_dma source(%dma_start3A_119 : memref<10240x128xf32, #tpu.memory_space<hbm>>) target(%arg9 : memref<128x128xf32, #tpu.memory_space<vmem>>) offsets(%dma_start3A_116 : memref<128xi32, #tpu.memory_space<vmem>>) semaphore(%arg10 : memref<!tpu.dma_semaphore, #tpu.memory_space<semaphore_mem>>)
      %dma_wait3A_120 = arith.constant 0 : i32
      %dma_wait3A_121 = tpu.memref_slice %arg7[%add3A_113, %dma_wait3A_120] : memref<80x128xi32, #tpu.memory_space<vmem>> -> memref<1x128xi32, #tpu.memory_space<vmem>>
      %dma_wait3A_122 = tpu.memref_squeeze %dma_wait3A_121 : memref<1x128xi32, #tpu.memory_space<vmem>> -> memref<128xi32, #tpu.memory_space<vmem>>
      %dma_wait3A_123 = arith.constant 0 : i32
      %dma_wait3A_124 = arith.constant 0 : i32
      %dma_wait3A_125 = tpu.memref_slice %arg2[%dma_wait3A_123, %dma_wait3A_124] : memref<10240x128xf32, #tpu.memory_space<hbm>> -> memref<10240x128xf32, #tpu.memory_space<hbm>>
      tpu.wait_indirect_dma semaphore(%arg10 : memref<!tpu.dma_semaphore, #tpu.memory_space<semaphore_mem>>) src(%dma_wait3A_125 : memref<10240x128xf32, #tpu.memory_space<hbm>>) dst(%arg9 : memref<128x128xf32, #tpu.memory_space<vmem>>)
      "tpu.region"() ({
        %run_scoped3A = tpu.sem_alloc : memref<!tpu.dma_semaphore, #tpu.memory_space<semaphore_mem>>
        %dma_start3A_142 = arith.constant 0 : i32
        %dma_start3A_143 = tpu.memref_slice %arg8[%add3A_113, %dma_start3A_142] : memref<80x128xi32, #tpu.memory_space<vmem>> -> memref<1x128xi32, #tpu.memory_space<vmem>>
        %dma_start3A_144 = tpu.memref_squeeze %dma_start3A_143 : memref<1x128xi32, #tpu.memory_space<vmem>> -> memref<128xi32, #tpu.memory_space<vmem>>
        %dma_start3A_145 = arith.constant 0 : i32
        %dma_start3A_146 = arith.constant 0 : i32
        %dma_start3A_147 = tpu.memref_slice %arg11[%dma_start3A_145, %dma_start3A_146] : memref<10240x128xf32, #tpu.memory_space<vmem_shared>> -> memref<10240x128xf32, #tpu.memory_space<vmem_shared>>
        tpu.enqueue_indirect_dma source(%arg9 : memref<128x128xf32, #tpu.memory_space<vmem>>) target(%dma_start3A_147 : memref<10240x128xf32, #tpu.memory_space<vmem_shared>>) offsets(%dma_start3A_144 : memref<128xi32, #tpu.memory_space<vmem>>) semaphore(%run_scoped3A : memref<!tpu.dma_semaphore, #tpu.memory_space<semaphore_mem>>) {add = true}
        %dma_wait3A_148 = arith.constant 0 : i32
        %dma_wait3A_149 = tpu.memref_slice %arg8[%add3A_113, %dma_wait3A_148] : memref<80x128xi32, #tpu.memory_space<vmem>> -> memref<1x128xi32, #tpu.memory_space<vmem>>
        %dma_wait3A_150 = tpu.memref_squeeze %dma_wait3A_149 : memref<1x128xi32, #tpu.memory_space<vmem>> -> memref<128xi32, #tpu.memory_space<vmem>>
        %dma_wait3A_151 = arith.constant 0 : i32
        %dma_wait3A_152 = arith.constant 0 : i32
        %dma_wait3A_153 = tpu.memref_slice %arg11[%dma_wait3A_151, %dma_wait3A_152] : memref<10240x128xf32, #tpu.memory_space<vmem_shared>> -> memref<10240x128xf32, #tpu.memory_space<vmem_shared>>
        tpu.wait_indirect_dma semaphore(%run_scoped3A : memref<!tpu.dma_semaphore, #tpu.memory_space<semaphore_mem>>) src(%arg9 : memref<128x128xf32, #tpu.memory_space<vmem>>) dst(%dma_wait3A_153 : memref<10240x128xf32, #tpu.memory_space<vmem_shared>>)
        tpu.yield
      }) : () -> ()
      %mul3A_126 = arith.constant 8 : i32
      %mul3A_127 = arith.muli %scan3A_15, %mul3A_126 : i32
      %add3A_128 = arith.constant 7 : i32
      %add3A_129 = arith.addi %mul3A_127, %add3A_128 : i32
      %dma_start3A_130 = arith.constant 0 : i32
      %dma_start3A_131 = tpu.memref_slice %arg7[%add3A_129, %dma_start3A_130] : memref<80x128xi32, #tpu.memory_space<vmem>> -> memref<1x128xi32, #tpu.memory_space<vmem>>
      %dma_start3A_132 = tpu.memref_squeeze %dma_start3A_131 : memref<1x128xi32, #tpu.memory_space<vmem>> -> memref<128xi32, #tpu.memory_space<vmem>>
      %dma_start3A_133 = arith.constant 0 : i32
      %dma_start3A_134 = arith.constant 0 : i32
      %dma_start3A_135 = tpu.memref_slice %arg2[%dma_start3A_133, %dma_start3A_134] : memref<10240x128xf32, #tpu.memory_space<hbm>> -> memref<10240x128xf32, #tpu.memory_space<hbm>>
      tpu.enqueue_indirect_dma source(%dma_start3A_135 : memref<10240x128xf32, #tpu.memory_space<hbm>>) target(%arg9 : memref<128x128xf32, #tpu.memory_space<vmem>>) offsets(%dma_start3A_132 : memref<128xi32, #tpu.memory_space<vmem>>) semaphore(%arg10 : memref<!tpu.dma_semaphore, #tpu.memory_space<semaphore_mem>>)
      %dma_wait3A_136 = arith.constant 0 : i32
      %dma_wait3A_137 = tpu.memref_slice %arg7[%add3A_129, %dma_wait3A_136] : memref<80x128xi32, #tpu.memory_space<vmem>> -> memref<1x128xi32, #tpu.memory_space<vmem>>
      %dma_wait3A_138 = tpu.memref_squeeze %dma_wait3A_137 : memref<1x128xi32, #tpu.memory_space<vmem>> -> memref<128xi32, #tpu.memory_space<vmem>>
      %dma_wait3A_139 = arith.constant 0 : i32
      %dma_wait3A_140 = arith.constant 0 : i32
      %dma_wait3A_141 = tpu.memref_slice %arg2[%dma_wait3A_139, %dma_wait3A_140] : memref<10240x128xf32, #tpu.memory_space<hbm>> -> memref<10240x128xf32, #tpu.memory_space<hbm>>
      tpu.wait_indirect_dma semaphore(%arg10 : memref<!tpu.dma_semaphore, #tpu.memory_space<semaphore_mem>>) src(%dma_wait3A_141 : memref<10240x128xf32, #tpu.memory_space<hbm>>) dst(%arg9 : memref<128x128xf32, #tpu.memory_space<vmem>>)
      "tpu.region"() ({
        %run_scoped3A = tpu.sem_alloc : memref<!tpu.dma_semaphore, #tpu.memory_space<semaphore_mem>>
        %dma_start3A_142 = arith.constant 0 : i32
        %dma_start3A_143 = tpu.memref_slice %arg8[%add3A_129, %dma_start3A_142] : memref<80x128xi32, #tpu.memory_space<vmem>> -> memref<1x128xi32, #tpu.memory_space<vmem>>
        %dma_start3A_144 = tpu.memref_squeeze %dma_start3A_143 : memref<1x128xi32, #tpu.memory_space<vmem>> -> memref<128xi32, #tpu.memory_space<vmem>>
        %dma_start3A_145 = arith.constant 0 : i32
        %dma_start3A_146 = arith.constant 0 : i32
        %dma_start3A_147 = tpu.memref_slice %arg11[%dma_start3A_145, %dma_start3A_146] : memref<10240x128xf32, #tpu.memory_space<vmem_shared>> -> memref<10240x128xf32, #tpu.memory_space<vmem_shared>>
        tpu.enqueue_indirect_dma source(%arg9 : memref<128x128xf32, #tpu.memory_space<vmem>>) target(%dma_start3A_147 : memref<10240x128xf32, #tpu.memory_space<vmem_shared>>) offsets(%dma_start3A_144 : memref<128xi32, #tpu.memory_space<vmem>>) semaphore(%run_scoped3A : memref<!tpu.dma_semaphore, #tpu.memory_space<semaphore_mem>>) {add = true}
        %dma_wait3A_148 = arith.constant 0 : i32
        %dma_wait3A_149 = tpu.memref_slice %arg8[%add3A_129, %dma_wait3A_148] : memref<80x128xi32, #tpu.memory_space<vmem>> -> memref<1x128xi32, #tpu.memory_space<vmem>>
        %dma_wait3A_150 = tpu.memref_squeeze %dma_wait3A_149 : memref<1x128xi32, #tpu.memory_space<vmem>> -> memref<128xi32, #tpu.memory_space<vmem>>
        %dma_wait3A_151 = arith.constant 0 : i32
        %dma_wait3A_152 = arith.constant 0 : i32
        %dma_wait3A_153 = tpu.memref_slice %arg11[%dma_wait3A_151, %dma_wait3A_152] : memref<10240x128xf32, #tpu.memory_space<vmem_shared>> -> memref<10240x128xf32, #tpu.memory_space<vmem_shared>>
        tpu.wait_indirect_dma semaphore(%run_scoped3A : memref<!tpu.dma_semaphore, #tpu.memory_space<semaphore_mem>>) src(%arg9 : memref<128x128xf32, #tpu.memory_space<vmem>>) dst(%dma_wait3A_153 : memref<10240x128xf32, #tpu.memory_space<vmem_shared>>)
        tpu.yield
      }) : () -> ()
    }
    %scan3A_9 = arith.constant 10 : i32
    %barrier3A_10 = arith.constant 0 : index
    tpu.barrier barrier_id(%barrier3A_10)
    %mul3A_11 = arith.constant 640 : i32
    %mul3A_12 = arith.muli %arg1, %mul3A_11 : i32
    %mul3A_13 = arith.constant 640 : i32
    %mul3A_14 = arith.muli %arg1, %mul3A_13 : i32
    "tpu.region"() ({
      %run_scoped3A = tpu.sem_alloc : memref<!tpu.dma_semaphore, #tpu.memory_space<semaphore_mem>>
      %dma_start3A = arith.constant 0 : i32
      %dma_start3A_15 = tpu.memref_slice %arg6[%arg0, %mul3A_14, %dma_start3A] : memref<2x10240x128xf32, #tpu.memory_space<hbm>> -> memref<1x640x128xf32, #tpu.memory_space<hbm>>
      %dma_start3A_16 = tpu.memref_squeeze %dma_start3A_15 : memref<1x640x128xf32, #tpu.memory_space<hbm>> -> memref<640x128xf32, #tpu.memory_space<hbm>>
      %dma_start3A_17 = arith.constant 0 : i32
      %dma_start3A_18 = tpu.memref_slice %arg11[%mul3A_12, %dma_start3A_17] : memref<10240x128xf32, #tpu.memory_space<vmem_shared>> -> memref<640x128xf32, #tpu.memory_space<vmem_shared>>
      tpu.enqueue_dma source(%dma_start3A_18 : memref<640x128xf32, #tpu.memory_space<vmem_shared>>) target(%dma_start3A_16 : memref<640x128xf32, #tpu.memory_space<hbm>>) target_semaphore(%run_scoped3A : memref<!tpu.dma_semaphore, #tpu.memory_space<semaphore_mem>>)
      %dma_wait3A = arith.constant 0 : i32
      %dma_wait3A_19 = tpu.memref_slice %arg6[%arg0, %mul3A_14, %dma_wait3A] : memref<2x10240x128xf32, #tpu.memory_space<hbm>> -> memref<1x640x128xf32, #tpu.memory_space<hbm>>
      %dma_wait3A_20 = tpu.memref_squeeze %dma_wait3A_19 : memref<1x640x128xf32, #tpu.memory_space<hbm>> -> memref<640x128xf32, #tpu.memory_space<hbm>>
      %dma_wait3A_21 = arith.constant 0 : i32
      %dma_wait3A_22 = tpu.memref_slice %arg11[%mul3A_12, %dma_wait3A_21] : memref<10240x128xf32, #tpu.memory_space<vmem_shared>> -> memref<640x128xf32, #tpu.memory_space<vmem_shared>>
      tpu.wait_dma2 semaphore(%run_scoped3A : memref<!tpu.dma_semaphore, #tpu.memory_space<semaphore_mem>>) src(%dma_wait3A_22 : memref<640x128xf32, #tpu.memory_space<vmem_shared>>) dst(%dma_wait3A_20 : memref<640x128xf32, #tpu.memory_space<hbm>>)
      tpu.yield
    }) : () -> ()
    return
  }
}

module attributes {stable_mosaic.version = 14 : i64} {
  func.func @_tc1_body(%arg0: i32, %arg1: memref<2048x128xf32, #tpu.memory_space<vmem>>, %arg2: memref<128x128xf32, #tpu.memory_space<vmem>>, %arg3: memref<2x2048x128xf32, #tpu.memory_space<vmem>>, %arg4: memref<2048x128xf32, #tpu.memory_space<vmem>>, %arg5: memref<2048x128xf32, #tpu.memory_space<vmem>>) attributes {dimension_semantics = [#tpu.dimension_semantics<arbitrary>], iteration_bounds = array<i64: 5>, scalar_prefetch = 0 : i64, scratch_operands = 0 : i64, tpu.core_type = #tpu.core_type<tc>, window_params = [{transform_indices = @transform_0, window_bounds = array<i64: 2048, 128>}, {pipeline_mode = #tpu.pipeline_mode<synchronous>, transform_indices = @transform_1, window_bounds = array<i64: 128, 128>}, {transform_indices = @transform_2, window_bounds = array<i64: 2, 2048, 128>}, {transform_indices = @transform_3, window_bounds = array<i64: 2048, 128>}, {transform_indices = @transform_4, window_bounds = array<i64: 2048, 128>}]} {
    %get3A = arith.constant 0 : index
    %get3A_0 = arith.constant 0 : index
    %get3A_1 = arith.constant 0 : index
    %get3A_2 = vector.load %arg3[%get3A, %get3A_0, %get3A_1] : memref<2x2048x128xf32, #tpu.memory_space<vmem>>, vector<1x2048x1xf32>
    %get3A_3 = vector.shape_cast %get3A_2 : vector<1x2048x1xf32> to vector<2048x1xf32>
    %get3A_4 = arith.constant 1 : index
    %get3A_5 = arith.constant 0 : index
    %get3A_6 = arith.constant 0 : index
    %get3A_7 = vector.load %arg3[%get3A_4, %get3A_5, %get3A_6] : memref<2x2048x128xf32, #tpu.memory_space<vmem>>, vector<1x2048x1xf32>
    %get3A_8 = vector.shape_cast %get3A_7 : vector<1x2048x1xf32> to vector<2048x1xf32>
    %add3A = arith.addf %get3A_3, %get3A_8 : vector<2048x1xf32>
    %add3A_9 = arith.constant 1.000000e+00 : f32
    %add3A_10 = vector.broadcast %add3A_9 : f32 to vector<2048x1xf32>
    %add3A_11 = arith.addf %add3A, %add3A_10 : vector<2048x1xf32>
    %rsqrt3A = math.rsqrt %add3A_11 : vector<2048x1xf32>
    %broadcast_in_dim3A = vector.shape_cast %rsqrt3A : vector<2048x1xf32> to vector<2048x1xf32>
    %broadcast_in_dim3A_12 = vector.broadcast %broadcast_in_dim3A : vector<2048x1xf32> to vector<2048x128xf32>
    %get3A_13 = arith.constant 0 : index
    %get3A_14 = arith.constant 0 : index
    %get3A_15 = vector.load %arg1[%get3A_13, %get3A_14] : memref<2048x128xf32, #tpu.memory_space<vmem>>, vector<2048x128xf32>
    %get3A_16 = arith.constant 0 : index
    %get3A_17 = arith.constant 0 : index
    %get3A_18 = vector.load %arg2[%get3A_16, %get3A_17] : memref<128x128xf32, #tpu.memory_space<vmem>>, vector<128x128xf32>
    %dot_general3A = arith.constant dense<0.000000e+00> : vector<2048x128xf32>
    %dot_general3A_19 = tpu.matmul %get3A_15, %get3A_18, %dot_general3A {dimension_numbers = #tpu.dot_dimension_numbers<[1], [0], [0], [1], [0, 0, 1, 1], [], []>, transpose_lhs_hint = false} : vector<2048x128xf32>, vector<128x128xf32>, vector<2048x128xf32> -> vector<2048x128xf32>
    %mul3A = arith.mulf %dot_general3A_19, %broadcast_in_dim3A_12 : vector<2048x128xf32>
    %swap3A = arith.constant 0 : index
    %swap3A_20 = arith.constant 0 : index
    %swap3A_21 = vector.load %arg4[%swap3A, %swap3A_20] : memref<2048x128xf32, #tpu.memory_space<vmem>>, vector<2048x128xf32>
    tpu.vector_store %arg4[%swap3A, %swap3A_20], %mul3A {strides = array<i32>} : memref<2048x128xf32, #tpu.memory_space<vmem>>, vector<2048x128xf32>,
    %swap3A_22 = arith.constant 0 : index
    %swap3A_23 = arith.constant 0 : index
    %swap3A_24 = vector.load %arg5[%swap3A_22, %swap3A_23] : memref<2048x128xf32, #tpu.memory_space<vmem>>, vector<2048x128xf32>
    tpu.vector_store %arg5[%swap3A_22, %swap3A_23], %broadcast_in_dim3A_12 {strides = array<i32>} : memref<2048x128xf32, #tpu.memory_space<vmem>>, vector<2048x128xf32>,
    return
  }
  func.func @transform_0(%arg0: i32) -> (i32, i32) {
    %c0_i32 = arith.constant 0 : i32
    %c0_i32_0 = arith.constant 0 : i32
    return %arg0, %c0_i32 : i32, i32
  }
  func.func @transform_1(%arg0: i32) -> (i32, i32) {
    %c0_i32 = arith.constant 0 : i32
    %c0_i32_0 = arith.constant 0 : i32
    %c0_i32_1 = arith.constant 0 : i32
    return %c0_i32, %c0_i32_0 : i32, i32
  }
  func.func @transform_2(%arg0: i32) -> (i32, i32, i32) {
    %c0_i32 = arith.constant 0 : i32
    %c0_i32_0 = arith.constant 0 : i32
    %c0_i32_1 = arith.constant 0 : i32
    return %c0_i32, %arg0, %c0_i32_0 : i32, i32, i32
  }
  func.func @transform_3(%arg0: i32) -> (i32, i32) {
    %c0_i32 = arith.constant 0 : i32
    %c0_i32_0 = arith.constant 0 : i32
    return %arg0, %c0_i32 : i32, i32
  }
  func.func @transform_4(%arg0: i32) -> (i32, i32) {
    %c0_i32 = arith.constant 0 : i32
    %c0_i32_0 = arith.constant 0 : i32
    return %arg0, %c0_i32 : i32, i32
  }
}

module attributes {stable_mosaic.version = 14 : i64} {
  func.func @_tcmid_body(%arg0: i32, %arg1: memref<2x2048x128xf32, #tpu.memory_space<vmem>>, %arg2: memref<2048x128xf32, #tpu.memory_space<vmem>>, %arg3: memref<2048x128xf32, #tpu.memory_space<vmem>>, %arg4: memref<1x128xf32, #tpu.memory_space<vmem>>, %arg5: memref<128x128xf32, #tpu.memory_space<vmem>>, %arg6: memref<2048x128xf32, #tpu.memory_space<vmem>>) attributes {dimension_semantics = [#tpu.dimension_semantics<arbitrary>], iteration_bounds = array<i64: 5>, scalar_prefetch = 0 : i64, scratch_operands = 0 : i64, tpu.core_type = #tpu.core_type<tc>, window_params = [{transform_indices = @transform_0, window_bounds = array<i64: 2, 2048, 128>}, {transform_indices = @transform_1, window_bounds = array<i64: 2048, 128>}, {transform_indices = @transform_2, window_bounds = array<i64: 2048, 128>}, {pipeline_mode = #tpu.pipeline_mode<synchronous>, transform_indices = @transform_3, window_bounds = array<i64: 1, 128>}, {pipeline_mode = #tpu.pipeline_mode<synchronous>, transform_indices = @transform_4, window_bounds = array<i64: 128, 128>}, {transform_indices = @transform_5, window_bounds = array<i64: 2048, 128>}]} {
    %get3A = arith.constant 0 : index
    %get3A_0 = arith.constant 0 : index
    %get3A_1 = arith.constant 0 : index
    %get3A_2 = vector.load %arg1[%get3A, %get3A_0, %get3A_1] : memref<2x2048x128xf32, #tpu.memory_space<vmem>>, vector<1x2048x128xf32>
    %get3A_3 = vector.shape_cast %get3A_2 : vector<1x2048x128xf32> to vector<2048x128xf32>
    %get3A_4 = arith.constant 1 : index
    %get3A_5 = arith.constant 0 : index
    %get3A_6 = arith.constant 0 : index
    %get3A_7 = vector.load %arg1[%get3A_4, %get3A_5, %get3A_6] : memref<2x2048x128xf32, #tpu.memory_space<vmem>>, vector<1x2048x128xf32>
    %get3A_8 = vector.shape_cast %get3A_7 : vector<1x2048x128xf32> to vector<2048x128xf32>
    %add3A = arith.addf %get3A_3, %get3A_8 : vector<2048x128xf32>
    %get3A_9 = arith.constant 0 : index
    %get3A_10 = arith.constant 0 : index
    %get3A_11 = vector.load %arg2[%get3A_9, %get3A_10] : memref<2048x128xf32, #tpu.memory_space<vmem>>, vector<2048x128xf32>
    %add3A_12 = arith.addf %add3A, %get3A_11 : vector<2048x128xf32>
    %get3A_13 = arith.constant 0 : index
    %get3A_14 = arith.constant 0 : index
    %get3A_15 = vector.load %arg3[%get3A_13, %get3A_14] : memref<2048x128xf32, #tpu.memory_space<vmem>>, vector<2048x128xf32>
    %mul3A = arith.mulf %get3A_15, %add3A_12 : vector<2048x128xf32>
    %get3A_16 = arith.constant 0 : index
    %get3A_17 = arith.constant 0 : index
    %get3A_18 = vector.load %arg4[%get3A_16, %get3A_17] : memref<1x128xf32, #tpu.memory_space<vmem>>, vector<1x128xf32>
    %add3A_19 = vector.broadcast %get3A_18 : vector<1x128xf32> to vector<2048x128xf32>
    %add3A_20 = arith.addf %mul3A, %add3A_19 : vector<2048x128xf32>
    %gt3A = arith.constant 0.000000e+00 : f32
    %gt3A_21 = vector.broadcast %gt3A : f32 to vector<2048x128xf32>
    %gt3A_22 = arith.cmpf ogt, %add3A_20, %gt3A_21 : vector<2048x128xf32>
    %mul3A_23 = arith.constant 0.00999999977 : f32
    %mul3A_24 = vector.broadcast %mul3A_23 : f32 to vector<2048x128xf32>
    %mul3A_25 = arith.mulf %mul3A_24, %add3A_20 : vector<2048x128xf32>
    %select_n3A = arith.select %gt3A_22, %add3A_20, %mul3A_25 : vector<2048x128xi1>, vector<2048x128xf32>
    %get3A_26 = arith.constant 0 : index
    %get3A_27 = arith.constant 0 : index
    %get3A_28 = vector.load %arg5[%get3A_26, %get3A_27] : memref<128x128xf32, #tpu.memory_space<vmem>>, vector<128x128xf32>
    %dot_general3A = arith.constant dense<0.000000e+00> : vector<2048x128xf32>
    %dot_general3A_29 = tpu.matmul %select_n3A, %get3A_28, %dot_general3A {dimension_numbers = #tpu.dot_dimension_numbers<[1], [0], [0], [1], [0, 0, 1, 1], [], []>, transpose_lhs_hint = false} : vector<2048x128xf32>, vector<128x128xf32>, vector<2048x128xf32> -> vector<2048x128xf32>
    %get3A_30 = arith.constant 0 : index
    %get3A_31 = arith.constant 0 : index
    %get3A_32 = vector.load %arg3[%get3A_30, %get3A_31] : memref<2048x128xf32, #tpu.memory_space<vmem>>, vector<2048x128xf32>
    %mul3A_33 = arith.mulf %dot_general3A_29, %get3A_32 : vector<2048x128xf32>
    %swap3A = arith.constant 0 : index
    %swap3A_34 = arith.constant 0 : index
    %swap3A_35 = vector.load %arg6[%swap3A, %swap3A_34] : memref<2048x128xf32, #tpu.memory_space<vmem>>, vector<2048x128xf32>
    tpu.vector_store %arg6[%swap3A, %swap3A_34], %mul3A_33 {strides = array<i32>} : memref<2048x128xf32, #tpu.memory_space<vmem>>, vector<2048x128xf32>,
    return
  }
  func.func @transform_0(%arg0: i32) -> (i32, i32, i32) {
    %c0_i32 = arith.constant 0 : i32
    %c0_i32_0 = arith.constant 0 : i32
    %c0_i32_1 = arith.constant 0 : i32
    return %c0_i32, %arg0, %c0_i32_0 : i32, i32, i32
  }
  func.func @transform_1(%arg0: i32) -> (i32, i32) {
    %c0_i32 = arith.constant 0 : i32
    %c0_i32_0 = arith.constant 0 : i32
    return %arg0, %c0_i32 : i32, i32
  }
  func.func @transform_2(%arg0: i32) -> (i32, i32) {
    %c0_i32 = arith.constant 0 : i32
    %c0_i32_0 = arith.constant 0 : i32
    return %arg0, %c0_i32 : i32, i32
  }
  func.func @transform_3(%arg0: i32) -> (i32, i32) {
    %c0_i32 = arith.constant 0 : i32
    %c0_i32_0 = arith.constant 0 : i32
    %c0_i32_1 = arith.constant 0 : i32
    return %c0_i32, %c0_i32_0 : i32, i32
  }
  func.func @transform_4(%arg0: i32) -> (i32, i32) {
    %c0_i32 = arith.constant 0 : i32
    %c0_i32_0 = arith.constant 0 : i32
    %c0_i32_1 = arith.constant 0 : i32
    return %c0_i32, %c0_i32_0 : i32, i32
  }
  func.func @transform_5(%arg0: i32) -> (i32, i32) {
    %c0_i32 = arith.constant 0 : i32
    %c0_i32_0 = arith.constant 0 : i32
    return %arg0, %c0_i32 : i32, i32
  }
}

module attributes {stable_mosaic.version = 14 : i64} {
  func.func @_tcfin_body(%arg0: i32, %arg1: memref<2x2048x128xf32, #tpu.memory_space<vmem>>, %arg2: memref<2048x128xf32, #tpu.memory_space<vmem>>, %arg3: memref<2048x128xf32, #tpu.memory_space<vmem>>, %arg4: memref<1x128xf32, #tpu.memory_space<vmem>>, %arg5: memref<128x128xf32, #tpu.memory_space<vmem>>, %arg6: memref<1x128xf32, #tpu.memory_space<vmem>>, %arg7: memref<128x128xf32, #tpu.memory_space<vmem>>, %arg8: memref<1x128xf32, #tpu.memory_space<vmem>>, %arg9: memref<128x2xf32, #tpu.memory_space<vmem>>, %arg10: memref<1x2xf32, #tpu.memory_space<vmem>>, %arg11: memref<2048x2xf32, #tpu.memory_space<vmem>>) attributes {dimension_semantics = [#tpu.dimension_semantics<arbitrary>], iteration_bounds = array<i64: 5>, scalar_prefetch = 0 : i64, scratch_operands = 0 : i64, tpu.core_type = #tpu.core_type<tc>, window_params = [{transform_indices = @transform_0, window_bounds = array<i64: 2, 2048, 128>}, {transform_indices = @transform_1, window_bounds = array<i64: 2048, 128>}, {transform_indices = @transform_2, window_bounds = array<i64: 2048, 128>}, {pipeline_mode = #tpu.pipeline_mode<synchronous>, transform_indices = @transform_3, window_bounds = array<i64: 1, 128>}, {pipeline_mode = #tpu.pipeline_mode<synchronous>, transform_indices = @transform_4, window_bounds = array<i64: 128, 128>}, {pipeline_mode = #tpu.pipeline_mode<synchronous>, transform_indices = @transform_5, window_bounds = array<i64: 1, 128>}, {pipeline_mode = #tpu.pipeline_mode<synchronous>, transform_indices = @transform_6, window_bounds = array<i64: 128, 128>}, {pipeline_mode = #tpu.pipeline_mode<synchronous>, transform_indices = @transform_7, window_bounds = array<i64: 1, 128>}, {pipeline_mode = #tpu.pipeline_mode<synchronous>, transform_indices = @transform_8, window_bounds = array<i64: 128, 2>}, {pipeline_mode = #tpu.pipeline_mode<synchronous>, transform_indices = @transform_9, window_bounds = array<i64: 1, 2>}, {transform_indices = @transform_10, window_bounds = array<i64: 2048, 2>}]} {
    %get3A = arith.constant 0 : index
    %get3A_0 = arith.constant 0 : index
    %get3A_1 = arith.constant 0 : index
    %get3A_2 = vector.load %arg1[%get3A, %get3A_0, %get3A_1] : memref<2x2048x128xf32, #tpu.memory_space<vmem>>, vector<1x2048x128xf32>
    %get3A_3 = vector.shape_cast %get3A_2 : vector<1x2048x128xf32> to vector<2048x128xf32>
    %get3A_4 = arith.constant 1 : index
    %get3A_5 = arith.constant 0 : index
    %get3A_6 = arith.constant 0 : index
    %get3A_7 = vector.load %arg1[%get3A_4, %get3A_5, %get3A_6] : memref<2x2048x128xf32, #tpu.memory_space<vmem>>, vector<1x2048x128xf32>
    %get3A_8 = vector.shape_cast %get3A_7 : vector<1x2048x128xf32> to vector<2048x128xf32>
    %add3A = arith.addf %get3A_3, %get3A_8 : vector<2048x128xf32>
    %get3A_9 = arith.constant 0 : index
    %get3A_10 = arith.constant 0 : index
    %get3A_11 = vector.load %arg2[%get3A_9, %get3A_10] : memref<2048x128xf32, #tpu.memory_space<vmem>>, vector<2048x128xf32>
    %add3A_12 = arith.addf %add3A, %get3A_11 : vector<2048x128xf32>
    %get3A_13 = arith.constant 0 : index
    %get3A_14 = arith.constant 0 : index
    %get3A_15 = vector.load %arg3[%get3A_13, %get3A_14] : memref<2048x128xf32, #tpu.memory_space<vmem>>, vector<2048x128xf32>
    %mul3A = arith.mulf %get3A_15, %add3A_12 : vector<2048x128xf32>
    %get3A_16 = arith.constant 0 : index
    %get3A_17 = arith.constant 0 : index
    %get3A_18 = vector.load %arg4[%get3A_16, %get3A_17] : memref<1x128xf32, #tpu.memory_space<vmem>>, vector<1x128xf32>
    %add3A_19 = vector.broadcast %get3A_18 : vector<1x128xf32> to vector<2048x128xf32>
    %add3A_20 = arith.addf %mul3A, %add3A_19 : vector<2048x128xf32>
    %gt3A = arith.constant 0.000000e+00 : f32
    %gt3A_21 = vector.broadcast %gt3A : f32 to vector<2048x128xf32>
    %gt3A_22 = arith.cmpf ogt, %add3A_20, %gt3A_21 : vector<2048x128xf32>
    %mul3A_23 = arith.constant 0.00999999977 : f32
    %mul3A_24 = vector.broadcast %mul3A_23 : f32 to vector<2048x128xf32>
    %mul3A_25 = arith.mulf %mul3A_24, %add3A_20 : vector<2048x128xf32>
    %select_n3A = arith.select %gt3A_22, %add3A_20, %mul3A_25 : vector<2048x128xi1>, vector<2048x128xf32>
    %get3A_26 = arith.constant 0 : index
    %get3A_27 = arith.constant 0 : index
    %get3A_28 = vector.load %arg5[%get3A_26, %get3A_27] : memref<128x128xf32, #tpu.memory_space<vmem>>, vector<128x128xf32>
    %dot_general3A = arith.constant dense<0.000000e+00> : vector<2048x128xf32>
    %dot_general3A_29 = tpu.matmul %select_n3A, %get3A_28, %dot_general3A {dimension_numbers = #tpu.dot_dimension_numbers<[1], [0], [0], [1], [0, 0, 1, 1], [], []>, transpose_lhs_hint = false} : vector<2048x128xf32>, vector<128x128xf32>, vector<2048x128xf32> -> vector<2048x128xf32>
    %get3A_30 = arith.constant 0 : index
    %get3A_31 = arith.constant 0 : index
    %get3A_32 = vector.load %arg6[%get3A_30, %get3A_31] : memref<1x128xf32, #tpu.memory_space<vmem>>, vector<1x128xf32>
    %add3A_33 = vector.broadcast %get3A_32 : vector<1x128xf32> to vector<2048x128xf32>
    %add3A_34 = arith.addf %dot_general3A_29, %add3A_33 : vector<2048x128xf32>
    %gt3A_35 = arith.constant 0.000000e+00 : f32
    %gt3A_36 = vector.broadcast %gt3A_35 : f32 to vector<2048x128xf32>
    %gt3A_37 = arith.cmpf ogt, %add3A_34, %gt3A_36 : vector<2048x128xf32>
    %mul3A_38 = arith.constant 0.00999999977 : f32
    %mul3A_39 = vector.broadcast %mul3A_38 : f32 to vector<2048x128xf32>
    %mul3A_40 = arith.mulf %mul3A_39, %add3A_34 : vector<2048x128xf32>
    %select_n3A_41 = arith.select %gt3A_37, %add3A_34, %mul3A_40 : vector<2048x128xi1>, vector<2048x128xf32>
    %get3A_42 = arith.constant 0 : index
    %get3A_43 = arith.constant 0 : index
    %get3A_44 = vector.load %arg7[%get3A_42, %get3A_43] : memref<128x128xf32, #tpu.memory_space<vmem>>, vector<128x128xf32>
    %dot_general3A_45 = arith.constant dense<0.000000e+00> : vector<2048x128xf32>
    %dot_general3A_46 = tpu.matmul %select_n3A_41, %get3A_44, %dot_general3A_45 {dimension_numbers = #tpu.dot_dimension_numbers<[1], [0], [0], [1], [0, 0, 1, 1], [], []>, transpose_lhs_hint = false} : vector<2048x128xf32>, vector<128x128xf32>, vector<2048x128xf32> -> vector<2048x128xf32>
    %get3A_47 = arith.constant 0 : index
    %get3A_48 = arith.constant 0 : index
    %get3A_49 = vector.load %arg8[%get3A_47, %get3A_48] : memref<1x128xf32, #tpu.memory_space<vmem>>, vector<1x128xf32>
    %add3A_50 = vector.broadcast %get3A_49 : vector<1x128xf32> to vector<2048x128xf32>
    %add3A_51 = arith.addf %dot_general3A_46, %add3A_50 : vector<2048x128xf32>
    %gt3A_52 = arith.constant 0.000000e+00 : f32
    %gt3A_53 = vector.broadcast %gt3A_52 : f32 to vector<2048x128xf32>
    %gt3A_54 = arith.cmpf ogt, %add3A_51, %gt3A_53 : vector<2048x128xf32>
    %mul3A_55 = arith.constant 0.00999999977 : f32
    %mul3A_56 = vector.broadcast %mul3A_55 : f32 to vector<2048x128xf32>
    %mul3A_57 = arith.mulf %mul3A_56, %add3A_51 : vector<2048x128xf32>
    %select_n3A_58 = arith.select %gt3A_54, %add3A_51, %mul3A_57 : vector<2048x128xi1>, vector<2048x128xf32>
    %get3A_59 = arith.constant 0 : index
    %get3A_60 = arith.constant 0 : index
    %get3A_61 = vector.load %arg9[%get3A_59, %get3A_60] : memref<128x2xf32, #tpu.memory_space<vmem>>, vector<128x2xf32>
    %dot_general3A_62 = arith.constant dense<0.000000e+00> : vector<2048x2xf32>
    %dot_general3A_63 = tpu.matmul %select_n3A_58, %get3A_61, %dot_general3A_62 {dimension_numbers = #tpu.dot_dimension_numbers<[1], [0], [0], [1], [0, 0, 1, 1], [], []>, transpose_lhs_hint = false} : vector<2048x128xf32>, vector<128x2xf32>, vector<2048x2xf32> -> vector<2048x2xf32>
    %get3A_64 = arith.constant 0 : index
    %get3A_65 = arith.constant 0 : index
    %get3A_66 = vector.load %arg10[%get3A_64, %get3A_65] : memref<1x2xf32, #tpu.memory_space<vmem>>, vector<1x2xf32>
    %add3A_67 = vector.broadcast %get3A_66 : vector<1x2xf32> to vector<2048x2xf32>
    %add3A_68 = arith.addf %dot_general3A_63, %add3A_67 : vector<2048x2xf32>
    %reduce_max3A = arith.constant dense<0xFF800000> : vector<2048xf32>
    %reduce_max3A_69 = vector.multi_reduction <maximumf>, %add3A_68, %reduce_max3A [1] : vector<2048x2xf32> to vector<2048xf32>
    %broadcast_in_dim3A = vector.shape_cast %reduce_max3A_69 : vector<2048xf32> to vector<2048x1xf32>
    %sub3A = vector.broadcast %broadcast_in_dim3A : vector<2048x1xf32> to vector<2048x2xf32>
    %sub3A_70 = arith.subf %add3A_68, %sub3A : vector<2048x2xf32>
    %exp3A = math.exp %sub3A_70 : vector<2048x2xf32>
    %reduce_sum3A = arith.constant dense<0.000000e+00> : vector<2048xf32>
    %reduce_sum3A_71 = vector.multi_reduction <add>, %exp3A, %reduce_sum3A [1] : vector<2048x2xf32> to vector<2048xf32>
    %broadcast_in_dim3A_72 = vector.shape_cast %reduce_sum3A_71 : vector<2048xf32> to vector<2048x1xf32>
    %log3A = math.log %broadcast_in_dim3A_72 : vector<2048x1xf32>
    %add3A_73 = arith.addf %log3A, %broadcast_in_dim3A : vector<2048x1xf32>
    %sub3A_74 = vector.broadcast %add3A_73 : vector<2048x1xf32> to vector<2048x2xf32>
    %sub3A_75 = arith.subf %add3A_68, %sub3A_74 : vector<2048x2xf32>
    %swap3A = arith.constant 0 : index
    %swap3A_76 = arith.constant 0 : index
    %swap3A_77 = vector.load %arg11[%swap3A, %swap3A_76] : memref<2048x2xf32, #tpu.memory_space<vmem>>, vector<2048x2xf32>
    tpu.vector_store %arg11[%swap3A, %swap3A_76], %sub3A_75 {strides = array<i32>} : memref<2048x2xf32, #tpu.memory_space<vmem>>, vector<2048x2xf32>,
    return
  }
  func.func @transform_0(%arg0: i32) -> (i32, i32, i32) {
    %c0_i32 = arith.constant 0 : i32
    %c0_i32_0 = arith.constant 0 : i32
    %c0_i32_1 = arith.constant 0 : i32
    return %c0_i32, %arg0, %c0_i32_0 : i32, i32, i32
  }
  func.func @transform_1(%arg0: i32) -> (i32, i32) {
    %c0_i32 = arith.constant 0 : i32
    %c0_i32_0 = arith.constant 0 : i32
    return %arg0, %c0_i32 : i32, i32
  }
  func.func @transform_2(%arg0: i32) -> (i32, i32) {
    %c0_i32 = arith.constant 0 : i32
    %c0_i32_0 = arith.constant 0 : i32
    return %arg0, %c0_i32 : i32, i32
  }
  func.func @transform_3(%arg0: i32) -> (i32, i32) {
    %c0_i32 = arith.constant 0 : i32
    %c0_i32_0 = arith.constant 0 : i32
    %c0_i32_1 = arith.constant 0 : i32
    return %c0_i32, %c0_i32_0 : i32, i32
  }
  func.func @transform_4(%arg0: i32) -> (i32, i32) {
    %c0_i32 = arith.constant 0 : i32
    %c0_i32_0 = arith.constant 0 : i32
    %c0_i32_1 = arith.constant 0 : i32
    return %c0_i32, %c0_i32_0 : i32, i32
  }
  func.func @transform_5(%arg0: i32) -> (i32, i32) {
    %c0_i32 = arith.constant 0 : i32
    %c0_i32_0 = arith.constant 0 : i32
    %c0_i32_1 = arith.constant 0 : i32
    return %c0_i32, %c0_i32_0 : i32, i32
  }
  func.func @transform_6(%arg0: i32) -> (i32, i32) {
    %c0_i32 = arith.constant 0 : i32
    %c0_i32_0 = arith.constant 0 : i32
    %c0_i32_1 = arith.constant 0 : i32
    return %c0_i32, %c0_i32_0 : i32, i32
  }
  func.func @transform_7(%arg0: i32) -> (i32, i32) {
    %c0_i32 = arith.constant 0 : i32
    %c0_i32_0 = arith.constant 0 : i32
    %c0_i32_1 = arith.constant 0 : i32
    return %c0_i32, %c0_i32_0 : i32, i32
  }
  func.func @transform_8(%arg0: i32) -> (i32, i32) {
    %c0_i32 = arith.constant 0 : i32
    %c0_i32_0 = arith.constant 0 : i32
    %c0_i32_1 = arith.constant 0 : i32
    return %c0_i32, %c0_i32_0 : i32, i32
  }
  func.func @transform_9(%arg0: i32) -> (i32, i32) {
    %c0_i32 = arith.constant 0 : i32
    %c0_i32_0 = arith.constant 0 : i32
    %c0_i32_1 = arith.constant 0 : i32
    return %c0_i32, %c0_i32_0 : i32, i32
  }
  func.func @transform_10(%arg0: i32) -> (i32, i32) {
    %c0_i32 = arith.constant 0 : i32
    %c0_i32_0 = arith.constant 0 : i32
    return %arg0, %c0_i32 : i32, i32
  }
}

</mosaic_0001>

<sc_bundles>
// kernel: kernel.10.cloned.1.call-start
scs
__scs_entry_jumppad:
0x0: {  	(pc) =	sbr.rel $0x88, $3  }
0x1: {  	(tag) =	ssettag $0x0;
	lr =	simm.s32 $0x1  }
0x2: {  	[smem:$0x3F93] =	sst lr;
	_ =	strace $0xD0000000  }
0x3: {  	_ = 	snop  }
0x4: {  	_ = 	snop  }
0x5: {  	_ = 	snop  }
0x6: {  	_ = 	snop  }
0x7: {  	_ = 	snop  }
__scs_overlays_trampoline_lowered:
0x8: {  	[smem:$0x3FA2] =	sst s0  }
0x9: {  	[smem:$0x3FA3] =	sst s1  }
0xa: {  	[smem:$0x3FA4] =	sst s2  }
0xb: {  	[smem:$0x3FA5] =	sst s3  }
0xc: {  	[smem:$0x3FA6] =	sst s4  }
0xd: {  	[smem:$0x3FA7] =	sst s5  }
0xe: {  	[smem:$0x3FA8] =	sst s6  }
0xf: {  	[smem:$0x3FA9] =	sst s7  }
0x10: {  	[smem:$0x3FAA] =	sst s8  }
0x11: {  	[smem:$0x3FAB] =	sst s9;
	s0 =	simm.s32 @!p0 $0x0  }
0x12: {  	s1 =	sld [smem:$0x3F91];
	s0 =	simm.s32 @p0 $0x1  }
0x13: {  	[smem:$0x3FAC] =	sst s0;
	s0 =	simm.s32 @!p1 $0x0  }
0x14: {  	s2 =	sld [smem:$0x3F90];
	s0 =	simm.s32 @p1 $0x1  }
0x15: {  	[smem:$0x3FAD] =	sst s0;
	s0 =	simm.s32 @!p2 $0x0  }
0x16: {  	s3 =	sld [smem:$0x3FDB];
	s0 =	simm.s32 @p2 $0x1  }
0x17: {  	s4 =	simm.s32 $0x1BF5;
	[smem:$0x3FAF] =	sst s0  }
0x18: {  	s0 =	sld [smem:$0x3F92];
	_ =	swait.ge [sflag:s4], $0x0  }
0x19: {  	s7 =	sld [smem:$0x3F93]  }
0x1a: {  	s8 =	sadd.s32 $0xFFFFE003, lr  }
0x1b: {  	s9 =	sadd.s32 $0xFFFFFEF7, lr;
	s5 =	simm.s32 $0xFFFFFFFF;
	p2 =	slt.u32 s8, $0xFFFFF086  }
0x1c: {  	p1 =	slt.u32 s9, $0xF7A;
	s5 =	simm.s32 @!p2 $0x0  }
0x1d: {  	s5 =	simm.s32 @p1 $0x1;
	p0 =	seq.s32 s7, s2  }
0x1e: {  	s7 =	smul.u32 @!p0 $0xF7A, s2;
	p2 =	seq.s32 @!p0 s5, $0x0  }
0x1f: {  	s9 =	smul.u32 $0xF7A, s1;
	s8 =	simm.s32 @!p0 $0x1BF5;
	p2 =	por !p2, p0  }
0x20: {  	[sflag:s8] =	ssyncset.s32 @!p0 $0xFFFFF086;
	s6 =	sadd.s32 @!p0 s3, s7;
	s7 =	simm.s32 @!p0 $0x108  }
0x21: {  	s3 =	sadd.s32 s3, s9;
	s6 =	sadd.s32 @!p0 $0x88, s6;
	s7 =	simm.s32 @p2 $0x1082  }
0x22: {  	[simem:s7], [sflag:s8] =	dma.local @!p0 [hbm:s6], $0xF7A  }
0x23: {  	s9 =	sor.u32 $0xD0000000, s2;
	s6 =	simm.s32 $0x108;
	_ =	swait.ge @!p0 [sflag:s8], $0x0  }
0x24: {  	s3 =	sadd.s32 $0x88, s3;
	s6 =	simm.s32 @!p1 $0x1082;
	[sflag:s4] =	ssyncset.s32 $0xFFFFF086  }
0x25: {  	[simem:s6], [sflag:s4] =	dma.local [hbm:s3], $0xF7A  }
0x26: {  	[smem:$0x3F93] =	sst s1;
	(tag) =	ssettag s2;
	_ =	strace s9  }
0x27: {  	s1 =	sld [smem:$0x3FA3]  }
0x28: {  	s2 =	sld [smem:$0x3FA4]  }
0x29: {  	s4 =	sld [smem:$0x3FA6]  }
0x2a: {  	p0 =	seq.s32 s5, $0x0;
	s5 =	sld [smem:$0x3FA7]  }
0x2b: {  	s6 =	sld [smem:$0x3FA8]  }
0x2c: {  	s7 =	sld [smem:$0x3FA9]  }
0x2d: {  	s3 =	simm.s32 $0x108;
	s8 =	sld [smem:$0x3FAA]  }
0x2e: {  	s3 =	simm.s32 @!p0 $0x1082;
	s9 =	sld [smem:$0x3FAB]  }
0x2f: {  	lr =	sadd.s32 s0, s3;
	s0 =	sld [smem:$0x3FA2]  }
0x30: {  	s3 =	sld [smem:$0x3FA5]  }
0x31: {  	[smem:$0x3FAE] =	sst s10  }
0x32: {  	s10 =	sld [smem:$0x3FAC];
	_ =	sdelay $0x3  }
0x33: {  	p0 =	seq.s32 s10, $0x1;
	s10 =	sld [smem:$0x3FAE];
	_ =	sdelay $0x3  }
0x34: {  	[smem:$0x3FAE] =	sst s10  }
0x35: {  	s10 =	sld [smem:$0x3FAD];
	_ =	sdelay $0x3  }
0x36: {  	p1 =	seq.s32 s10, $0x1;
	s10 =	sld [smem:$0x3FAE];
	_ =	sdelay $0x3  }
0x37: {  	[smem:$0x3FAE] =	sst s10  }
0x38: {  	s10 =	sld [smem:$0x3FAF]  }
0x39: {  	_ = 	snop;
	(pc) =	sbr.ind lr, $3  }
0x3a: {  	_ = 	snop  }
0x3b: {  	_ = 	snop  }
0x3c: {  	p2 =	seq.s32 s10, $0x1;
	s10 =	sld [smem:$0x3FAE]  }
0x3d: {  	_ =	shalt  }
0x3e: {  	_ =	shalt  }
0x3f: {  	_ =	shalt  }
0x40: {  	_ =	shalt  }
0x41: {  	_ =	shalt  }
0x42: {  	_ =	shalt  }
0x43: {  	_ =	shalt  }
0x44: {  	_ =	shalt  }
0x45: {  	_ =	shalt  }
0x46: {  	_ =	shalt  }
0x47: {  	_ =	shalt  }
0x48: {  	_ =	shalt  }
0x49: {  	_ =	shalt  }
0x4a: {  	_ =	shalt  }
0x4b: {  	_ =	shalt  }
0x4c: {  	_ =	shalt  }
0x4d: {  	_ =	shalt  }
0x4e: {  	_ =	shalt  }
0x4f: {  	_ =	shalt  }
0x50: {  	_ =	shalt  }
0x51: {  	_ =	shalt  }
0x52: {  	_ =	shalt  }
0x53: {  	_ =	shalt  }
0x54: {  	_ =	shalt  }
0x55: {  	_ =	shalt  }
0x56: {  	_ =	shalt  }
0x57: {  	_ =	shalt  }
0x58: {  	_ =	shalt  }
0x59: {  	_ =	shalt  }
0x5a: {  	_ =	shalt  }
0x5b: {  	_ =	shalt  }
0x5c: {  	_ =	shalt  }
0x5d: {  	_ =	shalt  }
0x5e: {  	_ =	shalt  }
0x5f: {  	_ =	shalt  }
0x60: {  	_ =	shalt  }
0x61: {  	_ =	shalt  }
0x62: {  	_ =	shalt  }
0x63: {  	_ =	shalt  }
0x64: {  	_ =	shalt  }
0x65: {  	_ =	shalt  }
0x66: {  	_ =	shalt  }
0x67: {  	_ =	shalt  }
0x68: {  	_ =	shalt  }
0x69: {  	_ =	shalt  }
0x6a: {  	_ =	shalt  }
0x6b: {  	_ =	shalt  }
0x6c: {  	_ =	shalt  }
0x6d: {  	_ =	shalt  }
0x6e: {  	_ =	shalt  }
0x6f: {  	_ =	shalt  }
0x70: {  	_ =	shalt  }
0x71: {  	_ =	shalt  }
0x72: {  	_ =	shalt  }
0x73: {  	_ =	shalt  }
0x74: {  	_ =	shalt  }
0x75: {  	_ =	shalt  }
0x76: {  	_ =	shalt  }
0x77: {  	_ =	shalt  }
0x78: {  	_ =	shalt  }
0x79: {  	_ =	shalt  }
0x7a: {  	_ =	shalt  }
0x7b: {  	_ =	shalt  }
0x7c: {  	_ =	shalt  }
0x7d: {  	_ =	shalt  }
0x7e: {  	_ =	shalt  }
0x7f: {  	_ =	shalt  }
0x80: {  	_ =	shalt  }
0x81: {  	_ =	shalt  }
0x82: {  	_ =	shalt  }
0x83: {  	_ =	shalt  }
0x84: {  	_ =	shalt  }
0x85: {  	_ =	shalt  }
0x86: {  	_ =	shalt  }
0x87: {  	_ =	shalt  }
.Lfunc_end0:
.L_simem_size_0:
called_computation_lowered:
.L_overlay_start_0:
0x88: {  	s2 =	sld [smem:$0x3FD9]  }
0x89: {  	s3 =	sld [smem:$0x3FFE];
	_ =	sdelay $0x1  }
0x8a: {  	s1 =	srdreg.scid  }
0x8b: {  	s0 =	sand.u32 $0x1, s1  }
0x8c: {  	s17 =	sshll.u32 s0, $0xA;
	s2 =	sadd.s32 s3, s2  }
0x8d: {  	s2 =	sadd.s32 s2, s17  }
0x8e: {  	[smem:$0x3FBA] =	sst s2  }
0x8f: {  	_ = 	snop  }
0x90: {  	s2 =	sld [smem:$0x3FD0];
	(tm) =	ssettm $0x1  }
0x91: {  	s18 =	sld [smem:$0x3FFB];
	_ =	sdelay $0x3  }
0x92: {  	_ =	strace s18  }
0x93: {  	s3 =	sld [smem:$0x3FFC];
	_ =	sdelay $0x3  }
0x94: {  	_ =	strace s3  }
0x95: {  	s3 =	sld [smem:$0x3FFD];
	_ =	sdelay $0x3  }
0x96: {  	_ =	strace s3  }
0x97: {  	_ =	strace $0x8FFFFFFF  }
0x98: {  	s19 =	sld [smem:$0x3FDB];
	_ =	sdelay $0x1  }
0x99: {  	s4 =	simm.s32 $_scs_section_size  }
0x9a: {  	s5 =	simm.s32 $_size__tile_overlayer_lowered;
	s6 =	simm.s32 $_tile_overlayer_lowered  }
0x9b: {  	s22 =	simm.s32 $0x1BFF;
	s21 =	sshll.u32 s6, $0x1;
	s3 =	sadd.s32 s4, s19  }
0x9c: {  	s7 =	simm.s32 $0x0;
	s20 =	sshll.u32 s5, $0x1;
	s5 =	sadd.s32 s21, s3  }
0x9d: {  	[timem:s7], [sflag:s22] =	dma.local [hbm:s5], s20  }
0x9e: {  	_ =	swait.ge [sflag:s22], s20  }
0x9f: {  	s4 =	ssub.s32 $0x0, s20;
	[sflag:s22] =	ssyncset.done $0x0  }
0xa0: {  	[sflag:s22] =	ssyncadd.s32 s4;
	_ =	sdelay $0x1  }
0xa1: {  	s23 =	simm.s32 $0x1B8B  }
0xa2: {  	_ =	swait.ge [sflag:s23], $0x1  }
0xa3: {  	[sflag:s23] =	ssyncset.done $0x0  }
0xa4: {  	s25 =	simm.s32 $0x1B8E;
	s24 =	sld [smem:$0x3FFE];
	[sflag:s23] =	ssyncadd.s32 $0xFFFFFFFF  }
0xa5: {  	s26 =	simm.s32 $execute0_lowered;
	[smem:$0x3FD2] =	sst s25  }
0xa6: {  	s5 =	sshll.u32 s26, $0x1;
	_ =	strace $0x80000046;
	[dreg:$0x1] =	wrdreg $0xFFFFFFFF  }
0xa7: {  	s28 =	simm.s32 $_size_execute0_lowered;
	s3 =	sadd.s32 s3, s5;
	[dreg:$0x0] =	wrdreg $0x0  }
0xa8: {  	s5 =	sshll.u32 s28, $0x1;
	[dreg:$0x2] =	wrdreg s3  }
0xa9: {  	[dreg:$0x3] =	wrdreg s5  }
0xaa: {  	[dreg:$0x4] =	wrdreg $0xC0  }
0xab: {  	_ =	task [dreg:s7], $0x5FFFF  }
0xac: {  	[dreg:$0x1] =	wrdreg $0xFFFFFFFF  }
0xad: {  	[dreg:$0x0] =	wrdreg $0x60  }
0xae: {  	[dreg:$0x2] =	wrdreg s24  }
0xaf: {  	[dreg:$0x3] =	wrdreg s2  }
0xb0: {  	[dreg:$0x4] =	wrdreg $0x68000  }
0xb1: {  	[dreg:$0x5] =	wrdreg $0x9  }
0xb2: {  	_ =	task.clear_ibuf [dreg:s7], $0x6FFFF;
	_ =	strace $0x90000046  }
0xb3: {  	s29 =	simm.s32 $0x9;
	_ =	strace $0x80000048  }
0xb4: {  	_ =	swait.ge [sflag:s29], $0x1  }
0xb5: {  	[sflag:s29] =	ssyncadd.s32 $0xFFFFFFFF  }
0xb6: {  	_ =	strace $0x90000048  }
0xb7: {  	_ =	sfence  }
0xb8: {  	s30 =	sld [smem:$0x0];
	_ =	sdelay $0x2  }
0xb9: {  	s31 =	sshll.u32 s1, $0xD;
	s1 =	sshrl.u32 s1, $0x2  }
0xba: {  	s3 =	sand.u32 $0x4000, s31;
	s1 =	sadd.s32 s1, s30  }
0xbb: {  	s0 =	sor.u32 s3, s0;
	s1 =	sshll.u32 s1, $0x11  }
0xbc: {  	s0 =	sor.u32 s1, s0  }
0xbd: {  	s0 =	sadd.s32 $0x8F2B, s0  }
0xbe: {  	[sflag:s0] =	ssyncadd.remote.s32 $0x1  }
0xbf: {  	_ =	sfence.sel $0xFFFF  }
0xc0: {  	[dreg:$0x0] =	wrdreg $0xFFFFFFFF;
	(pc) =	sbr.abs _section_cstart, $3  }
0xc1: {  	[dreg:$0x1] =	wrdreg $0xFFFFFFFF  }
0xc2: {  	_ =	task.clear_ibuf [dreg:s7], $0x2FFFF;
	_ =	strace $0x9FFFFFFF  }
0xc3: {  	(tm) =	ssettm $0x7FFFFFFF  }
tec
execute0_lowered:
.L_overlay_start_1:
0x0: {  	(tag) =	ssettag $0x1  }
0x1: {  	s6 =	rddreg [dreg:$0x0]  }
0x2: {  	s2 =	rddreg [dreg:$0x1]  }
0x3: {  	s0 =	srdreg.scid;
	s3 =	rddreg [dreg:$0x2];
	s4 =	simm.s32 $0x0  }
0x4: {  	s13 =	simm.s32 $0x80;
	s5 =	sand.u32 $0x1, s0;
	s0 =	stileid.u32  }
0x5: {  	s14 =	simm.s32 $0x0;
	[smem:$0x7FF] =	sst s4;
	s8 =	smul.u32 $0x14000, s0  }
0x6: {  	s1 =	sshll.u32 s5, $0x4;
	s9 =	smul.u32 $0x140000, s5;
	s5 =	ssub.s32 $0x2, s5  }
0x7: {  	s29 =	smul.u32 $0x50000, s0;
	s31 =	sshll.u32 s0, $0x6;
	s1 =	sor.u32 s0, s1  }
0x8: {  	s11 =	sshrl.u32 s5, $0x1;
	s7 =	smul.u32 $0x500, s1;
	s1 =	rddreg [dreg:$0x3]  }
0x9: {  	_ =	strace $0x80000047;
	s10 =	sshrl.u32 s8, $0x3;
	s8 =	sadd.s32 s8, s9  }
0xa: {  	s11 =	ssub.s32 s5, s11;
	s30 =	sshrl.u32 s29, $0x2;
	s9 =	simm.s32 $0x1  }
0xb: {  	s10 =	sadd.s32 s10, s6;
	s8 =	sshrl.u32 s8, $0x3;
	s12 =	sadd.s32 s30, s3  }
0xc: {  	s7 =	sadd.s32 s7, s6;
	s8 =	sadd.s32 s8, s6;
	s6 =	sadd.s32 $0x18400, s10  }
0xd: {  	s10 =	simm.s32 $0x2800;
	s12 =	sshrl.u32 s12, $0x3;
	s5 =	sadd.s32 $0x4400, s7  }
0xe: {  	s7 =	sadd.s32 $0x40400, s8;
	s8 =	smax.u32 s11, $0x1;
	s11 =	sor.u32 $0x1C01, s31  }
.LBB2_1:
0xf: {  	[tilespmem:s4], [sflag:$0x1] =	stream.linear.gather [hbm4b:s5+s4], $0x2800, $0x38;
	[tilespmem:$0x1A800] =	vst v63  }
0x10: {  	_ =	swait.ge [sflag:s9], $0x2800  }
0x11: {  	[sflag:s9] =	ssyncset.done $0x0  }
0x12: {  	[sflag:s9] =	ssyncadd.s32 $0xFFFFD800  }
0x13: {  	[tilespmem:s10], [sflag:$0x1] =	stream.linear.gather [hbm4b:s2+s4], $0x4000, $0x38;
	[tilespmem:$0x1A800] =	vst v63  }
0x14: {  	_ =	swait.ge [sflag:s9], $0x4000  }
0x15: {  	[sflag:s9] =	ssyncset.done $0x0  }
0x16: {  	[sflag:s9] =	ssyncadd.s32 $0xFFFFC000  }
0x17: {  	[spmem:s12], [sflag:s11] =	dma.local [hbm:s6], $0x2800  }
0x18: {  	_ =	swait.ge [sflag:s9], $0x2800  }
0x19: {  	[sflag:s9] =	ssyncset.done $0x0  }
0x1a: {  	[sflag:s9] =	ssyncadd.s32 $0xFFFFD800  }
0x1b: {  	s15 =	simm.s32 $0x0;
	[bflag:$0x0] =	sbarrier.arrive $0xFFFF  }
0x1c: {  	[spmem:s3] =	stream.indirect.scatter.add.f32 [tilespmem:s10], [sflag:$0x1], $0x80, s15, s13, $0xb8;
	[tilespmem:$0x1A800] =	vst v63  }
0x1d: {  	_ =	swait.ge [sflag:s9], $0x4000  }
0x1e: {  	[sflag:s9] =	ssyncset.done $0x0  }
0x1f: {  	s24 =	simm.s32 $0x80;
	[sflag:s9] =	ssyncadd.s32 $0xFFFFC000  }
0x20: {  	[spmem:s3] =	stream.indirect.scatter.add.f32 [tilespmem:s10], [sflag:$0x1], $0x80, s24, s13, $0xb8;
	[tilespmem:$0x1A800] =	vst v63  }
0x21: {  	_ =	swait.ge [sflag:s9], $0x4000  }
0x22: {  	[sflag:s9] =	ssyncset.done $0x0  }
0x23: {  	s25 =	simm.s32 $0x100;
	[sflag:s9] =	ssyncadd.s32 $0xFFFFC000  }
0x24: {  	[spmem:s3] =	stream.indirect.scatter.add.f32 [tilespmem:s10], [sflag:$0x1], $0x80, s25, s13, $0xb8;
	[tilespmem:$0x1A800] =	vst v63  }
0x25: {  	_ =	swait.ge [sflag:s9], $0x4000  }
0x26: {  	[sflag:s9] =	ssyncset.done $0x0  }
0x27: {  	s26 =	simm.s32 $0x180;
	[sflag:s9] =	ssyncadd.s32 $0xFFFFC000  }
0x28: {  	[spmem:s3] =	stream.indirect.scatter.add.f32 [tilespmem:s10], [sflag:$0x1], $0x80, s26, s13, $0xb8;
	[tilespmem:$0x1A800] =	vst v63  }
0x29: {  	_ =	swait.ge [sflag:s9], $0x4000  }
0x2a: {  	[sflag:s9] =	ssyncset.done $0x0  }
0x2b: {  	s28 =	simm.s32 $0x200;
	[sflag:s9] =	ssyncadd.s32 $0xFFFFC000  }
0x2c: {  	[spmem:s3] =	stream.indirect.scatter.add.f32 [tilespmem:s10], [sflag:$0x1], $0x80, s28, s13, $0xb8;
	[tilespmem:$0x1A800] =	vst v63  }
0x2d: {  	_ =	swait.ge [sflag:s9], $0x4000  }
0x2e: {  	[sflag:s9] =	ssyncset.done $0x0  }
0x2f: {  	s29 =	simm.s32 $0x280;
	[sflag:s9] =	ssyncadd.s32 $0xFFFFC000  }
0x30: {  	[spmem:s3] =	stream.indirect.scatter.add.f32 [tilespmem:s10], [sflag:$0x1], $0x80, s29, s13, $0xb8;
	[tilespmem:$0x1A800] =	vst v63  }
0x31: {  	_ =	swait.ge [sflag:s9], $0x4000  }
0x32: {  	[sflag:s9] =	ssyncset.done $0x0  }
0x33: {  	s30 =	simm.s32 $0x300;
	[sflag:s9] =	ssyncadd.s32 $0xFFFFC000  }
0x34: {  	[spmem:s3] =	stream.indirect.scatter.add.f32 [tilespmem:s10], [sflag:$0x1], $0x80, s30, s13, $0xb8;
	[tilespmem:$0x1A800] =	vst v63  }
0x35: {  	_ =	swait.ge [sflag:s9], $0x4000  }
0x36: {  	[sflag:s9] =	ssyncset.done $0x0  }
0x37: {  	s31 =	simm.s32 $0x380;
	[sflag:s9] =	ssyncadd.s32 $0xFFFFC000  }
0x38: {  	[spmem:s3] =	stream.indirect.scatter.add.f32 [tilespmem:s10], [sflag:$0x1], $0x80, s31, s13, $0xb8;
	[tilespmem:$0x1A800] =	vst v63  }
0x39: {  	_ =	swait.ge [sflag:s9], $0x4000  }
0x3a: {  	s18 =	simm.s32 $0x2000;
	s15 =	simm.s32 $0x1000;
	[sflag:s9] =	ssyncset.done $0x0  }
.LBB2_2:
0x3b: {  	s17 =	sshra.s32 s15, $0x2  }
0x3c: {  	[sflag:s9] =	ssyncadd.s32 $0xFFFFC000;
	s15 =	smov.u32 s18;
	s16 =	sadd.s32 $0x1000, s18  }
0x3d: {  	[spmem:s3] =	stream.indirect.scatter.add.f32 [tilespmem:s10], [sflag:$0x1], $0x80, s17, s13, $0xb8;
	[tilespmem:$0x1A800] =	vst v63  }
0x3e: {  	p0 =	sne.s32 s18, $0x9000;
	_ =	swait.ge [sflag:s9], $0x4000  }
0x3f: {  	[sflag:s9] =	ssyncset.done $0x0  }
0x40: {  	s18 =	sadd.s32 $0x80, s17;
	[sflag:s9] =	ssyncadd.s32 $0xFFFFC000  }
0x41: {  	[spmem:s3] =	stream.indirect.scatter.add.f32 [tilespmem:s10], [sflag:$0x1], $0x80, s18, s13, $0xb8;
	[tilespmem:$0x1A800] =	vst v63  }
0x42: {  	_ =	swait.ge [sflag:s9], $0x4000  }
0x43: {  	[sflag:s9] =	ssyncset.done $0x0  }
0x44: {  	s18 =	sadd.s32 $0x100, s17;
	[sflag:s9] =	ssyncadd.s32 $0xFFFFC000  }
0x45: {  	[spmem:s3] =	stream.indirect.scatter.add.f32 [tilespmem:s10], [sflag:$0x1], $0x80, s18, s13, $0xb8;
	[tilespmem:$0x1A800] =	vst v63  }
0x46: {  	_ =	swait.ge [sflag:s9], $0x4000  }
0x47: {  	[sflag:s9] =	ssyncset.done $0x0  }
0x48: {  	s18 =	sadd.s32 $0x180, s17;
	[sflag:s9] =	ssyncadd.s32 $0xFFFFC000  }
0x49: {  	[spmem:s3] =	stream.indirect.scatter.add.f32 [tilespmem:s10], [sflag:$0x1], $0x80, s18, s13, $0xb8;
	[tilespmem:$0x1A800] =	vst v63  }
0x4a: {  	_ =	swait.ge [sflag:s9], $0x4000  }
0x4b: {  	[sflag:s9] =	ssyncset.done $0x0  }
0x4c: {  	s18 =	sadd.s32 $0x200, s17;
	[sflag:s9] =	ssyncadd.s32 $0xFFFFC000  }
0x4d: {  	[spmem:s3] =	stream.indirect.scatter.add.f32 [tilespmem:s10], [sflag:$0x1], $0x80, s18, s13, $0xb8;
	[tilespmem:$0x1A800] =	vst v63  }
0x4e: {  	_ =	swait.ge [sflag:s9], $0x4000  }
0x4f: {  	[sflag:s9] =	ssyncset.done $0x0  }
0x50: {  	s18 =	sadd.s32 $0x280, s17;
	[sflag:s9] =	ssyncadd.s32 $0xFFFFC000  }
0x51: {  	[spmem:s3] =	stream.indirect.scatter.add.f32 [tilespmem:s10], [sflag:$0x1], $0x80, s18, s13, $0xb8;
	[tilespmem:$0x1A800] =	vst v63  }
0x52: {  	_ =	swait.ge [sflag:s9], $0x4000  }
0x53: {  	[sflag:s9] =	ssyncset.done $0x0  }
0x54: {  	s18 =	sadd.s32 $0x300, s17;
	[sflag:s9] =	ssyncadd.s32 $0xFFFFC000  }
0x55: {  	[spmem:s3] =	stream.indirect.scatter.add.f32 [tilespmem:s10], [sflag:$0x1], $0x80, s18, s13, $0xb8;
	[tilespmem:$0x1A800] =	vst v63  }
0x56: {  	_ =	swait.ge [sflag:s9], $0x4000  }
.Ltmp0:
0x57: {  	[sflag:s9] =	ssyncset.done $0x0;
	(pc) =	sbr.rel @p0 .LBB2_2-.Ltmp0, $4  }
0x58: {  	s17 =	sadd.s32 $0x380, s17;
	[sflag:s9] =	ssyncadd.s32 $0xFFFFC000  }
0x59: {  	[spmem:s3] =	stream.indirect.scatter.add.f32 [tilespmem:s10], [sflag:$0x1], $0x80, s17, s13, $0xb8;
	[tilespmem:$0x1A800] =	vst v63  }
0x5a: {  	_ =	swait.ge [sflag:s9], $0x4000  }
0x5b: {  	s18 =	smov.u32 s16;
	[sflag:s9] =	ssyncset.done $0x0  }
0x5c: {  	s15 =	sshra.s32 s15, $0x2;
	[sflag:s9] =	ssyncadd.s32 $0xFFFFC000  }
0x5d: {  	[spmem:s3] =	stream.indirect.scatter.add.f32 [tilespmem:s10], [sflag:$0x1], $0x80, s15, s13, $0xb8;
	[tilespmem:$0x1A800] =	vst v63  }
0x5e: {  	_ =	swait.ge [sflag:s9], $0x4000  }
0x5f: {  	[sflag:s9] =	ssyncset.done $0x0  }
0x60: {  	s16 =	sadd.s32 $0x80, s15;
	[sflag:s9] =	ssyncadd.s32 $0xFFFFC000  }
0x61: {  	[spmem:s3] =	stream.indirect.scatter.add.f32 [tilespmem:s10], [sflag:$0x1], $0x80, s16, s13, $0xb8;
	[tilespmem:$0x1A800] =	vst v63  }
0x62: {  	_ =	swait.ge [sflag:s9], $0x4000  }
0x63: {  	[sflag:s9] =	ssyncset.done $0x0  }
0x64: {  	s26 =	sadd.s32 $0x100, s15;
	[sflag:s9] =	ssyncadd.s32 $0xFFFFC000  }
0x65: {  	[spmem:s3] =	stream.indirect.scatter.add.f32 [tilespmem:s10], [sflag:$0x1], $0x80, s26, s13, $0xb8;
	[tilespmem:$0x1A800] =	vst v63  }
0x66: {  	_ =	swait.ge [sflag:s9], $0x4000  }
0x67: {  	[sflag:s9] =	ssyncset.done $0x0  }
0x68: {  	s28 =	sadd.s32 $0x180, s15;
	[sflag:s9] =	ssyncadd.s32 $0xFFFFC000  }
0x69: {  	[spmem:s3] =	stream.indirect.scatter.add.f32 [tilespmem:s10], [sflag:$0x1], $0x80, s28, s13, $0xb8;
	[tilespmem:$0x1A800] =	vst v63  }
0x6a: {  	_ =	swait.ge [sflag:s9], $0x4000  }
0x6b: {  	[sflag:s9] =	ssyncset.done $0x0  }
0x6c: {  	s29 =	sadd.s32 $0x200, s15;
	[sflag:s9] =	ssyncadd.s32 $0xFFFFC000  }
0x6d: {  	[spmem:s3] =	stream.indirect.scatter.add.f32 [tilespmem:s10], [sflag:$0x1], $0x80, s29, s13, $0xb8;
	[tilespmem:$0x1A800] =	vst v63  }
0x6e: {  	_ =	swait.ge [sflag:s9], $0x4000  }
0x6f: {  	[sflag:s9] =	ssyncset.done $0x0  }
0x70: {  	s30 =	sadd.s32 $0x280, s15;
	[sflag:s9] =	ssyncadd.s32 $0xFFFFC000  }
0x71: {  	[spmem:s3] =	stream.indirect.scatter.add.f32 [tilespmem:s10], [sflag:$0x1], $0x80, s30, s13, $0xb8;
	[tilespmem:$0x1A800] =	vst v63  }
0x72: {  	_ =	swait.ge [sflag:s9], $0x4000  }
0x73: {  	[sflag:s9] =	ssyncset.done $0x0  }
0x74: {  	s31 =	sadd.s32 $0x300, s15;
	[sflag:s9] =	ssyncadd.s32 $0xFFFFC000  }
0x75: {  	[spmem:s3] =	stream.indirect.scatter.add.f32 [tilespmem:s10], [sflag:$0x1], $0x80, s31, s13, $0xb8;
	[tilespmem:$0x1A800] =	vst v63  }
0x76: {  	_ =	swait.ge [sflag:s9], $0x4000  }
0x77: {  	[sflag:s9] =	ssyncset.done $0x0  }
0x78: {  	s15 =	sadd.s32 $0x380, s15;
	[sflag:s9] =	ssyncadd.s32 $0xFFFFC000  }
0x79: {  	[spmem:s3] =	stream.indirect.scatter.add.f32 [tilespmem:s10], [sflag:$0x1], $0x80, s15, s13, $0xb8;
	[tilespmem:$0x1A800] =	vst v63  }
0x7a: {  	_ =	swait.ge [sflag:s9], $0x4000  }
0x7b: {  	s14 =	sadd.s32 $0x1, s14;
	[sflag:s9] =	ssyncset.done $0x0  }
0x7c: {  	p0 =	sne.s32 s14, s8;
	[sflag:s9] =	ssyncadd.s32 $0xFFFFC000  }
.Ltmp1:
0x7d: {  	[bflag:$0x0] =	sbarrier.arrive $0xFFFF;
	(pc) =	sbr.rel @p0 .LBB2_1-.Ltmp1, $4  }
0x7e: {  	[hbm:s7], [sflag:s11] =	dma.local [spmem:s12], $0x2800  }
0x7f: {  	_ =	swait.ge [sflag:s9], $0x2800  }
0x80: {  	[sflag:s9] =	ssyncset.done $0x0  }
0x81: {  	[sflag:s9] =	ssyncadd.s32 $0xFFFFD800  }
0x82: {  	_ =	sfence.sel $0x180000  }
0x83: {  	[bflag:$0x0] =	sbarrier.arrive $0xFFFF  }
0x84: {  	p0 =	sne.s32 s0, $0x0;
	_ =	strace $0x90000047  }
0x85: {  	s0 =	sadd.s32 @!p0 $0x100000, s1;
	[bflag:$0x2] =	sbarrier.arrive $0xFFFF  }
0x86: {  	[sflag:s0] =	ssyncadd.tile.s32 @!p0 $0x1;
	_ =	shalt  }
.Lfunc_end2:
_tile_overlayer_lowered:
.L_overlay_start_2:
0x87: {  	(tag) =	ssettag $0x2  }
0x88: {  	s0 =	rddreg [dreg:$0x0];
	s2 =	stileid.u32  }
0x89: {  	s1 =	rddreg [dreg:$0x1];
	p0 =	sne.s32 s2, $0x0  }
0x8a: {  	s3 =	rddreg [dreg:$0x2];
	[bflag:$0x3] =	sbarrier.arrive $0xFFFF;
	s2 =	simm.s32 @!p0 $0x1C01  }
0x8b: {  	[timem:s3], [sflag:s2] =	dma.local @!p0 [hbm:s0], s1  }
0x8c: {  	s0 =	simm.s32 @!p0 $0x1  }
0x8d: {  	_ =	swait.ge @!p0 [sflag:s0], s1  }
0x8e: {  	s1 =	ssub.s32 @!p0 $0x0, s1;
	[sflag:s0] =	ssyncset.done @!p0 $0x0  }
0x8f: {  	[sflag:s0] =	ssyncadd.s32 @!p0 s1  }
0x90: {  	[bflag:$0x3] =	sbarrier.arrive $0xFFFF  }
0x91: {  	_ =	shalt  }

// kernel: kernel.13.cloned.1.call-start
scs
__scs_entry_jumppad:
0x0: {  	(pc) =	sbr.rel $0x88, $3  }
0x1: {  	(tag) =	ssettag $0x0;
	lr =	simm.s32 $0x1  }
0x2: {  	[smem:$0x3F93] =	sst lr;
	_ =	strace $0xD0000000  }
0x3: {  	_ = 	snop  }
0x4: {  	_ = 	snop  }
0x5: {  	_ = 	snop  }
0x6: {  	_ = 	snop  }
0x7: {  	_ = 	snop  }
__scs_overlays_trampoline_lowered:
0x8: {  	[smem:$0x3FA2] =	sst s0  }
0x9: {  	[smem:$0x3FA3] =	sst s1  }
0xa: {  	[smem:$0x3FA4] =	sst s2  }
0xb: {  	[smem:$0x3FA5] =	sst s3  }
0xc: {  	[smem:$0x3FA6] =	sst s4  }
0xd: {  	[smem:$0x3FA7] =	sst s5  }
0xe: {  	[smem:$0x3FA8] =	sst s6  }
0xf: {  	[smem:$0x3FA9] =	sst s7  }
0x10: {  	[smem:$0x3FAA] =	sst s8  }
0x11: {  	[smem:$0x3FAB] =	sst s9;
	s0 =	simm.s32 @!p0 $0x0  }
0x12: {  	s1 =	sld [smem:$0x3F91];
	s0 =	simm.s32 @p0 $0x1  }
0x13: {  	[smem:$0x3FAC] =	sst s0;
	s0 =	simm.s32 @!p1 $0x0  }
0x14: {  	s2 =	sld [smem:$0x3F90];
	s0 =	simm.s32 @p1 $0x1  }
0x15: {  	[smem:$0x3FAD] =	sst s0;
	s0 =	simm.s32 @!p2 $0x0  }
0x16: {  	s3 =	sld [smem:$0x3FDB];
	s0 =	simm.s32 @p2 $0x1  }
0x17: {  	s4 =	simm.s32 $0x1BF5;
	[smem:$0x3FAF] =	sst s0  }
0x18: {  	s0 =	sld [smem:$0x3F92];
	_ =	swait.ge [sflag:s4], $0x0  }
0x19: {  	s7 =	sld [smem:$0x3F93]  }
0x1a: {  	s8 =	sadd.s32 $0xFFFFE003, lr  }
0x1b: {  	s9 =	sadd.s32 $0xFFFFFEF7, lr;
	s5 =	simm.s32 $0xFFFFFFFF;
	p2 =	slt.u32 s8, $0xFFFFF086  }
0x1c: {  	p1 =	slt.u32 s9, $0xF7A;
	s5 =	simm.s32 @!p2 $0x0  }
0x1d: {  	s5 =	simm.s32 @p1 $0x1;
	p0 =	seq.s32 s7, s2  }
0x1e: {  	s7 =	smul.u32 @!p0 $0xF7A, s2;
	p2 =	seq.s32 @!p0 s5, $0x0  }
0x1f: {  	s9 =	smul.u32 $0xF7A, s1;
	s8 =	simm.s32 @!p0 $0x1BF5;
	p2 =	por !p2, p0  }
0x20: {  	[sflag:s8] =	ssyncset.s32 @!p0 $0xFFFFF086;
	s6 =	sadd.s32 @!p0 s3, s7;
	s7 =	simm.s32 @!p0 $0x108  }
0x21: {  	s3 =	sadd.s32 s3, s9;
	s6 =	sadd.s32 @!p0 $0x88, s6;
	s7 =	simm.s32 @p2 $0x1082  }
0x22: {  	[simem:s7], [sflag:s8] =	dma.local @!p0 [hbm:s6], $0xF7A  }
0x23: {  	s9 =	sor.u32 $0xD0000000, s2;
	s6 =	simm.s32 $0x108;
	_ =	swait.ge @!p0 [sflag:s8], $0x0  }
0x24: {  	s3 =	sadd.s32 $0x88, s3;
	s6 =	simm.s32 @!p1 $0x1082;
	[sflag:s4] =	ssyncset.s32 $0xFFFFF086  }
0x25: {  	[simem:s6], [sflag:s4] =	dma.local [hbm:s3], $0xF7A  }
0x26: {  	[smem:$0x3F93] =	sst s1;
	(tag) =	ssettag s2;
	_ =	strace s9  }
0x27: {  	s1 =	sld [smem:$0x3FA3]  }
0x28: {  	s2 =	sld [smem:$0x3FA4]  }
0x29: {  	s4 =	sld [smem:$0x3FA6]  }
0x2a: {  	p0 =	seq.s32 s5, $0x0;
	s5 =	sld [smem:$0x3FA7]  }
0x2b: {  	s6 =	sld [smem:$0x3FA8]  }
0x2c: {  	s7 =	sld [smem:$0x3FA9]  }
0x2d: {  	s3 =	simm.s32 $0x108;
	s8 =	sld [smem:$0x3FAA]  }
0x2e: {  	s3 =	simm.s32 @!p0 $0x1082;
	s9 =	sld [smem:$0x3FAB]  }
0x2f: {  	lr =	sadd.s32 s0, s3;
	s0 =	sld [smem:$0x3FA2]  }
0x30: {  	s3 =	sld [smem:$0x3FA5]  }
0x31: {  	[smem:$0x3FAE] =	sst s10  }
0x32: {  	s10 =	sld [smem:$0x3FAC];
	_ =	sdelay $0x3  }
0x33: {  	p0 =	seq.s32 s10, $0x1;
	s10 =	sld [smem:$0x3FAE];
	_ =	sdelay $0x3  }
0x34: {  	[smem:$0x3FAE] =	sst s10  }
0x35: {  	s10 =	sld [smem:$0x3FAD];
	_ =	sdelay $0x3  }
0x36: {  	p1 =	seq.s32 s10, $0x1;
	s10 =	sld [smem:$0x3FAE];
	_ =	sdelay $0x3  }
0x37: {  	[smem:$0x3FAE] =	sst s10  }
0x38: {  	s10 =	sld [smem:$0x3FAF]  }
0x39: {  	_ = 	snop;
	(pc) =	sbr.ind lr, $3  }
0x3a: {  	_ = 	snop  }
0x3b: {  	_ = 	snop  }
0x3c: {  	p2 =	seq.s32 s10, $0x1;
	s10 =	sld [smem:$0x3FAE]  }
0x3d: {  	_ =	shalt  }
0x3e: {  	_ =	shalt  }
0x3f: {  	_ =	shalt  }
0x40: {  	_ =	shalt  }
0x41: {  	_ =	shalt  }
0x42: {  	_ =	shalt  }
0x43: {  	_ =	shalt  }
0x44: {  	_ =	shalt  }
0x45: {  	_ =	shalt  }
0x46: {  	_ =	shalt  }
0x47: {  	_ =	shalt  }
0x48: {  	_ =	shalt  }
0x49: {  	_ =	shalt  }
0x4a: {  	_ =	shalt  }
0x4b: {  	_ =	shalt  }
0x4c: {  	_ =	shalt  }
0x4d: {  	_ =	shalt  }
0x4e: {  	_ =	shalt  }
0x4f: {  	_ =	shalt  }
0x50: {  	_ =	shalt  }
0x51: {  	_ =	shalt  }
0x52: {  	_ =	shalt  }
0x53: {  	_ =	shalt  }
0x54: {  	_ =	shalt  }
0x55: {  	_ =	shalt  }
0x56: {  	_ =	shalt  }
0x57: {  	_ =	shalt  }
0x58: {  	_ =	shalt  }
0x59: {  	_ =	shalt  }
0x5a: {  	_ =	shalt  }
0x5b: {  	_ =	shalt  }
0x5c: {  	_ =	shalt  }
0x5d: {  	_ =	shalt  }
0x5e: {  	_ =	shalt  }
0x5f: {  	_ =	shalt  }
0x60: {  	_ =	shalt  }
0x61: {  	_ =	shalt  }
0x62: {  	_ =	shalt  }
0x63: {  	_ =	shalt  }
0x64: {  	_ =	shalt  }
0x65: {  	_ =	shalt  }
0x66: {  	_ =	shalt  }
0x67: {  	_ =	shalt  }
0x68: {  	_ =	shalt  }
0x69: {  	_ =	shalt  }
0x6a: {  	_ =	shalt  }
0x6b: {  	_ =	shalt  }
0x6c: {  	_ =	shalt  }
0x6d: {  	_ =	shalt  }
0x6e: {  	_ =	shalt  }
0x6f: {  	_ =	shalt  }
0x70: {  	_ =	shalt  }
0x71: {  	_ =	shalt  }
0x72: {  	_ =	shalt  }
0x73: {  	_ =	shalt  }
0x74: {  	_ =	shalt  }
0x75: {  	_ =	shalt  }
0x76: {  	_ =	shalt  }
0x77: {  	_ =	shalt  }
0x78: {  	_ =	shalt  }
0x79: {  	_ =	shalt  }
0x7a: {  	_ =	shalt  }
0x7b: {  	_ =	shalt  }
0x7c: {  	_ =	shalt  }
0x7d: {  	_ =	shalt  }
0x7e: {  	_ =	shalt  }
0x7f: {  	_ =	shalt  }
0x80: {  	_ =	shalt  }
0x81: {  	_ =	shalt  }
0x82: {  	_ =	shalt  }
0x83: {  	_ =	shalt  }
0x84: {  	_ =	shalt  }
0x85: {  	_ =	shalt  }
0x86: {  	_ =	shalt  }
0x87: {  	_ =	shalt  }
.Lfunc_end0:
.L_simem_size_0:
called_computation.1_lowered:
.L_overlay_start_0:
0x88: {  	s2 =	sld [smem:$0x3FD9]  }
0x89: {  	s3 =	sld [smem:$0x3FFE];
	_ =	sdelay $0x1  }
0x8a: {  	s1 =	srdreg.scid  }
0x8b: {  	s0 =	sand.u32 $0x1, s1  }
0x8c: {  	s16 =	sshll.u32 s0, $0xA;
	s2 =	sadd.s32 s3, s2  }
0x8d: {  	s2 =	sadd.s32 s2, s16  }
0x8e: {  	[smem:$0x3FBA] =	sst s2  }
0x8f: {  	_ = 	snop  }
0x90: {  	(tm) =	ssettm $0x1  }
0x91: {  	s17 =	sld [smem:$0x3FFB];
	_ =	sdelay $0x3  }
0x92: {  	_ =	strace s17  }
0x93: {  	s2 =	sld [smem:$0x3FFC];
	_ =	sdelay $0x3  }
0x94: {  	_ =	strace s2  }
0x95: {  	s2 =	sld [smem:$0x3FFD];
	_ =	sdelay $0x3  }
0x96: {  	_ =	strace s2  }
0x97: {  	_ =	strace $0x8FFFFFFF  }
0x98: {  	s18 =	sld [smem:$0x3FDB];
	_ =	sdelay $0x1  }
0x99: {  	s19 =	simm.s32 $_scs_section_size  }
0x9a: {  	s4 =	simm.s32 $_size__tile_overlayer_lowered;
	s5 =	simm.s32 $_tile_overlayer_lowered  }
0x9b: {  	s22 =	simm.s32 $0x1BFF;
	s21 =	sshll.u32 s5, $0x1;
	s2 =	sadd.s32 s19, s18  }
0x9c: {  	s6 =	simm.s32 $0x0;
	s20 =	sshll.u32 s4, $0x1;
	s4 =	sadd.s32 s21, s2  }
0x9d: {  	[timem:s6], [sflag:s22] =	dma.local [hbm:s4], s20  }
0x9e: {  	_ =	swait.ge [sflag:s22], s20  }
0x9f: {  	s3 =	ssub.s32 $0x0, s20;
	[sflag:s22] =	ssyncset.done $0x0  }
0xa0: {  	[sflag:s22] =	ssyncadd.s32 s3;
	_ =	sdelay $0x1  }
0xa1: {  	s23 =	simm.s32 $0x1B8B  }
0xa2: {  	_ =	swait.ge [sflag:s23], $0x1  }
0xa3: {  	[sflag:s23] =	ssyncset.done $0x0  }
0xa4: {  	s25 =	simm.s32 $0x1B8E;
	s24 =	sld [smem:$0x3FFE];
	[sflag:s23] =	ssyncadd.s32 $0xFFFFFFFF  }
0xa5: {  	s26 =	simm.s32 $execute0_lowered;
	[smem:$0x3FD2] =	sst s25  }
0xa6: {  	s4 =	sshll.u32 s26, $0x1;
	_ =	strace $0x80000049;
	[dreg:$0x1] =	wrdreg $0xFFFFFFFF  }
0xa7: {  	s28 =	simm.s32 $_size_execute0_lowered;
	s2 =	sadd.s32 s2, s4;
	[dreg:$0x0] =	wrdreg $0x0  }
0xa8: {  	s4 =	sshll.u32 s28, $0x1;
	[dreg:$0x2] =	wrdreg s2  }
0xa9: {  	[dreg:$0x3] =	wrdreg s4  }
0xaa: {  	[dreg:$0x4] =	wrdreg $0xC0  }
0xab: {  	_ =	task [dreg:s6], $0x5FFFF  }
0xac: {  	[dreg:$0x1] =	wrdreg $0xFFFFFFFF  }
0xad: {  	[dreg:$0x0] =	wrdreg $0x60  }
0xae: {  	[dreg:$0x2] =	wrdreg s24  }
0xaf: {  	[dreg:$0x3] =	wrdreg $0x90000  }
0xb0: {  	[dreg:$0x4] =	wrdreg $0x9  }
0xb1: {  	_ =	task.clear_ibuf [dreg:s6], $0x5FFFF;
	_ =	strace $0x90000049  }
0xb2: {  	s29 =	simm.s32 $0x9;
	_ =	strace $0x8000004B  }
0xb3: {  	_ =	swait.ge [sflag:s29], $0x1  }
0xb4: {  	[sflag:s29] =	ssyncadd.s32 $0xFFFFFFFF  }
0xb5: {  	_ =	strace $0x9000004B  }
0xb6: {  	_ =	sfence  }
0xb7: {  	s30 =	sld [smem:$0x0];
	_ =	sdelay $0x2  }
0xb8: {  	s31 =	sshll.u32 s1, $0xD;
	s1 =	sshrl.u32 s1, $0x2  }
0xb9: {  	s3 =	sand.u32 $0x4000, s31;
	s1 =	sadd.s32 s1, s30  }
0xba: {  	s0 =	sor.u32 s3, s0;
	s1 =	sshll.u32 s1, $0x11  }
0xbb: {  	s0 =	sor.u32 s1, s0  }
0xbc: {  	s0 =	sadd.s32 $0x8F2B, s0  }
0xbd: {  	[sflag:s0] =	ssyncadd.remote.s32 $0x1  }
0xbe: {  	_ =	sfence.sel $0xFFFF  }
0xbf: {  	[dreg:$0x0] =	wrdreg $0xFFFFFFFF;
	(pc) =	sbr.abs _section_cstart, $3  }
0xc0: {  	[dreg:$0x1] =	wrdreg $0xFFFFFFFF  }
0xc1: {  	_ =	task.clear_ibuf [dreg:s6], $0x2FFFF;
	_ =	strace $0x9FFFFFFF  }
0xc2: {  	(tm) =	ssettm $0x7FFFFFFF  }
0xc3: {  	_ =	shalt  }
tec
execute0_lowered:
.L_overlay_start_1:
0x0: {  	(tag) =	ssettag $0x1  }
0x1: {  	s0 =	srdreg.scid;
	s6 =	rddreg [dreg:$0x0]  }
0x2: {  	s2 =	rddreg [dreg:$0x1];
	s3 =	simm.s32 $0x0;
	s14 =	simm.s32 $0x80  }
0x3: {  	s15 =	simm.s32 $0x5000;
	s5 =	sand.u32 $0x1, s0;
	s0 =	stileid.u32  }
0x4: {  	s16 =	simm.s32 $0x1;
	s17 =	simm.s32 $0x0;
	s8 =	smul.u32 $0x14000, s0  }
0x5: {  	[smem:$0x7FF] =	sst s3;
	s1 =	sshll.u32 s5, $0x4;
	s9 =	smul.u32 $0x140000, s5  }
0x6: {  	s5 =	ssub.s32 $0x2, s5;
	s31 =	smul.u32 $0x50000, s0;
	s12 =	sshll.u32 s0, $0x6  }
0x7: {  	s4 =	sor.u32 s0, s1;
	s1 =	rddreg [dreg:$0x2];
	_ =	strace $0x8000004A  }
0x8: {  	s11 =	sshrl.u32 s5, $0x1;
	s12 =	sor.u32 $0x1C02, s12;
	s7 =	smul.u32 $0x500, s4  }
0x9: {  	s4 =	sadd.s32 $0x40400, s6;
	s10 =	sshrl.u32 s8, $0x3;
	s8 =	sadd.s32 s8, s9  }
0xa: {  	s11 =	ssub.s32 s5, s11;
	s9 =	sshrl.u32 s31, $0x2;
	s10 =	sadd.s32 s10, s6  }
0xb: {  	s8 =	sshrl.u32 s8, $0x3;
	s13 =	sadd.s32 s9, s2;
	s9 =	smax.u32 s11, $0x1  }
0xc: {  	s11 =	simm.s32 $0x2800;
	s7 =	sadd.s32 s7, s6;
	s8 =	sadd.s32 s8, s6  }
0xd: {  	s13 =	sshrl.u32 s13, $0x3;
	s5 =	sadd.s32 $0xE400, s7;
	s6 =	sadd.s32 $0x4400, s7  }
0xe: {  	s7 =	sadd.s32 $0x18400, s10;
	s8 =	sadd.s32 $0x68400, s8;
	s10 =	simm.s32 $0x2  }
.LBB2_1:
0xf: {  	[tilespmem:s3], [sflag:$0x2] =	stream.linear.gather [hbm4b:s5+s3], $0x2800, $0x38;
	[tilespmem:$0x1D000] =	vst v63  }
0x10: {  	_ =	swait.ge [sflag:s10], $0x2800  }
0x11: {  	[sflag:s10] =	ssyncset.done $0x0  }
0x12: {  	[sflag:s10] =	ssyncadd.s32 $0xFFFFD800  }
0x13: {  	[tilespmem:s11], [sflag:$0x2] =	stream.linear.gather [hbm4b:s6+s3], $0x2800, $0x38;
	[tilespmem:$0x1D000] =	vst v63  }
0x14: {  	_ =	swait.ge [sflag:s10], $0x2800  }
0x15: {  	[sflag:s10] =	ssyncset.done $0x0  }
0x16: {  	[sflag:s10] =	ssyncadd.s32 $0xFFFFD800  }
0x17: {  	[spmem:s13], [sflag:s12] =	dma.local [hbm:s7], $0x2800  }
0x18: {  	_ =	swait.ge [sflag:s10], $0x2800  }
0x19: {  	[sflag:s10] =	ssyncset.done $0x0  }
0x1a: {  	[sflag:s10] =	ssyncadd.s32 $0xFFFFD800  }
0x1b: {  	s18 =	simm.s32 $0x0;
	[bflag:$0x0] =	sbarrier.arrive $0xFFFF  }
0x1c: {  	[tilespmem:s15], [sflag:$0x1] =	stream.indirect.gather [hbm4b:s4+s14], $0x80, s18, s14, $0xb8;
	[tilespmem:$0x1D000] =	vst v63  }
0x1d: {  	_ =	swait.ge [sflag:s16], $0x4000  }
0x1e: {  	[sflag:s16] =	ssyncset.done $0x0  }
0x1f: {  	s29 =	simm.s32 $0x2800;
	[sflag:s16] =	ssyncadd.s32 $0xFFFFC000  }
0x20: {  	[spmem:s2] =	stream.indirect.scatter.add.f32 [tilespmem:s15], [sflag:$0x2], $0x80, s29, s14, $0xb8;
	[tilespmem:$0x1D000] =	vst v63  }
0x21: {  	_ =	swait.ge [sflag:s10], $0x4000  }
0x22: {  	[sflag:s10] =	ssyncset.done $0x0  }
0x23: {  	s30 =	simm.s32 $0x80;
	[sflag:s10] =	ssyncadd.s32 $0xFFFFC000  }
0x24: {  	[tilespmem:s15], [sflag:$0x1] =	stream.indirect.gather [hbm4b:s4+s14], $0x80, s30, s14, $0xb8;
	[tilespmem:$0x1D000] =	vst v63  }
0x25: {  	_ =	swait.ge [sflag:s16], $0x4000  }
0x26: {  	[sflag:s16] =	ssyncset.done $0x0  }
0x27: {  	s31 =	simm.s32 $0x2880;
	[sflag:s16] =	ssyncadd.s32 $0xFFFFC000  }
0x28: {  	[spmem:s2] =	stream.indirect.scatter.add.f32 [tilespmem:s15], [sflag:$0x2], $0x80, s31, s14, $0xb8;
	[tilespmem:$0x1D000] =	vst v63  }
0x29: {  	_ =	swait.ge [sflag:s10], $0x4000  }
0x2a: {  	[sflag:s10] =	ssyncset.done $0x0  }
0x2b: {  	s19 =	simm.s32 $0x100;
	[sflag:s10] =	ssyncadd.s32 $0xFFFFC000  }
0x2c: {  	[tilespmem:s15], [sflag:$0x1] =	stream.indirect.gather [hbm4b:s4+s14], $0x80, s19, s14, $0xb8;
	[tilespmem:$0x1D000] =	vst v63  }
0x2d: {  	_ =	swait.ge [sflag:s16], $0x4000  }
0x2e: {  	[sflag:s16] =	ssyncset.done $0x0  }
0x2f: {  	s20 =	simm.s32 $0x2900;
	[sflag:s16] =	ssyncadd.s32 $0xFFFFC000  }
0x30: {  	[spmem:s2] =	stream.indirect.scatter.add.f32 [tilespmem:s15], [sflag:$0x2], $0x80, s20, s14, $0xb8;
	[tilespmem:$0x1D000] =	vst v63  }
0x31: {  	_ =	swait.ge [sflag:s10], $0x4000  }
0x32: {  	[sflag:s10] =	ssyncset.done $0x0  }
0x33: {  	s21 =	simm.s32 $0x180;
	[sflag:s10] =	ssyncadd.s32 $0xFFFFC000  }
0x34: {  	[tilespmem:s15], [sflag:$0x1] =	stream.indirect.gather [hbm4b:s4+s14], $0x80, s21, s14, $0xb8;
	[tilespmem:$0x1D000] =	vst v63  }
0x35: {  	_ =	swait.ge [sflag:s16], $0x4000  }
0x36: {  	[sflag:s16] =	ssyncset.done $0x0  }
0x37: {  	s22 =	simm.s32 $0x2980;
	[sflag:s16] =	ssyncadd.s32 $0xFFFFC000  }
0x38: {  	[spmem:s2] =	stream.indirect.scatter.add.f32 [tilespmem:s15], [sflag:$0x2], $0x80, s22, s14, $0xb8;
	[tilespmem:$0x1D000] =	vst v63  }
0x39: {  	_ =	swait.ge [sflag:s10], $0x4000  }
0x3a: {  	[sflag:s10] =	ssyncset.done $0x0  }
0x3b: {  	s23 =	simm.s32 $0x200;
	[sflag:s10] =	ssyncadd.s32 $0xFFFFC000  }
0x3c: {  	[tilespmem:s15], [sflag:$0x1] =	stream.indirect.gather [hbm4b:s4+s14], $0x80, s23, s14, $0xb8;
	[tilespmem:$0x1D000] =	vst v63  }
0x3d: {  	_ =	swait.ge [sflag:s16], $0x4000  }
0x3e: {  	[sflag:s16] =	ssyncset.done $0x0  }
0x3f: {  	s24 =	simm.s32 $0x2A00;
	[sflag:s16] =	ssyncadd.s32 $0xFFFFC000  }
0x40: {  	[spmem:s2] =	stream.indirect.scatter.add.f32 [tilespmem:s15], [sflag:$0x2], $0x80, s24, s14, $0xb8;
	[tilespmem:$0x1D000] =	vst v63  }
0x41: {  	_ =	swait.ge [sflag:s10], $0x4000  }
0x42: {  	[sflag:s10] =	ssyncset.done $0x0  }
0x43: {  	s25 =	simm.s32 $0x280;
	[sflag:s10] =	ssyncadd.s32 $0xFFFFC000  }
0x44: {  	[tilespmem:s15], [sflag:$0x1] =	stream.indirect.gather [hbm4b:s4+s14], $0x80, s25, s14, $0xb8;
	[tilespmem:$0x1D000] =	vst v63  }
0x45: {  	_ =	swait.ge [sflag:s16], $0x4000  }
0x46: {  	[sflag:s16] =	ssyncset.done $0x0  }
0x47: {  	s26 =	simm.s32 $0x2A80;
	[sflag:s16] =	ssyncadd.s32 $0xFFFFC000  }
0x48: {  	[spmem:s2] =	stream.indirect.scatter.add.f32 [tilespmem:s15], [sflag:$0x2], $0x80, s26, s14, $0xb8;
	[tilespmem:$0x1D000] =	vst v63  }
0x49: {  	_ =	swait.ge [sflag:s10], $0x4000  }
0x4a: {  	[sflag:s10] =	ssyncset.done $0x0  }
0x4b: {  	s28 =	simm.s32 $0x300;
	[sflag:s10] =	ssyncadd.s32 $0xFFFFC000  }
0x4c: {  	[tilespmem:s15], [sflag:$0x1] =	stream.indirect.gather [hbm4b:s4+s14], $0x80, s28, s14, $0xb8;
	[tilespmem:$0x1D000] =	vst v63  }
0x4d: {  	_ =	swait.ge [sflag:s16], $0x4000  }
0x4e: {  	[sflag:s16] =	ssyncset.done $0x0  }
0x4f: {  	s29 =	simm.s32 $0x2B00;
	[sflag:s16] =	ssyncadd.s32 $0xFFFFC000  }
0x50: {  	[spmem:s2] =	stream.indirect.scatter.add.f32 [tilespmem:s15], [sflag:$0x2], $0x80, s29, s14, $0xb8;
	[tilespmem:$0x1D000] =	vst v63  }
0x51: {  	_ =	swait.ge [sflag:s10], $0x4000  }
0x52: {  	[sflag:s10] =	ssyncset.done $0x0  }
0x53: {  	s30 =	simm.s32 $0x380;
	[sflag:s10] =	ssyncadd.s32 $0xFFFFC000  }
0x54: {  	[tilespmem:s15], [sflag:$0x1] =	stream.indirect.gather [hbm4b:s4+s14], $0x80, s30, s14, $0xb8;
	[tilespmem:$0x1D000] =	vst v63  }
0x55: {  	_ =	swait.ge [sflag:s16], $0x4000  }
0x56: {  	[sflag:s16] =	ssyncset.done $0x0  }
0x57: {  	s31 =	simm.s32 $0x2B80;
	[sflag:s16] =	ssyncadd.s32 $0xFFFFC000  }
0x58: {  	[spmem:s2] =	stream.indirect.scatter.add.f32 [tilespmem:s15], [sflag:$0x2], $0x80, s31, s14, $0xb8;
	[tilespmem:$0x1D000] =	vst v63  }
0x59: {  	_ =	swait.ge [sflag:s10], $0x4000  }
0x5a: {  	s18 =	simm.s32 $0x1000;
	s21 =	simm.s32 $0x2000;
	[sflag:s10] =	ssyncset.done $0x0  }
.LBB2_2:
0x5b: {  	s20 =	sshra.s32 s18, $0x2  }
0x5c: {  	[sflag:s10] =	ssyncadd.s32 $0xFFFFC000;
	s18 =	smov.u32 s21;
	s19 =	sadd.s32 $0x1000, s21  }
0x5d: {  	[tilespmem:s15], [sflag:$0x1] =	stream.indirect.gather [hbm4b:s4+s14], $0x80, s20, s14, $0xb8;
	[tilespmem:$0x1D000] =	vst v63  }
0x5e: {  	p0 =	sne.s32 s21, $0x9000;
	_ =	swait.ge [sflag:s16], $0x4000  }
0x5f: {  	[sflag:s16] =	ssyncset.done $0x0  }
0x60: {  	s21 =	sadd.s32 $0x2800, s20;
	[sflag:s16] =	ssyncadd.s32 $0xFFFFC000  }
0x61: {  	[spmem:s2] =	stream.indirect.scatter.add.f32 [tilespmem:s15], [sflag:$0x2], $0x80, s21, s14, $0xb8;
	[tilespmem:$0x1D000] =	vst v63  }
0x62: {  	_ =	swait.ge [sflag:s10], $0x4000  }
0x63: {  	[sflag:s10] =	ssyncset.done $0x0  }
0x64: {  	s21 =	sadd.s32 $0x80, s20;
	[sflag:s10] =	ssyncadd.s32 $0xFFFFC000  }
0x65: {  	[tilespmem:s15], [sflag:$0x1] =	stream.indirect.gather [hbm4b:s4+s14], $0x80, s21, s14, $0xb8;
	[tilespmem:$0x1D000] =	vst v63  }
0x66: {  	_ =	swait.ge [sflag:s16], $0x4000  }
0x67: {  	[sflag:s16] =	ssyncset.done $0x0  }
0x68: {  	s21 =	sadd.s32 $0x2880, s20;
	[sflag:s16] =	ssyncadd.s32 $0xFFFFC000  }
0x69: {  	[spmem:s2] =	stream.indirect.scatter.add.f32 [tilespmem:s15], [sflag:$0x2], $0x80, s21, s14, $0xb8;
	[tilespmem:$0x1D000] =	vst v63  }
0x6a: {  	_ =	swait.ge [sflag:s10], $0x4000  }
0x6b: {  	[sflag:s10] =	ssyncset.done $0x0  }
0x6c: {  	s21 =	sadd.s32 $0x100, s20;
	[sflag:s10] =	ssyncadd.s32 $0xFFFFC000  }
0x6d: {  	[tilespmem:s15], [sflag:$0x1] =	stream.indirect.gather [hbm4b:s4+s14], $0x80, s21, s14, $0xb8;
	[tilespmem:$0x1D000] =	vst v63  }
0x6e: {  	_ =	swait.ge [sflag:s16], $0x4000  }
0x6f: {  	[sflag:s16] =	ssyncset.done $0x0  }
0x70: {  	s21 =	sadd.s32 $0x2900, s20;
	[sflag:s16] =	ssyncadd.s32 $0xFFFFC000  }
0x71: {  	[spmem:s2] =	stream.indirect.scatter.add.f32 [tilespmem:s15], [sflag:$0x2], $0x80, s21, s14, $0xb8;
	[tilespmem:$0x1D000] =	vst v63  }
0x72: {  	_ =	swait.ge [sflag:s10], $0x4000  }
0x73: {  	[sflag:s10] =	ssyncset.done $0x0  }
0x74: {  	s21 =	sadd.s32 $0x180, s20;
	[sflag:s10] =	ssyncadd.s32 $0xFFFFC000  }
0x75: {  	[tilespmem:s15], [sflag:$0x1] =	stream.indirect.gather [hbm4b:s4+s14], $0x80, s21, s14, $0xb8;
	[tilespmem:$0x1D000] =	vst v63  }
0x76: {  	_ =	swait.ge [sflag:s16], $0x4000  }
0x77: {  	[sflag:s16] =	ssyncset.done $0x0  }
0x78: {  	s21 =	sadd.s32 $0x2980, s20;
	[sflag:s16] =	ssyncadd.s32 $0xFFFFC000  }
0x79: {  	[spmem:s2] =	stream.indirect.scatter.add.f32 [tilespmem:s15], [sflag:$0x2], $0x80, s21, s14, $0xb8;
	[tilespmem:$0x1D000] =	vst v63  }
0x7a: {  	_ =	swait.ge [sflag:s10], $0x4000  }
0x7b: {  	[sflag:s10] =	ssyncset.done $0x0  }
0x7c: {  	s21 =	sadd.s32 $0x200, s20;
	[sflag:s10] =	ssyncadd.s32 $0xFFFFC000  }
0x7d: {  	[tilespmem:s15], [sflag:$0x1] =	stream.indirect.gather [hbm4b:s4+s14], $0x80, s21, s14, $0xb8;
	[tilespmem:$0x1D000] =	vst v63  }
0x7e: {  	_ =	swait.ge [sflag:s16], $0x4000  }
0x7f: {  	[sflag:s16] =	ssyncset.done $0x0  }
0x80: {  	s21 =	sadd.s32 $0x2A00, s20;
	[sflag:s16] =	ssyncadd.s32 $0xFFFFC000  }
0x81: {  	[spmem:s2] =	stream.indirect.scatter.add.f32 [tilespmem:s15], [sflag:$0x2], $0x80, s21, s14, $0xb8;
	[tilespmem:$0x1D000] =	vst v63  }
0x82: {  	_ =	swait.ge [sflag:s10], $0x4000  }
0x83: {  	[sflag:s10] =	ssyncset.done $0x0  }
0x84: {  	s21 =	sadd.s32 $0x280, s20;
	[sflag:s10] =	ssyncadd.s32 $0xFFFFC000  }
0x85: {  	[tilespmem:s15], [sflag:$0x1] =	stream.indirect.gather [hbm4b:s4+s14], $0x80, s21, s14, $0xb8;
	[tilespmem:$0x1D000] =	vst v63  }
0x86: {  	_ =	swait.ge [sflag:s16], $0x4000  }
0x87: {  	[sflag:s16] =	ssyncset.done $0x0  }
0x88: {  	s21 =	sadd.s32 $0x2A80, s20;
	[sflag:s16] =	ssyncadd.s32 $0xFFFFC000  }
0x89: {  	[spmem:s2] =	stream.indirect.scatter.add.f32 [tilespmem:s15], [sflag:$0x2], $0x80, s21, s14, $0xb8;
	[tilespmem:$0x1D000] =	vst v63  }
0x8a: {  	_ =	swait.ge [sflag:s10], $0x4000  }
0x8b: {  	[sflag:s10] =	ssyncset.done $0x0  }
0x8c: {  	s21 =	sadd.s32 $0x300, s20;
	[sflag:s10] =	ssyncadd.s32 $0xFFFFC000  }
0x8d: {  	[tilespmem:s15], [sflag:$0x1] =	stream.indirect.gather [hbm4b:s4+s14], $0x80, s21, s14, $0xb8;
	[tilespmem:$0x1D000] =	vst v63  }
0x8e: {  	_ =	swait.ge [sflag:s16], $0x4000  }
0x8f: {  	[sflag:s16] =	ssyncset.done $0x0  }
0x90: {  	s21 =	sadd.s32 $0x2B00, s20;
	[sflag:s16] =	ssyncadd.s32 $0xFFFFC000  }
0x91: {  	[spmem:s2] =	stream.indirect.scatter.add.f32 [tilespmem:s15], [sflag:$0x2], $0x80, s21, s14, $0xb8;
	[tilespmem:$0x1D000] =	vst v63  }
0x92: {  	_ =	swait.ge [sflag:s10], $0x4000  }
0x93: {  	[sflag:s10] =	ssyncset.done $0x0  }
0x94: {  	s21 =	sadd.s32 $0x380, s20;
	[sflag:s10] =	ssyncadd.s32 $0xFFFFC000  }
0x95: {  	[tilespmem:s15], [sflag:$0x1] =	stream.indirect.gather [hbm4b:s4+s14], $0x80, s21, s14, $0xb8;
	[tilespmem:$0x1D000] =	vst v63  }
0x96: {  	_ =	swait.ge [sflag:s16], $0x4000  }
.Ltmp0:
0x97: {  	[sflag:s16] =	ssyncset.done $0x0;
	(pc) =	sbr.rel @p0 .LBB2_2-.Ltmp0, $4  }
0x98: {  	s20 =	sadd.s32 $0x2B80, s20;
	[sflag:s16] =	ssyncadd.s32 $0xFFFFC000  }
0x99: {  	[spmem:s2] =	stream.indirect.scatter.add.f32 [tilespmem:s15], [sflag:$0x2], $0x80, s20, s14, $0xb8;
	[tilespmem:$0x1D000] =	vst v63  }
0x9a: {  	_ =	swait.ge [sflag:s10], $0x4000  }
0x9b: {  	s21 =	smov.u32 s19;
	[sflag:s10] =	ssyncset.done $0x0  }
0x9c: {  	s18 =	sshra.s32 s18, $0x2;
	[sflag:s10] =	ssyncadd.s32 $0xFFFFC000  }
0x9d: {  	[tilespmem:s15], [sflag:$0x1] =	stream.indirect.gather [hbm4b:s4+s14], $0x80, s18, s14, $0xb8;
	[tilespmem:$0x1D000] =	vst v63  }
0x9e: {  	_ =	swait.ge [sflag:s16], $0x4000  }
0x9f: {  	[sflag:s16] =	ssyncset.done $0x0  }
0xa0: {  	s19 =	sadd.s32 $0x2800, s18;
	[sflag:s16] =	ssyncadd.s32 $0xFFFFC000  }
0xa1: {  	[spmem:s2] =	stream.indirect.scatter.add.f32 [tilespmem:s15], [sflag:$0x2], $0x80, s19, s14, $0xb8;
	[tilespmem:$0x1D000] =	vst v63  }
0xa2: {  	_ =	swait.ge [sflag:s10], $0x4000  }
0xa3: {  	[sflag:s10] =	ssyncset.done $0x0  }
0xa4: {  	s30 =	sadd.s32 $0x80, s18;
	[sflag:s10] =	ssyncadd.s32 $0xFFFFC000  }
0xa5: {  	[tilespmem:s15], [sflag:$0x1] =	stream.indirect.gather [hbm4b:s4+s14], $0x80, s30, s14, $0xb8;
	[tilespmem:$0x1D000] =	vst v63  }
0xa6: {  	_ =	swait.ge [sflag:s16], $0x4000  }
0xa7: {  	[sflag:s16] =	ssyncset.done $0x0  }
0xa8: {  	s31 =	sadd.s32 $0x2880, s18;
	[sflag:s16] =	ssyncadd.s32 $0xFFFFC000  }
0xa9: {  	[spmem:s2] =	stream.indirect.scatter.add.f32 [tilespmem:s15], [sflag:$0x2], $0x80, s31, s14, $0xb8;
	[tilespmem:$0x1D000] =	vst v63  }
0xaa: {  	_ =	swait.ge [sflag:s10], $0x4000  }
0xab: {  	[sflag:s10] =	ssyncset.done $0x0  }
0xac: {  	s20 =	sadd.s32 $0x100, s18;
	[sflag:s10] =	ssyncadd.s32 $0xFFFFC000  }
0xad: {  	[tilespmem:s15], [sflag:$0x1] =	stream.indirect.gather [hbm4b:s4+s14], $0x80, s20, s14, $0xb8;
	[tilespmem:$0x1D000] =	vst v63  }
0xae: {  	_ =	swait.ge [sflag:s16], $0x4000  }
0xaf: {  	[sflag:s16] =	ssyncset.done $0x0  }
0xb0: {  	s21 =	sadd.s32 $0x2900, s18;
	[sflag:s16] =	ssyncadd.s32 $0xFFFFC000  }
0xb1: {  	[spmem:s2] =	stream.indirect.scatter.add.f32 [tilespmem:s15], [sflag:$0x2], $0x80, s21, s14, $0xb8;
	[tilespmem:$0x1D000] =	vst v63  }
0xb2: {  	_ =	swait.ge [sflag:s10], $0x4000  }
0xb3: {  	[sflag:s10] =	ssyncset.done $0x0  }
0xb4: {  	s22 =	sadd.s32 $0x180, s18;
	[sflag:s10] =	ssyncadd.s32 $0xFFFFC000  }
0xb5: {  	[tilespmem:s15], [sflag:$0x1] =	stream.indirect.gather [hbm4b:s4+s14], $0x80, s22, s14, $0xb8;
	[tilespmem:$0x1D000] =	vst v63  }
0xb6: {  	_ =	swait.ge [sflag:s16], $0x4000  }
0xb7: {  	[sflag:s16] =	ssyncset.done $0x0  }
0xb8: {  	s23 =	sadd.s32 $0x2980, s18;
	[sflag:s16] =	ssyncadd.s32 $0xFFFFC000  }
0xb9: {  	[spmem:s2] =	stream.indirect.scatter.add.f32 [tilespmem:s15], [sflag:$0x2], $0x80, s23, s14, $0xb8;
	[tilespmem:$0x1D000] =	vst v63  }
0xba: {  	_ =	swait.ge [sflag:s10], $0x4000  }
0xbb: {  	[sflag:s10] =	ssyncset.done $0x0  }
0xbc: {  	s24 =	sadd.s32 $0x200, s18;
	[sflag:s10] =	ssyncadd.s32 $0xFFFFC000  }
0xbd: {  	[tilespmem:s15], [sflag:$0x1] =	stream.indirect.gather [hbm4b:s4+s14], $0x80, s24, s14, $0xb8;
	[tilespmem:$0x1D000] =	vst v63  }
0xbe: {  	_ =	swait.ge [sflag:s16], $0x4000  }
0xbf: {  	[sflag:s16] =	ssyncset.done $0x0  }
0xc0: {  	s25 =	sadd.s32 $0x2A00, s18;
	[sflag:s16] =	ssyncadd.s32 $0xFFFFC000  }
0xc1: {  	[spmem:s2] =	stream.indirect.scatter.add.f32 [tilespmem:s15], [sflag:$0x2], $0x80, s25, s14, $0xb8;
	[tilespmem:$0x1D000] =	vst v63  }
0xc2: {  	_ =	swait.ge [sflag:s10], $0x4000  }
0xc3: {  	[sflag:s10] =	ssyncset.done $0x0  }
0xc4: {  	s26 =	sadd.s32 $0x280, s18;
	[sflag:s10] =	ssyncadd.s32 $0xFFFFC000  }
0xc5: {  	[tilespmem:s15], [sflag:$0x1] =	stream.indirect.gather [hbm4b:s4+s14], $0x80, s26, s14, $0xb8;
	[tilespmem:$0x1D000] =	vst v63  }
0xc6: {  	_ =	swait.ge [sflag:s16], $0x4000  }
0xc7: {  	[sflag:s16] =	ssyncset.done $0x0  }
0xc8: {  	s28 =	sadd.s32 $0x2A80, s18;
	[sflag:s16] =	ssyncadd.s32 $0xFFFFC000  }
0xc9: {  	[spmem:s2] =	stream.indirect.scatter.add.f32 [tilespmem:s15], [sflag:$0x2], $0x80, s28, s14, $0xb8;
	[tilespmem:$0x1D000] =	vst v63  }
0xca: {  	_ =	swait.ge [sflag:s10], $0x4000  }
0xcb: {  	[sflag:s10] =	ssyncset.done $0x0  }
0xcc: {  	s29 =	sadd.s32 $0x300, s18;
	[sflag:s10] =	ssyncadd.s32 $0xFFFFC000  }
0xcd: {  	[tilespmem:s15], [sflag:$0x1] =	stream.indirect.gather [hbm4b:s4+s14], $0x80, s29, s14, $0xb8;
	[tilespmem:$0x1D000] =	vst v63  }
0xce: {  	_ =	swait.ge [sflag:s16], $0x4000  }
0xcf: {  	[sflag:s16] =	ssyncset.done $0x0  }
0xd0: {  	s30 =	sadd.s32 $0x2B00, s18;
	[sflag:s16] =	ssyncadd.s32 $0xFFFFC000  }
0xd1: {  	[spmem:s2] =	stream.indirect.scatter.add.f32 [tilespmem:s15], [sflag:$0x2], $0x80, s30, s14, $0xb8;
	[tilespmem:$0x1D000] =	vst v63  }
0xd2: {  	_ =	swait.ge [sflag:s10], $0x4000  }
0xd3: {  	[sflag:s10] =	ssyncset.done $0x0  }
0xd4: {  	s31 =	sadd.s32 $0x380, s18;
	[sflag:s10] =	ssyncadd.s32 $0xFFFFC000  }
0xd5: {  	[tilespmem:s15], [sflag:$0x1] =	stream.indirect.gather [hbm4b:s4+s14], $0x80, s31, s14, $0xb8;
	[tilespmem:$0x1D000] =	vst v63  }
0xd6: {  	_ =	swait.ge [sflag:s16], $0x4000  }
0xd7: {  	[sflag:s16] =	ssyncset.done $0x0  }
0xd8: {  	s18 =	sadd.s32 $0x2B80, s18;
	[sflag:s16] =	ssyncadd.s32 $0xFFFFC000  }
0xd9: {  	[spmem:s2] =	stream.indirect.scatter.add.f32 [tilespmem:s15], [sflag:$0x2], $0x80, s18, s14, $0xb8;
	[tilespmem:$0x1D000] =	vst v63  }
0xda: {  	_ =	swait.ge [sflag:s10], $0x4000  }
0xdb: {  	s17 =	sadd.s32 $0x1, s17;
	[sflag:s10] =	ssyncset.done $0x0  }
0xdc: {  	p0 =	sne.s32 s17, s9;
	[sflag:s10] =	ssyncadd.s32 $0xFFFFC000  }
.Ltmp1:
0xdd: {  	[bflag:$0x0] =	sbarrier.arrive $0xFFFF;
	(pc) =	sbr.rel @p0 .LBB2_1-.Ltmp1, $4  }
0xde: {  	[hbm:s8], [sflag:s12] =	dma.local [spmem:s13], $0x2800  }
0xdf: {  	_ =	swait.ge [sflag:s10], $0x2800  }
0xe0: {  	[sflag:s10] =	ssyncset.done $0x0  }
0xe1: {  	[sflag:s10] =	ssyncadd.s32 $0xFFFFD800  }
0xe2: {  	_ =	sfence.sel $0x180000  }
0xe3: {  	[bflag:$0x0] =	sbarrier.arrive $0xFFFF  }
0xe4: {  	p0 =	sne.s32 s0, $0x0;
	_ =	strace $0x9000004A  }
0xe5: {  	s0 =	sadd.s32 @!p0 $0x100000, s1;
	[bflag:$0x2] =	sbarrier.arrive $0xFFFF  }
0xe6: {  	[sflag:s0] =	ssyncadd.tile.s32 @!p0 $0x1;
	_ =	shalt  }
.Lfunc_end2:
_tile_overlayer_lowered:
.L_overlay_start_2:
0xe7: {  	(tag) =	ssettag $0x2  }
0xe8: {  	s0 =	rddreg [dreg:$0x0];
	s2 =	stileid.u32  }
0xe9: {  	s1 =	rddreg [dreg:$0x1];
	p0 =	sne.s32 s2, $0x0  }
0xea: {  	s3 =	rddreg [dreg:$0x2];
	[bflag:$0x3] =	sbarrier.arrive $0xFFFF;
	s2 =	simm.s32 @!p0 $0x1C02  }
0xeb: {  	[timem:s3], [sflag:s2] =	dma.local @!p0 [hbm:s0], s1  }
0xec: {  	s0 =	simm.s32 @!p0 $0x2  }
0xed: {  	_ =	swait.ge @!p0 [sflag:s0], s1  }
0xee: {  	s1 =	ssub.s32 @!p0 $0x0, s1;
	[sflag:s0] =	ssyncset.done @!p0 $0x0  }
0xef: {  	[sflag:s0] =	ssyncadd.s32 @!p0 s1  }
0xf0: {  	[bflag:$0x3] =	sbarrier.arrive $0xFFFF  }
0xf1: {  	_ =	shalt  }

// kernel: kernel.16.cloned.1.call-start
scs
__scs_entry_jumppad:
0x0: {  	(pc) =	sbr.rel $0x88, $3  }
0x1: {  	(tag) =	ssettag $0x0;
	lr =	simm.s32 $0x1  }
0x2: {  	[smem:$0x3F93] =	sst lr;
	_ =	strace $0xD0000000  }
0x3: {  	_ = 	snop  }
0x4: {  	_ = 	snop  }
0x5: {  	_ = 	snop  }
0x6: {  	_ = 	snop  }
0x7: {  	_ = 	snop  }
__scs_overlays_trampoline_lowered:
0x8: {  	[smem:$0x3FA2] =	sst s0  }
0x9: {  	[smem:$0x3FA3] =	sst s1  }
0xa: {  	[smem:$0x3FA4] =	sst s2  }
0xb: {  	[smem:$0x3FA5] =	sst s3  }
0xc: {  	[smem:$0x3FA6] =	sst s4  }
0xd: {  	[smem:$0x3FA7] =	sst s5  }
0xe: {  	[smem:$0x3FA8] =	sst s6  }
0xf: {  	[smem:$0x3FA9] =	sst s7  }
0x10: {  	[smem:$0x3FAA] =	sst s8  }
0x11: {  	[smem:$0x3FAB] =	sst s9;
	s0 =	simm.s32 @!p0 $0x0  }
0x12: {  	s1 =	sld [smem:$0x3F91];
	s0 =	simm.s32 @p0 $0x1  }
0x13: {  	[smem:$0x3FAC] =	sst s0;
	s0 =	simm.s32 @!p1 $0x0  }
0x14: {  	s2 =	sld [smem:$0x3F90];
	s0 =	simm.s32 @p1 $0x1  }
0x15: {  	[smem:$0x3FAD] =	sst s0;
	s0 =	simm.s32 @!p2 $0x0  }
0x16: {  	s3 =	sld [smem:$0x3FDB];
	s0 =	simm.s32 @p2 $0x1  }
0x17: {  	s4 =	simm.s32 $0x1BF5;
	[smem:$0x3FAF] =	sst s0  }
0x18: {  	s0 =	sld [smem:$0x3F92];
	_ =	swait.ge [sflag:s4], $0x0  }
0x19: {  	s7 =	sld [smem:$0x3F93]  }
0x1a: {  	s8 =	sadd.s32 $0xFFFFE003, lr  }
0x1b: {  	s9 =	sadd.s32 $0xFFFFFEF7, lr;
	s5 =	simm.s32 $0xFFFFFFFF;
	p2 =	slt.u32 s8, $0xFFFFF086  }
0x1c: {  	p1 =	slt.u32 s9, $0xF7A;
	s5 =	simm.s32 @!p2 $0x0  }
0x1d: {  	s5 =	simm.s32 @p1 $0x1;
	p0 =	seq.s32 s7, s2  }
0x1e: {  	s7 =	smul.u32 @!p0 $0xF7A, s2;
	p2 =	seq.s32 @!p0 s5, $0x0  }
0x1f: {  	s9 =	smul.u32 $0xF7A, s1;
	s8 =	simm.s32 @!p0 $0x1BF5;
	p2 =	por !p2, p0  }
0x20: {  	[sflag:s8] =	ssyncset.s32 @!p0 $0xFFFFF086;
	s6 =	sadd.s32 @!p0 s3, s7;
	s7 =	simm.s32 @!p0 $0x108  }
0x21: {  	s3 =	sadd.s32 s3, s9;
	s6 =	sadd.s32 @!p0 $0x88, s6;
	s7 =	simm.s32 @p2 $0x1082  }
0x22: {  	[simem:s7], [sflag:s8] =	dma.local @!p0 [hbm:s6], $0xF7A  }
0x23: {  	s9 =	sor.u32 $0xD0000000, s2;
	s6 =	simm.s32 $0x108;
	_ =	swait.ge @!p0 [sflag:s8], $0x0  }
0x24: {  	s3 =	sadd.s32 $0x88, s3;
	s6 =	simm.s32 @!p1 $0x1082;
	[sflag:s4] =	ssyncset.s32 $0xFFFFF086  }
0x25: {  	[simem:s6], [sflag:s4] =	dma.local [hbm:s3], $0xF7A  }
0x26: {  	[smem:$0x3F93] =	sst s1;
	(tag) =	ssettag s2;
	_ =	strace s9  }
0x27: {  	s1 =	sld [smem:$0x3FA3]  }
0x28: {  	s2 =	sld [smem:$0x3FA4]  }
0x29: {  	s4 =	sld [smem:$0x3FA6]  }
0x2a: {  	p0 =	seq.s32 s5, $0x0;
	s5 =	sld [smem:$0x3FA7]  }
0x2b: {  	s6 =	sld [smem:$0x3FA8]  }
0x2c: {  	s7 =	sld [smem:$0x3FA9]  }
0x2d: {  	s3 =	simm.s32 $0x108;
	s8 =	sld [smem:$0x3FAA]  }
0x2e: {  	s3 =	simm.s32 @!p0 $0x1082;
	s9 =	sld [smem:$0x3FAB]  }
0x2f: {  	lr =	sadd.s32 s0, s3;
	s0 =	sld [smem:$0x3FA2]  }
0x30: {  	s3 =	sld [smem:$0x3FA5]  }
0x31: {  	[smem:$0x3FAE] =	sst s10  }
0x32: {  	s10 =	sld [smem:$0x3FAC];
	_ =	sdelay $0x3  }
0x33: {  	p0 =	seq.s32 s10, $0x1;
	s10 =	sld [smem:$0x3FAE];
	_ =	sdelay $0x3  }
0x34: {  	[smem:$0x3FAE] =	sst s10  }
0x35: {  	s10 =	sld [smem:$0x3FAD];
	_ =	sdelay $0x3  }
0x36: {  	p1 =	seq.s32 s10, $0x1;
	s10 =	sld [smem:$0x3FAE];
	_ =	sdelay $0x3  }
0x37: {  	[smem:$0x3FAE] =	sst s10  }
0x38: {  	s10 =	sld [smem:$0x3FAF]  }
0x39: {  	_ = 	snop;
	(pc) =	sbr.ind lr, $3  }
0x3a: {  	_ = 	snop  }
0x3b: {  	_ = 	snop  }
0x3c: {  	p2 =	seq.s32 s10, $0x1;
	s10 =	sld [smem:$0x3FAE]  }
0x3d: {  	_ =	shalt  }
0x3e: {  	_ =	shalt  }
0x3f: {  	_ =	shalt  }
0x40: {  	_ =	shalt  }
0x41: {  	_ =	shalt  }
0x42: {  	_ =	shalt  }
0x43: {  	_ =	shalt  }
0x44: {  	_ =	shalt  }
0x45: {  	_ =	shalt  }
0x46: {  	_ =	shalt  }
0x47: {  	_ =	shalt  }
0x48: {  	_ =	shalt  }
0x49: {  	_ =	shalt  }
0x4a: {  	_ =	shalt  }
0x4b: {  	_ =	shalt  }
0x4c: {  	_ =	shalt  }
0x4d: {  	_ =	shalt  }
0x4e: {  	_ =	shalt  }
0x4f: {  	_ =	shalt  }
0x50: {  	_ =	shalt  }
0x51: {  	_ =	shalt  }
0x52: {  	_ =	shalt  }
0x53: {  	_ =	shalt  }
0x54: {  	_ =	shalt  }
0x55: {  	_ =	shalt  }
0x56: {  	_ =	shalt  }
0x57: {  	_ =	shalt  }
0x58: {  	_ =	shalt  }
0x59: {  	_ =	shalt  }
0x5a: {  	_ =	shalt  }
0x5b: {  	_ =	shalt  }
0x5c: {  	_ =	shalt  }
0x5d: {  	_ =	shalt  }
0x5e: {  	_ =	shalt  }
0x5f: {  	_ =	shalt  }
0x60: {  	_ =	shalt  }
0x61: {  	_ =	shalt  }
0x62: {  	_ =	shalt  }
0x63: {  	_ =	shalt  }
0x64: {  	_ =	shalt  }
0x65: {  	_ =	shalt  }
0x66: {  	_ =	shalt  }
0x67: {  	_ =	shalt  }
0x68: {  	_ =	shalt  }
0x69: {  	_ =	shalt  }
0x6a: {  	_ =	shalt  }
0x6b: {  	_ =	shalt  }
0x6c: {  	_ =	shalt  }
0x6d: {  	_ =	shalt  }
0x6e: {  	_ =	shalt  }
0x6f: {  	_ =	shalt  }
0x70: {  	_ =	shalt  }
0x71: {  	_ =	shalt  }
0x72: {  	_ =	shalt  }
0x73: {  	_ =	shalt  }
0x74: {  	_ =	shalt  }
0x75: {  	_ =	shalt  }
0x76: {  	_ =	shalt  }
0x77: {  	_ =	shalt  }
0x78: {  	_ =	shalt  }
0x79: {  	_ =	shalt  }
0x7a: {  	_ =	shalt  }
0x7b: {  	_ =	shalt  }
0x7c: {  	_ =	shalt  }
0x7d: {  	_ =	shalt  }
0x7e: {  	_ =	shalt  }
0x7f: {  	_ =	shalt  }
0x80: {  	_ =	shalt  }
0x81: {  	_ =	shalt  }
0x82: {  	_ =	shalt  }
0x83: {  	_ =	shalt  }
0x84: {  	_ =	shalt  }
0x85: {  	_ =	shalt  }
0x86: {  	_ =	shalt  }
0x87: {  	_ =	shalt  }
.Lfunc_end0:
.L_simem_size_0:
called_computation.2_lowered:
.L_overlay_start_0:
0x88: {  	s2 =	sld [smem:$0x3FD9]  }
0x89: {  	s3 =	sld [smem:$0x3FFE];
	_ =	sdelay $0x1  }
0x8a: {  	s1 =	srdreg.scid  }
0x8b: {  	s0 =	sand.u32 $0x1, s1  }
0x8c: {  	s16 =	sshll.u32 s0, $0xA;
	s2 =	sadd.s32 s3, s2  }
0x8d: {  	s2 =	sadd.s32 s2, s16  }
0x8e: {  	[smem:$0x3FBA] =	sst s2  }
0x8f: {  	_ = 	snop  }
0x90: {  	(tm) =	ssettm $0x1  }
0x91: {  	s17 =	sld [smem:$0x3FFB];
	_ =	sdelay $0x3  }
0x92: {  	_ =	strace s17  }
0x93: {  	s2 =	sld [smem:$0x3FFC];
	_ =	sdelay $0x3  }
0x94: {  	_ =	strace s2  }
0x95: {  	s2 =	sld [smem:$0x3FFD];
	_ =	sdelay $0x3  }
0x96: {  	_ =	strace s2  }
0x97: {  	_ =	strace $0x8FFFFFFF  }
0x98: {  	s18 =	sld [smem:$0x3FDB];
	_ =	sdelay $0x1  }
0x99: {  	s19 =	simm.s32 $_scs_section_size  }
0x9a: {  	s4 =	simm.s32 $_size__tile_overlayer_lowered;
	s5 =	simm.s32 $_tile_overlayer_lowered  }
0x9b: {  	s22 =	simm.s32 $0x1BFF;
	s21 =	sshll.u32 s5, $0x1;
	s2 =	sadd.s32 s19, s18  }
0x9c: {  	s6 =	simm.s32 $0x0;
	s20 =	sshll.u32 s4, $0x1;
	s4 =	sadd.s32 s21, s2  }
0x9d: {  	[timem:s6], [sflag:s22] =	dma.local [hbm:s4], s20  }
0x9e: {  	_ =	swait.ge [sflag:s22], s20  }
0x9f: {  	s3 =	ssub.s32 $0x0, s20;
	[sflag:s22] =	ssyncset.done $0x0  }
0xa0: {  	[sflag:s22] =	ssyncadd.s32 s3;
	_ =	sdelay $0x1  }
0xa1: {  	s23 =	simm.s32 $0x1B8B  }
0xa2: {  	_ =	swait.ge [sflag:s23], $0x1  }
0xa3: {  	[sflag:s23] =	ssyncset.done $0x0  }
0xa4: {  	s25 =	simm.s32 $0x1B8E;
	s24 =	sld [smem:$0x3FFE];
	[sflag:s23] =	ssyncadd.s32 $0xFFFFFFFF  }
0xa5: {  	s26 =	simm.s32 $execute0_lowered;
	[smem:$0x3FD2] =	sst s25  }
0xa6: {  	s4 =	sshll.u32 s26, $0x1;
	_ =	strace $0x8000004C;
	[dreg:$0x1] =	wrdreg $0xFFFFFFFF  }
0xa7: {  	s28 =	simm.s32 $_size_execute0_lowered;
	s2 =	sadd.s32 s2, s4;
	[dreg:$0x0] =	wrdreg $0x0  }
0xa8: {  	s4 =	sshll.u32 s28, $0x1;
	[dreg:$0x2] =	wrdreg s2  }
0xa9: {  	[dreg:$0x3] =	wrdreg s4  }
0xaa: {  	[dreg:$0x4] =	wrdreg $0xC0  }
0xab: {  	_ =	task [dreg:s6], $0x5FFFF  }
0xac: {  	[dreg:$0x1] =	wrdreg $0xFFFFFFFF  }
0xad: {  	[dreg:$0x0] =	wrdreg $0x60  }
0xae: {  	[dreg:$0x2] =	wrdreg s24  }
0xaf: {  	[dreg:$0x3] =	wrdreg $0x90000  }
0xb0: {  	[dreg:$0x4] =	wrdreg $0x9  }
0xb1: {  	_ =	task.clear_ibuf [dreg:s6], $0x5FFFF;
	_ =	strace $0x9000004C  }
0xb2: {  	s29 =	simm.s32 $0x9;
	_ =	strace $0x8000004E  }
0xb3: {  	_ =	swait.ge [sflag:s29], $0x1  }
0xb4: {  	[sflag:s29] =	ssyncadd.s32 $0xFFFFFFFF  }
0xb5: {  	_ =	strace $0x9000004E  }
0xb6: {  	_ =	sfence  }
0xb7: {  	s30 =	sld [smem:$0x0];
	_ =	sdelay $0x2  }
0xb8: {  	s31 =	sshll.u32 s1, $0xD;
	s1 =	sshrl.u32 s1, $0x2  }
0xb9: {  	s3 =	sand.u32 $0x4000, s31;
	s1 =	sadd.s32 s1, s30  }
0xba: {  	s0 =	sor.u32 s3, s0;
	s1 =	sshll.u32 s1, $0x11  }
0xbb: {  	s0 =	sor.u32 s1, s0  }
0xbc: {  	s0 =	sadd.s32 $0x8F2B, s0  }
0xbd: {  	[sflag:s0] =	ssyncadd.remote.s32 $0x1  }
0xbe: {  	_ =	sfence.sel $0xFFFF  }
0xbf: {  	[dreg:$0x0] =	wrdreg $0xFFFFFFFF;
	(pc) =	sbr.abs _section_cstart, $3  }
0xc0: {  	[dreg:$0x1] =	wrdreg $0xFFFFFFFF  }
0xc1: {  	_ =	task.clear_ibuf [dreg:s6], $0x2FFFF;
	_ =	strace $0x9FFFFFFF  }
0xc2: {  	(tm) =	ssettm $0x7FFFFFFF  }
0xc3: {  	_ =	shalt  }
tec
execute0_lowered:
.L_overlay_start_1:
0x0: {  	(tag) =	ssettag $0x1  }
0x1: {  	s0 =	srdreg.scid;
	s6 =	rddreg [dreg:$0x0]  }
0x2: {  	s2 =	rddreg [dreg:$0x1];
	s3 =	simm.s32 $0x0;
	s14 =	simm.s32 $0x80  }
0x3: {  	s15 =	simm.s32 $0x5000;
	s5 =	sand.u32 $0x1, s0;
	s0 =	stileid.u32  }
0x4: {  	s16 =	simm.s32 $0x1;
	s17 =	simm.s32 $0x0;
	s8 =	smul.u32 $0x14000, s0  }
0x5: {  	[smem:$0x7FF] =	sst s3;
	s1 =	sshll.u32 s5, $0x4;
	s9 =	smul.u32 $0x140000, s5  }
0x6: {  	s5 =	ssub.s32 $0x2, s5;
	s31 =	smul.u32 $0x50000, s0;
	s12 =	sshll.u32 s0, $0x6  }
0x7: {  	s4 =	sor.u32 s0, s1;
	s1 =	rddreg [dreg:$0x2];
	_ =	strace $0x8000004D  }
0x8: {  	s11 =	sshrl.u32 s5, $0x1;
	s12 =	sor.u32 $0x1C02, s12;
	s7 =	smul.u32 $0x500, s4  }
0x9: {  	s4 =	sadd.s32 $0x40400, s6;
	s10 =	sshrl.u32 s8, $0x3;
	s8 =	sadd.s32 s8, s9  }
0xa: {  	s11 =	ssub.s32 s5, s11;
	s9 =	sshrl.u32 s31, $0x2;
	s10 =	sadd.s32 s10, s6  }
0xb: {  	s8 =	sshrl.u32 s8, $0x3;
	s13 =	sadd.s32 s9, s2;
	s9 =	smax.u32 s11, $0x1  }
0xc: {  	s11 =	simm.s32 $0x2800;
	s7 =	sadd.s32 s7, s6;
	s8 =	sadd.s32 s8, s6  }
0xd: {  	s13 =	sshrl.u32 s13, $0x3;
	s5 =	sadd.s32 $0xE400, s7;
	s6 =	sadd.s32 $0x4400, s7  }
0xe: {  	s7 =	sadd.s32 $0x18400, s10;
	s8 =	sadd.s32 $0x68400, s8;
	s10 =	simm.s32 $0x2  }
.LBB2_1:
0xf: {  	[tilespmem:s3], [sflag:$0x2] =	stream.linear.gather [hbm4b:s5+s3], $0x2800, $0x38;
	[tilespmem:$0x1D000] =	vst v63  }
0x10: {  	_ =	swait.ge [sflag:s10], $0x2800  }
0x11: {  	[sflag:s10] =	ssyncset.done $0x0  }
0x12: {  	[sflag:s10] =	ssyncadd.s32 $0xFFFFD800  }
0x13: {  	[tilespmem:s11], [sflag:$0x2] =	stream.linear.gather [hbm4b:s6+s3], $0x2800, $0x38;
	[tilespmem:$0x1D000] =	vst v63  }
0x14: {  	_ =	swait.ge [sflag:s10], $0x2800  }
0x15: {  	[sflag:s10] =	ssyncset.done $0x0  }
0x16: {  	[sflag:s10] =	ssyncadd.s32 $0xFFFFD800  }
0x17: {  	[spmem:s13], [sflag:s12] =	dma.local [hbm:s7], $0x2800  }
0x18: {  	_ =	swait.ge [sflag:s10], $0x2800  }
0x19: {  	[sflag:s10] =	ssyncset.done $0x0  }
0x1a: {  	[sflag:s10] =	ssyncadd.s32 $0xFFFFD800  }
0x1b: {  	s18 =	simm.s32 $0x0;
	[bflag:$0x0] =	sbarrier.arrive $0xFFFF  }
0x1c: {  	[tilespmem:s15], [sflag:$0x1] =	stream.indirect.gather [hbm4b:s4+s14], $0x80, s18, s14, $0xb8;
	[tilespmem:$0x1D000] =	vst v63  }
0x1d: {  	_ =	swait.ge [sflag:s16], $0x4000  }
0x1e: {  	[sflag:s16] =	ssyncset.done $0x0  }
0x1f: {  	s29 =	simm.s32 $0x2800;
	[sflag:s16] =	ssyncadd.s32 $0xFFFFC000  }
0x20: {  	[spmem:s2] =	stream.indirect.scatter.add.f32 [tilespmem:s15], [sflag:$0x2], $0x80, s29, s14, $0xb8;
	[tilespmem:$0x1D000] =	vst v63  }
0x21: {  	_ =	swait.ge [sflag:s10], $0x4000  }
0x22: {  	[sflag:s10] =	ssyncset.done $0x0  }
0x23: {  	s30 =	simm.s32 $0x80;
	[sflag:s10] =	ssyncadd.s32 $0xFFFFC000  }
0x24: {  	[tilespmem:s15], [sflag:$0x1] =	stream.indirect.gather [hbm4b:s4+s14], $0x80, s30, s14, $0xb8;
	[tilespmem:$0x1D000] =	vst v63  }
0x25: {  	_ =	swait.ge [sflag:s16], $0x4000  }
0x26: {  	[sflag:s16] =	ssyncset.done $0x0  }
0x27: {  	s31 =	simm.s32 $0x2880;
	[sflag:s16] =	ssyncadd.s32 $0xFFFFC000  }
0x28: {  	[spmem:s2] =	stream.indirect.scatter.add.f32 [tilespmem:s15], [sflag:$0x2], $0x80, s31, s14, $0xb8;
	[tilespmem:$0x1D000] =	vst v63  }
0x29: {  	_ =	swait.ge [sflag:s10], $0x4000  }
0x2a: {  	[sflag:s10] =	ssyncset.done $0x0  }
0x2b: {  	s19 =	simm.s32 $0x100;
	[sflag:s10] =	ssyncadd.s32 $0xFFFFC000  }
0x2c: {  	[tilespmem:s15], [sflag:$0x1] =	stream.indirect.gather [hbm4b:s4+s14], $0x80, s19, s14, $0xb8;
	[tilespmem:$0x1D000] =	vst v63  }
0x2d: {  	_ =	swait.ge [sflag:s16], $0x4000  }
0x2e: {  	[sflag:s16] =	ssyncset.done $0x0  }
0x2f: {  	s20 =	simm.s32 $0x2900;
	[sflag:s16] =	ssyncadd.s32 $0xFFFFC000  }
0x30: {  	[spmem:s2] =	stream.indirect.scatter.add.f32 [tilespmem:s15], [sflag:$0x2], $0x80, s20, s14, $0xb8;
	[tilespmem:$0x1D000] =	vst v63  }
0x31: {  	_ =	swait.ge [sflag:s10], $0x4000  }
0x32: {  	[sflag:s10] =	ssyncset.done $0x0  }
0x33: {  	s21 =	simm.s32 $0x180;
	[sflag:s10] =	ssyncadd.s32 $0xFFFFC000  }
0x34: {  	[tilespmem:s15], [sflag:$0x1] =	stream.indirect.gather [hbm4b:s4+s14], $0x80, s21, s14, $0xb8;
	[tilespmem:$0x1D000] =	vst v63  }
0x35: {  	_ =	swait.ge [sflag:s16], $0x4000  }
0x36: {  	[sflag:s16] =	ssyncset.done $0x0  }
0x37: {  	s22 =	simm.s32 $0x2980;
	[sflag:s16] =	ssyncadd.s32 $0xFFFFC000  }
0x38: {  	[spmem:s2] =	stream.indirect.scatter.add.f32 [tilespmem:s15], [sflag:$0x2], $0x80, s22, s14, $0xb8;
	[tilespmem:$0x1D000] =	vst v63  }
0x39: {  	_ =	swait.ge [sflag:s10], $0x4000  }
0x3a: {  	[sflag:s10] =	ssyncset.done $0x0  }
0x3b: {  	s23 =	simm.s32 $0x200;
	[sflag:s10] =	ssyncadd.s32 $0xFFFFC000  }
0x3c: {  	[tilespmem:s15], [sflag:$0x1] =	stream.indirect.gather [hbm4b:s4+s14], $0x80, s23, s14, $0xb8;
	[tilespmem:$0x1D000] =	vst v63  }
0x3d: {  	_ =	swait.ge [sflag:s16], $0x4000  }
0x3e: {  	[sflag:s16] =	ssyncset.done $0x0  }
0x3f: {  	s24 =	simm.s32 $0x2A00;
	[sflag:s16] =	ssyncadd.s32 $0xFFFFC000  }
0x40: {  	[spmem:s2] =	stream.indirect.scatter.add.f32 [tilespmem:s15], [sflag:$0x2], $0x80, s24, s14, $0xb8;
	[tilespmem:$0x1D000] =	vst v63  }
0x41: {  	_ =	swait.ge [sflag:s10], $0x4000  }
0x42: {  	[sflag:s10] =	ssyncset.done $0x0  }
0x43: {  	s25 =	simm.s32 $0x280;
	[sflag:s10] =	ssyncadd.s32 $0xFFFFC000  }
0x44: {  	[tilespmem:s15], [sflag:$0x1] =	stream.indirect.gather [hbm4b:s4+s14], $0x80, s25, s14, $0xb8;
	[tilespmem:$0x1D000] =	vst v63  }
0x45: {  	_ =	swait.ge [sflag:s16], $0x4000  }
0x46: {  	[sflag:s16] =	ssyncset.done $0x0  }
0x47: {  	s26 =	simm.s32 $0x2A80;
	[sflag:s16] =	ssyncadd.s32 $0xFFFFC000  }
0x48: {  	[spmem:s2] =	stream.indirect.scatter.add.f32 [tilespmem:s15], [sflag:$0x2], $0x80, s26, s14, $0xb8;
	[tilespmem:$0x1D000] =	vst v63  }
0x49: {  	_ =	swait.ge [sflag:s10], $0x4000  }
0x4a: {  	[sflag:s10] =	ssyncset.done $0x0  }
0x4b: {  	s28 =	simm.s32 $0x300;
	[sflag:s10] =	ssyncadd.s32 $0xFFFFC000  }
0x4c: {  	[tilespmem:s15], [sflag:$0x1] =	stream.indirect.gather [hbm4b:s4+s14], $0x80, s28, s14, $0xb8;
	[tilespmem:$0x1D000] =	vst v63  }
0x4d: {  	_ =	swait.ge [sflag:s16], $0x4000  }
0x4e: {  	[sflag:s16] =	ssyncset.done $0x0  }
0x4f: {  	s29 =	simm.s32 $0x2B00;
	[sflag:s16] =	ssyncadd.s32 $0xFFFFC000  }
0x50: {  	[spmem:s2] =	stream.indirect.scatter.add.f32 [tilespmem:s15], [sflag:$0x2], $0x80, s29, s14, $0xb8;
	[tilespmem:$0x1D000] =	vst v63  }
0x51: {  	_ =	swait.ge [sflag:s10], $0x4000  }
0x52: {  	[sflag:s10] =	ssyncset.done $0x0  }
0x53: {  	s30 =	simm.s32 $0x380;
	[sflag:s10] =	ssyncadd.s32 $0xFFFFC000  }
0x54: {  	[tilespmem:s15], [sflag:$0x1] =	stream.indirect.gather [hbm4b:s4+s14], $0x80, s30, s14, $0xb8;
	[tilespmem:$0x1D000] =	vst v63  }
0x55: {  	_ =	swait.ge [sflag:s16], $0x4000  }
0x56: {  	[sflag:s16] =	ssyncset.done $0x0  }
0x57: {  	s31 =	simm.s32 $0x2B80;
	[sflag:s16] =	ssyncadd.s32 $0xFFFFC000  }
0x58: {  	[spmem:s2] =	stream.indirect.scatter.add.f32 [tilespmem:s15], [sflag:$0x2], $0x80, s31, s14, $0xb8;
	[tilespmem:$0x1D000] =	vst v63  }
0x59: {  	_ =	swait.ge [sflag:s10], $0x4000  }
0x5a: {  	s18 =	simm.s32 $0x1000;
	s21 =	simm.s32 $0x2000;
	[sflag:s10] =	ssyncset.done $0x0  }
.LBB2_2:
0x5b: {  	s20 =	sshra.s32 s18, $0x2  }
0x5c: {  	[sflag:s10] =	ssyncadd.s32 $0xFFFFC000;
	s18 =	smov.u32 s21;
	s19 =	sadd.s32 $0x1000, s21  }
0x5d: {  	[tilespmem:s15], [sflag:$0x1] =	stream.indirect.gather [hbm4b:s4+s14], $0x80, s20, s14, $0xb8;
	[tilespmem:$0x1D000] =	vst v63  }
0x5e: {  	p0 =	sne.s32 s21, $0x9000;
	_ =	swait.ge [sflag:s16], $0x4000  }
0x5f: {  	[sflag:s16] =	ssyncset.done $0x0  }
0x60: {  	s21 =	sadd.s32 $0x2800, s20;
	[sflag:s16] =	ssyncadd.s32 $0xFFFFC000  }
0x61: {  	[spmem:s2] =	stream.indirect.scatter.add.f32 [tilespmem:s15], [sflag:$0x2], $0x80, s21, s14, $0xb8;
	[tilespmem:$0x1D000] =	vst v63  }
0x62: {  	_ =	swait.ge [sflag:s10], $0x4000  }
0x63: {  	[sflag:s10] =	ssyncset.done $0x0  }
0x64: {  	s21 =	sadd.s32 $0x80, s20;
	[sflag:s10] =	ssyncadd.s32 $0xFFFFC000  }
0x65: {  	[tilespmem:s15], [sflag:$0x1] =	stream.indirect.gather [hbm4b:s4+s14], $0x80, s21, s14, $0xb8;
	[tilespmem:$0x1D000] =	vst v63  }
0x66: {  	_ =	swait.ge [sflag:s16], $0x4000  }
0x67: {  	[sflag:s16] =	ssyncset.done $0x0  }
0x68: {  	s21 =	sadd.s32 $0x2880, s20;
	[sflag:s16] =	ssyncadd.s32 $0xFFFFC000  }
0x69: {  	[spmem:s2] =	stream.indirect.scatter.add.f32 [tilespmem:s15], [sflag:$0x2], $0x80, s21, s14, $0xb8;
	[tilespmem:$0x1D000] =	vst v63  }
0x6a: {  	_ =	swait.ge [sflag:s10], $0x4000  }
0x6b: {  	[sflag:s10] =	ssyncset.done $0x0  }
0x6c: {  	s21 =	sadd.s32 $0x100, s20;
	[sflag:s10] =	ssyncadd.s32 $0xFFFFC000  }
0x6d: {  	[tilespmem:s15], [sflag:$0x1] =	stream.indirect.gather [hbm4b:s4+s14], $0x80, s21, s14, $0xb8;
	[tilespmem:$0x1D000] =	vst v63  }
0x6e: {  	_ =	swait.ge [sflag:s16], $0x4000  }
0x6f: {  	[sflag:s16] =	ssyncset.done $0x0  }
0x70: {  	s21 =	sadd.s32 $0x2900, s20;
	[sflag:s16] =	ssyncadd.s32 $0xFFFFC000  }
0x71: {  	[spmem:s2] =	stream.indirect.scatter.add.f32 [tilespmem:s15], [sflag:$0x2], $0x80, s21, s14, $0xb8;
	[tilespmem:$0x1D000] =	vst v63  }
0x72: {  	_ =	swait.ge [sflag:s10], $0x4000  }
0x73: {  	[sflag:s10] =	ssyncset.done $0x0  }
0x74: {  	s21 =	sadd.s32 $0x180, s20;
	[sflag:s10] =	ssyncadd.s32 $0xFFFFC000  }
0x75: {  	[tilespmem:s15], [sflag:$0x1] =	stream.indirect.gather [hbm4b:s4+s14], $0x80, s21, s14, $0xb8;
	[tilespmem:$0x1D000] =	vst v63  }
0x76: {  	_ =	swait.ge [sflag:s16], $0x4000  }
0x77: {  	[sflag:s16] =	ssyncset.done $0x0  }
0x78: {  	s21 =	sadd.s32 $0x2980, s20;
	[sflag:s16] =	ssyncadd.s32 $0xFFFFC000  }
0x79: {  	[spmem:s2] =	stream.indirect.scatter.add.f32 [tilespmem:s15], [sflag:$0x2], $0x80, s21, s14, $0xb8;
	[tilespmem:$0x1D000] =	vst v63  }
0x7a: {  	_ =	swait.ge [sflag:s10], $0x4000  }
0x7b: {  	[sflag:s10] =	ssyncset.done $0x0  }
0x7c: {  	s21 =	sadd.s32 $0x200, s20;
	[sflag:s10] =	ssyncadd.s32 $0xFFFFC000  }
0x7d: {  	[tilespmem:s15], [sflag:$0x1] =	stream.indirect.gather [hbm4b:s4+s14], $0x80, s21, s14, $0xb8;
	[tilespmem:$0x1D000] =	vst v63  }
0x7e: {  	_ =	swait.ge [sflag:s16], $0x4000  }
0x7f: {  	[sflag:s16] =	ssyncset.done $0x0  }
0x80: {  	s21 =	sadd.s32 $0x2A00, s20;
	[sflag:s16] =	ssyncadd.s32 $0xFFFFC000  }
0x81: {  	[spmem:s2] =	stream.indirect.scatter.add.f32 [tilespmem:s15], [sflag:$0x2], $0x80, s21, s14, $0xb8;
	[tilespmem:$0x1D000] =	vst v63  }
0x82: {  	_ =	swait.ge [sflag:s10], $0x4000  }
0x83: {  	[sflag:s10] =	ssyncset.done $0x0  }
0x84: {  	s21 =	sadd.s32 $0x280, s20;
	[sflag:s10] =	ssyncadd.s32 $0xFFFFC000  }
0x85: {  	[tilespmem:s15], [sflag:$0x1] =	stream.indirect.gather [hbm4b:s4+s14], $0x80, s21, s14, $0xb8;
	[tilespmem:$0x1D000] =	vst v63  }
0x86: {  	_ =	swait.ge [sflag:s16], $0x4000  }
0x87: {  	[sflag:s16] =	ssyncset.done $0x0  }
0x88: {  	s21 =	sadd.s32 $0x2A80, s20;
	[sflag:s16] =	ssyncadd.s32 $0xFFFFC000  }
0x89: {  	[spmem:s2] =	stream.indirect.scatter.add.f32 [tilespmem:s15], [sflag:$0x2], $0x80, s21, s14, $0xb8;
	[tilespmem:$0x1D000] =	vst v63  }
0x8a: {  	_ =	swait.ge [sflag:s10], $0x4000  }
0x8b: {  	[sflag:s10] =	ssyncset.done $0x0  }
0x8c: {  	s21 =	sadd.s32 $0x300, s20;
	[sflag:s10] =	ssyncadd.s32 $0xFFFFC000  }
0x8d: {  	[tilespmem:s15], [sflag:$0x1] =	stream.indirect.gather [hbm4b:s4+s14], $0x80, s21, s14, $0xb8;
	[tilespmem:$0x1D000] =	vst v63  }
0x8e: {  	_ =	swait.ge [sflag:s16], $0x4000  }
0x8f: {  	[sflag:s16] =	ssyncset.done $0x0  }
0x90: {  	s21 =	sadd.s32 $0x2B00, s20;
	[sflag:s16] =	ssyncadd.s32 $0xFFFFC000  }
0x91: {  	[spmem:s2] =	stream.indirect.scatter.add.f32 [tilespmem:s15], [sflag:$0x2], $0x80, s21, s14, $0xb8;
	[tilespmem:$0x1D000] =	vst v63  }
0x92: {  	_ =	swait.ge [sflag:s10], $0x4000  }
0x93: {  	[sflag:s10] =	ssyncset.done $0x0  }
0x94: {  	s21 =	sadd.s32 $0x380, s20;
	[sflag:s10] =	ssyncadd.s32 $0xFFFFC000  }
0x95: {  	[tilespmem:s15], [sflag:$0x1] =	stream.indirect.gather [hbm4b:s4+s14], $0x80, s21, s14, $0xb8;
	[tilespmem:$0x1D000] =	vst v63  }
0x96: {  	_ =	swait.ge [sflag:s16], $0x4000  }
.Ltmp0:
0x97: {  	[sflag:s16] =	ssyncset.done $0x0;
	(pc) =	sbr.rel @p0 .LBB2_2-.Ltmp0, $4  }
0x98: {  	s20 =	sadd.s32 $0x2B80, s20;
	[sflag:s16] =	ssyncadd.s32 $0xFFFFC000  }
0x99: {  	[spmem:s2] =	stream.indirect.scatter.add.f32 [tilespmem:s15], [sflag:$0x2], $0x80, s20, s14, $0xb8;
	[tilespmem:$0x1D000] =	vst v63  }
0x9a: {  	_ =	swait.ge [sflag:s10], $0x4000  }
0x9b: {  	s21 =	smov.u32 s19;
	[sflag:s10] =	ssyncset.done $0x0  }
0x9c: {  	s18 =	sshra.s32 s18, $0x2;
	[sflag:s10] =	ssyncadd.s32 $0xFFFFC000  }
0x9d: {  	[tilespmem:s15], [sflag:$0x1] =	stream.indirect.gather [hbm4b:s4+s14], $0x80, s18, s14, $0xb8;
	[tilespmem:$0x1D000] =	vst v63  }
0x9e: {  	_ =	swait.ge [sflag:s16], $0x4000  }
0x9f: {  	[sflag:s16] =	ssyncset.done $0x0  }
0xa0: {  	s19 =	sadd.s32 $0x2800, s18;
	[sflag:s16] =	ssyncadd.s32 $0xFFFFC000  }
0xa1: {  	[spmem:s2] =	stream.indirect.scatter.add.f32 [tilespmem:s15], [sflag:$0x2], $0x80, s19, s14, $0xb8;
	[tilespmem:$0x1D000] =	vst v63  }
0xa2: {  	_ =	swait.ge [sflag:s10], $0x4000  }
0xa3: {  	[sflag:s10] =	ssyncset.done $0x0  }
0xa4: {  	s30 =	sadd.s32 $0x80, s18;
	[sflag:s10] =	ssyncadd.s32 $0xFFFFC000  }
0xa5: {  	[tilespmem:s15], [sflag:$0x1] =	stream.indirect.gather [hbm4b:s4+s14], $0x80, s30, s14, $0xb8;
	[tilespmem:$0x1D000] =	vst v63  }
0xa6: {  	_ =	swait.ge [sflag:s16], $0x4000  }
0xa7: {  	[sflag:s16] =	ssyncset.done $0x0  }
0xa8: {  	s31 =	sadd.s32 $0x2880, s18;
	[sflag:s16] =	ssyncadd.s32 $0xFFFFC000  }
0xa9: {  	[spmem:s2] =	stream.indirect.scatter.add.f32 [tilespmem:s15], [sflag:$0x2], $0x80, s31, s14, $0xb8;
	[tilespmem:$0x1D000] =	vst v63  }
0xaa: {  	_ =	swait.ge [sflag:s10], $0x4000  }
0xab: {  	[sflag:s10] =	ssyncset.done $0x0  }
0xac: {  	s20 =	sadd.s32 $0x100, s18;
	[sflag:s10] =	ssyncadd.s32 $0xFFFFC000  }
0xad: {  	[tilespmem:s15], [sflag:$0x1] =	stream.indirect.gather [hbm4b:s4+s14], $0x80, s20, s14, $0xb8;
	[tilespmem:$0x1D000] =	vst v63  }
0xae: {  	_ =	swait.ge [sflag:s16], $0x4000  }
0xaf: {  	[sflag:s16] =	ssyncset.done $0x0  }
0xb0: {  	s21 =	sadd.s32 $0x2900, s18;
	[sflag:s16] =	ssyncadd.s32 $0xFFFFC000  }
0xb1: {  	[spmem:s2] =	stream.indirect.scatter.add.f32 [tilespmem:s15], [sflag:$0x2], $0x80, s21, s14, $0xb8;
	[tilespmem:$0x1D000] =	vst v63  }
0xb2: {  	_ =	swait.ge [sflag:s10], $0x4000  }
0xb3: {  	[sflag:s10] =	ssyncset.done $0x0  }
0xb4: {  	s22 =	sadd.s32 $0x180, s18;
	[sflag:s10] =	ssyncadd.s32 $0xFFFFC000  }
0xb5: {  	[tilespmem:s15], [sflag:$0x1] =	stream.indirect.gather [hbm4b:s4+s14], $0x80, s22, s14, $0xb8;
	[tilespmem:$0x1D000] =	vst v63  }
0xb6: {  	_ =	swait.ge [sflag:s16], $0x4000  }
0xb7: {  	[sflag:s16] =	ssyncset.done $0x0  }
0xb8: {  	s23 =	sadd.s32 $0x2980, s18;
	[sflag:s16] =	ssyncadd.s32 $0xFFFFC000  }
0xb9: {  	[spmem:s2] =	stream.indirect.scatter.add.f32 [tilespmem:s15], [sflag:$0x2], $0x80, s23, s14, $0xb8;
	[tilespmem:$0x1D000] =	vst v63  }
0xba: {  	_ =	swait.ge [sflag:s10], $0x4000  }
0xbb: {  	[sflag:s10] =	ssyncset.done $0x0  }
0xbc: {  	s24 =	sadd.s32 $0x200, s18;
	[sflag:s10] =	ssyncadd.s32 $0xFFFFC000  }
0xbd: {  	[tilespmem:s15], [sflag:$0x1] =	stream.indirect.gather [hbm4b:s4+s14], $0x80, s24, s14, $0xb8;
	[tilespmem:$0x1D000] =	vst v63  }
0xbe: {  	_ =	swait.ge [sflag:s16], $0x4000  }
0xbf: {  	[sflag:s16] =	ssyncset.done $0x0  }
0xc0: {  	s25 =	sadd.s32 $0x2A00, s18;
	[sflag:s16] =	ssyncadd.s32 $0xFFFFC000  }
0xc1: {  	[spmem:s2] =	stream.indirect.scatter.add.f32 [tilespmem:s15], [sflag:$0x2], $0x80, s25, s14, $0xb8;
	[tilespmem:$0x1D000] =	vst v63  }
0xc2: {  	_ =	swait.ge [sflag:s10], $0x4000  }
0xc3: {  	[sflag:s10] =	ssyncset.done $0x0  }
0xc4: {  	s26 =	sadd.s32 $0x280, s18;
	[sflag:s10] =	ssyncadd.s32 $0xFFFFC000  }
0xc5: {  	[tilespmem:s15], [sflag:$0x1] =	stream.indirect.gather [hbm4b:s4+s14], $0x80, s26, s14, $0xb8;
	[tilespmem:$0x1D000] =	vst v63  }
0xc6: {  	_ =	swait.ge [sflag:s16], $0x4000  }
0xc7: {  	[sflag:s16] =	ssyncset.done $0x0  }
0xc8: {  	s28 =	sadd.s32 $0x2A80, s18;
	[sflag:s16] =	ssyncadd.s32 $0xFFFFC000  }
0xc9: {  	[spmem:s2] =	stream.indirect.scatter.add.f32 [tilespmem:s15], [sflag:$0x2], $0x80, s28, s14, $0xb8;
	[tilespmem:$0x1D000] =	vst v63  }
0xca: {  	_ =	swait.ge [sflag:s10], $0x4000  }
0xcb: {  	[sflag:s10] =	ssyncset.done $0x0  }
0xcc: {  	s29 =	sadd.s32 $0x300, s18;
	[sflag:s10] =	ssyncadd.s32 $0xFFFFC000  }
0xcd: {  	[tilespmem:s15], [sflag:$0x1] =	stream.indirect.gather [hbm4b:s4+s14], $0x80, s29, s14, $0xb8;
	[tilespmem:$0x1D000] =	vst v63  }
0xce: {  	_ =	swait.ge [sflag:s16], $0x4000  }
0xcf: {  	[sflag:s16] =	ssyncset.done $0x0  }
0xd0: {  	s30 =	sadd.s32 $0x2B00, s18;
	[sflag:s16] =	ssyncadd.s32 $0xFFFFC000  }
0xd1: {  	[spmem:s2] =	stream.indirect.scatter.add.f32 [tilespmem:s15], [sflag:$0x2], $0x80, s30, s14, $0xb8;
	[tilespmem:$0x1D000] =	vst v63  }
0xd2: {  	_ =	swait.ge [sflag:s10], $0x4000  }
0xd3: {  	[sflag:s10] =	ssyncset.done $0x0  }
0xd4: {  	s31 =	sadd.s32 $0x380, s18;
	[sflag:s10] =	ssyncadd.s32 $0xFFFFC000  }
0xd5: {  	[tilespmem:s15], [sflag:$0x1] =	stream.indirect.gather [hbm4b:s4+s14], $0x80, s31, s14, $0xb8;
	[tilespmem:$0x1D000] =	vst v63  }
0xd6: {  	_ =	swait.ge [sflag:s16], $0x4000  }
0xd7: {  	[sflag:s16] =	ssyncset.done $0x0  }
0xd8: {  	s18 =	sadd.s32 $0x2B80, s18;
	[sflag:s16] =	ssyncadd.s32 $0xFFFFC000  }
0xd9: {  	[spmem:s2] =	stream.indirect.scatter.add.f32 [tilespmem:s15], [sflag:$0x2], $0x80, s18, s14, $0xb8;
	[tilespmem:$0x1D000] =	vst v63  }
0xda: {  	_ =	swait.ge [sflag:s10], $0x4000  }
0xdb: {  	s17 =	sadd.s32 $0x1, s17;
	[sflag:s10] =	ssyncset.done $0x0  }
0xdc: {  	p0 =	sne.s32 s17, s9;
	[sflag:s10] =	ssyncadd.s32 $0xFFFFC000  }
.Ltmp1:
0xdd: {  	[bflag:$0x0] =	sbarrier.arrive $0xFFFF;
	(pc) =	sbr.rel @p0 .LBB2_1-.Ltmp1, $4  }
0xde: {  	[hbm:s8], [sflag:s12] =	dma.local [spmem:s13], $0x2800  }
0xdf: {  	_ =	swait.ge [sflag:s10], $0x2800  }
0xe0: {  	[sflag:s10] =	ssyncset.done $0x0  }
0xe1: {  	[sflag:s10] =	ssyncadd.s32 $0xFFFFD800  }
0xe2: {  	_ =	sfence.sel $0x180000  }
0xe3: {  	[bflag:$0x0] =	sbarrier.arrive $0xFFFF  }
0xe4: {  	p0 =	sne.s32 s0, $0x0;
	_ =	strace $0x9000004D  }
0xe5: {  	s0 =	sadd.s32 @!p0 $0x100000, s1;
	[bflag:$0x2] =	sbarrier.arrive $0xFFFF  }
0xe6: {  	[sflag:s0] =	ssyncadd.tile.s32 @!p0 $0x1;
	_ =	shalt  }
.Lfunc_end2:
_tile_overlayer_lowered:
.L_overlay_start_2:
0xe7: {  	(tag) =	ssettag $0x2  }
0xe8: {  	s0 =	rddreg [dreg:$0x0];
	s2 =	stileid.u32  }
0xe9: {  	s1 =	rddreg [dreg:$0x1];
	p0 =	sne.s32 s2, $0x0  }
0xea: {  	s3 =	rddreg [dreg:$0x2];
	[bflag:$0x3] =	sbarrier.arrive $0xFFFF;
	s2 =	simm.s32 @!p0 $0x1C02  }
0xeb: {  	[timem:s3], [sflag:s2] =	dma.local @!p0 [hbm:s0], s1  }
0xec: {  	s0 =	simm.s32 @!p0 $0x2  }
0xed: {  	_ =	swait.ge @!p0 [sflag:s0], s1  }
0xee: {  	s1 =	ssub.s32 @!p0 $0x0, s1;
	[sflag:s0] =	ssyncset.done @!p0 $0x0  }
0xef: {  	[sflag:s0] =	ssyncadd.s32 @!p0 s1  }
0xf0: {  	[bflag:$0x3] =	sbarrier.arrive $0xFFFF  }
0xf1: {  	_ =	shalt  }

// kernel: kernel.19.cloned.1.call-start
scs
__scs_entry_jumppad:
0x0: {  	(pc) =	sbr.rel $0x88, $3  }
0x1: {  	(tag) =	ssettag $0x0;
	lr =	simm.s32 $0x1  }
0x2: {  	[smem:$0x3F93] =	sst lr;
	_ =	strace $0xD0000000  }
0x3: {  	_ = 	snop  }
0x4: {  	_ = 	snop  }
0x5: {  	_ = 	snop  }
0x6: {  	_ = 	snop  }
0x7: {  	_ = 	snop  }
__scs_overlays_trampoline_lowered:
0x8: {  	[smem:$0x3FA2] =	sst s0  }
0x9: {  	[smem:$0x3FA3] =	sst s1  }
0xa: {  	[smem:$0x3FA4] =	sst s2  }
0xb: {  	[smem:$0x3FA5] =	sst s3  }
0xc: {  	[smem:$0x3FA6] =	sst s4  }
0xd: {  	[smem:$0x3FA7] =	sst s5  }
0xe: {  	[smem:$0x3FA8] =	sst s6  }
0xf: {  	[smem:$0x3FA9] =	sst s7  }
0x10: {  	[smem:$0x3FAA] =	sst s8  }
0x11: {  	[smem:$0x3FAB] =	sst s9;
	s0 =	simm.s32 @!p0 $0x0  }
0x12: {  	s1 =	sld [smem:$0x3F91];
	s0 =	simm.s32 @p0 $0x1  }
0x13: {  	[smem:$0x3FAC] =	sst s0;
	s0 =	simm.s32 @!p1 $0x0  }
0x14: {  	s2 =	sld [smem:$0x3F90];
	s0 =	simm.s32 @p1 $0x1  }
0x15: {  	[smem:$0x3FAD] =	sst s0;
	s0 =	simm.s32 @!p2 $0x0  }
0x16: {  	s3 =	sld [smem:$0x3FDB];
	s0 =	simm.s32 @p2 $0x1  }
0x17: {  	s4 =	simm.s32 $0x1BF5;
	[smem:$0x3FAF] =	sst s0  }
0x18: {  	s0 =	sld [smem:$0x3F92];
	_ =	swait.ge [sflag:s4], $0x0  }
0x19: {  	s7 =	sld [smem:$0x3F93]  }
0x1a: {  	s8 =	sadd.s32 $0xFFFFE003, lr  }
0x1b: {  	s9 =	sadd.s32 $0xFFFFFEF7, lr;
	s5 =	simm.s32 $0xFFFFFFFF;
	p2 =	slt.u32 s8, $0xFFFFF086  }
0x1c: {  	p1 =	slt.u32 s9, $0xF7A;
	s5 =	simm.s32 @!p2 $0x0  }
0x1d: {  	s5 =	simm.s32 @p1 $0x1;
	p0 =	seq.s32 s7, s2  }
0x1e: {  	s7 =	smul.u32 @!p0 $0xF7A, s2;
	p2 =	seq.s32 @!p0 s5, $0x0  }
0x1f: {  	s9 =	smul.u32 $0xF7A, s1;
	s8 =	simm.s32 @!p0 $0x1BF5;
	p2 =	por !p2, p0  }
0x20: {  	[sflag:s8] =	ssyncset.s32 @!p0 $0xFFFFF086;
	s6 =	sadd.s32 @!p0 s3, s7;
	s7 =	simm.s32 @!p0 $0x108  }
0x21: {  	s3 =	sadd.s32 s3, s9;
	s6 =	sadd.s32 @!p0 $0x88, s6;
	s7 =	simm.s32 @p2 $0x1082  }
0x22: {  	[simem:s7], [sflag:s8] =	dma.local @!p0 [hbm:s6], $0xF7A  }
0x23: {  	s9 =	sor.u32 $0xD0000000, s2;
	s6 =	simm.s32 $0x108;
	_ =	swait.ge @!p0 [sflag:s8], $0x0  }
0x24: {  	s3 =	sadd.s32 $0x88, s3;
	s6 =	simm.s32 @!p1 $0x1082;
	[sflag:s4] =	ssyncset.s32 $0xFFFFF086  }
0x25: {  	[simem:s6], [sflag:s4] =	dma.local [hbm:s3], $0xF7A  }
0x26: {  	[smem:$0x3F93] =	sst s1;
	(tag) =	ssettag s2;
	_ =	strace s9  }
0x27: {  	s1 =	sld [smem:$0x3FA3]  }
0x28: {  	s2 =	sld [smem:$0x3FA4]  }
0x29: {  	s4 =	sld [smem:$0x3FA6]  }
0x2a: {  	p0 =	seq.s32 s5, $0x0;
	s5 =	sld [smem:$0x3FA7]  }
0x2b: {  	s6 =	sld [smem:$0x3FA8]  }
0x2c: {  	s7 =	sld [smem:$0x3FA9]  }
0x2d: {  	s3 =	simm.s32 $0x108;
	s8 =	sld [smem:$0x3FAA]  }
0x2e: {  	s3 =	simm.s32 @!p0 $0x1082;
	s9 =	sld [smem:$0x3FAB]  }
0x2f: {  	lr =	sadd.s32 s0, s3;
	s0 =	sld [smem:$0x3FA2]  }
0x30: {  	s3 =	sld [smem:$0x3FA5]  }
0x31: {  	[smem:$0x3FAE] =	sst s10  }
0x32: {  	s10 =	sld [smem:$0x3FAC];
	_ =	sdelay $0x3  }
0x33: {  	p0 =	seq.s32 s10, $0x1;
	s10 =	sld [smem:$0x3FAE];
	_ =	sdelay $0x3  }
0x34: {  	[smem:$0x3FAE] =	sst s10  }
0x35: {  	s10 =	sld [smem:$0x3FAD];
	_ =	sdelay $0x3  }
0x36: {  	p1 =	seq.s32 s10, $0x1;
	s10 =	sld [smem:$0x3FAE];
	_ =	sdelay $0x3  }
0x37: {  	[smem:$0x3FAE] =	sst s10  }
0x38: {  	s10 =	sld [smem:$0x3FAF]  }
0x39: {  	_ = 	snop;
	(pc) =	sbr.ind lr, $3  }
0x3a: {  	_ = 	snop  }
0x3b: {  	_ = 	snop  }
0x3c: {  	p2 =	seq.s32 s10, $0x1;
	s10 =	sld [smem:$0x3FAE]  }
0x3d: {  	_ =	shalt  }
0x3e: {  	_ =	shalt  }
0x3f: {  	_ =	shalt  }
0x40: {  	_ =	shalt  }
0x41: {  	_ =	shalt  }
0x42: {  	_ =	shalt  }
0x43: {  	_ =	shalt  }
0x44: {  	_ =	shalt  }
0x45: {  	_ =	shalt  }
0x46: {  	_ =	shalt  }
0x47: {  	_ =	shalt  }
0x48: {  	_ =	shalt  }
0x49: {  	_ =	shalt  }
0x4a: {  	_ =	shalt  }
0x4b: {  	_ =	shalt  }
0x4c: {  	_ =	shalt  }
0x4d: {  	_ =	shalt  }
0x4e: {  	_ =	shalt  }
0x4f: {  	_ =	shalt  }
0x50: {  	_ =	shalt  }
0x51: {  	_ =	shalt  }
0x52: {  	_ =	shalt  }
0x53: {  	_ =	shalt  }
0x54: {  	_ =	shalt  }
0x55: {  	_ =	shalt  }
0x56: {  	_ =	shalt  }
0x57: {  	_ =	shalt  }
0x58: {  	_ =	shalt  }
0x59: {  	_ =	shalt  }
0x5a: {  	_ =	shalt  }
0x5b: {  	_ =	shalt  }
0x5c: {  	_ =	shalt  }
0x5d: {  	_ =	shalt  }
0x5e: {  	_ =	shalt  }
0x5f: {  	_ =	shalt  }
0x60: {  	_ =	shalt  }
0x61: {  	_ =	shalt  }
0x62: {  	_ =	shalt  }
0x63: {  	_ =	shalt  }
0x64: {  	_ =	shalt  }
0x65: {  	_ =	shalt  }
0x66: {  	_ =	shalt  }
0x67: {  	_ =	shalt  }
0x68: {  	_ =	shalt  }
0x69: {  	_ =	shalt  }
0x6a: {  	_ =	shalt  }
0x6b: {  	_ =	shalt  }
0x6c: {  	_ =	shalt  }
0x6d: {  	_ =	shalt  }
0x6e: {  	_ =	shalt  }
0x6f: {  	_ =	shalt  }
0x70: {  	_ =	shalt  }
0x71: {  	_ =	shalt  }
0x72: {  	_ =	shalt  }
0x73: {  	_ =	shalt  }
0x74: {  	_ =	shalt  }
0x75: {  	_ =	shalt  }
0x76: {  	_ =	shalt  }
0x77: {  	_ =	shalt  }
0x78: {  	_ =	shalt  }
0x79: {  	_ =	shalt  }
0x7a: {  	_ =	shalt  }
0x7b: {  	_ =	shalt  }
0x7c: {  	_ =	shalt  }
0x7d: {  	_ =	shalt  }
0x7e: {  	_ =	shalt  }
0x7f: {  	_ =	shalt  }
0x80: {  	_ =	shalt  }
0x81: {  	_ =	shalt  }
0x82: {  	_ =	shalt  }
0x83: {  	_ =	shalt  }
0x84: {  	_ =	shalt  }
0x85: {  	_ =	shalt  }
0x86: {  	_ =	shalt  }
0x87: {  	_ =	shalt  }
.Lfunc_end0:
.L_simem_size_0:
called_computation.3_lowered:
.L_overlay_start_0:
0x88: {  	s2 =	sld [smem:$0x3FD9]  }
0x89: {  	s3 =	sld [smem:$0x3FFE];
	_ =	sdelay $0x1  }
0x8a: {  	s1 =	srdreg.scid  }
0x8b: {  	s0 =	sand.u32 $0x1, s1  }
0x8c: {  	s16 =	sshll.u32 s0, $0xA;
	s2 =	sadd.s32 s3, s2  }
0x8d: {  	s2 =	sadd.s32 s2, s16  }
0x8e: {  	[smem:$0x3FBA] =	sst s2  }
0x8f: {  	_ = 	snop  }
0x90: {  	(tm) =	ssettm $0x1  }
0x91: {  	s17 =	sld [smem:$0x3FFB];
	_ =	sdelay $0x3  }
0x92: {  	_ =	strace s17  }
0x93: {  	s2 =	sld [smem:$0x3FFC];
	_ =	sdelay $0x3  }
0x94: {  	_ =	strace s2  }
0x95: {  	s2 =	sld [smem:$0x3FFD];
	_ =	sdelay $0x3  }
0x96: {  	_ =	strace s2  }
0x97: {  	_ =	strace $0x8FFFFFFF  }
0x98: {  	s18 =	sld [smem:$0x3FDB];
	_ =	sdelay $0x1  }
0x99: {  	s19 =	simm.s32 $_scs_section_size  }
0x9a: {  	s4 =	simm.s32 $_size__tile_overlayer_lowered;
	s5 =	simm.s32 $_tile_overlayer_lowered  }
0x9b: {  	s22 =	simm.s32 $0x1BFF;
	s21 =	sshll.u32 s5, $0x1;
	s2 =	sadd.s32 s19, s18  }
0x9c: {  	s6 =	simm.s32 $0x0;
	s20 =	sshll.u32 s4, $0x1;
	s4 =	sadd.s32 s21, s2  }
0x9d: {  	[timem:s6], [sflag:s22] =	dma.local [hbm:s4], s20  }
0x9e: {  	_ =	swait.ge [sflag:s22], s20  }
0x9f: {  	s3 =	ssub.s32 $0x0, s20;
	[sflag:s22] =	ssyncset.done $0x0  }
0xa0: {  	[sflag:s22] =	ssyncadd.s32 s3;
	_ =	sdelay $0x1  }
0xa1: {  	s23 =	simm.s32 $0x1B8B  }
0xa2: {  	_ =	swait.ge [sflag:s23], $0x1  }
0xa3: {  	[sflag:s23] =	ssyncset.done $0x0  }
0xa4: {  	s25 =	simm.s32 $0x1B8E;
	s24 =	sld [smem:$0x3FFE];
	[sflag:s23] =	ssyncadd.s32 $0xFFFFFFFF  }
0xa5: {  	s26 =	simm.s32 $execute0_lowered;
	[smem:$0x3FD2] =	sst s25  }
0xa6: {  	s4 =	sshll.u32 s26, $0x1;
	_ =	strace $0x8000004F;
	[dreg:$0x1] =	wrdreg $0xFFFFFFFF  }
0xa7: {  	s28 =	simm.s32 $_size_execute0_lowered;
	s2 =	sadd.s32 s2, s4;
	[dreg:$0x0] =	wrdreg $0x0  }
0xa8: {  	s4 =	sshll.u32 s28, $0x1;
	[dreg:$0x2] =	wrdreg s2  }
0xa9: {  	[dreg:$0x3] =	wrdreg s4  }
0xaa: {  	[dreg:$0x4] =	wrdreg $0xC0  }
0xab: {  	_ =	task [dreg:s6], $0x5FFFF  }
0xac: {  	[dreg:$0x1] =	wrdreg $0xFFFFFFFF  }
0xad: {  	[dreg:$0x0] =	wrdreg $0x60  }
0xae: {  	[dreg:$0x2] =	wrdreg s24  }
0xaf: {  	[dreg:$0x3] =	wrdreg $0x90000  }
0xb0: {  	[dreg:$0x4] =	wrdreg $0x9  }
0xb1: {  	_ =	task.clear_ibuf [dreg:s6], $0x5FFFF;
	_ =	strace $0x9000004F  }
0xb2: {  	s29 =	simm.s32 $0x9;
	_ =	strace $0x80000051  }
0xb3: {  	_ =	swait.ge [sflag:s29], $0x1  }
0xb4: {  	[sflag:s29] =	ssyncadd.s32 $0xFFFFFFFF  }
0xb5: {  	_ =	strace $0x90000051  }
0xb6: {  	_ =	sfence  }
0xb7: {  	s30 =	sld [smem:$0x0];
	_ =	sdelay $0x2  }
0xb8: {  	s31 =	sshll.u32 s1, $0xD;
	s1 =	sshrl.u32 s1, $0x2  }
0xb9: {  	s3 =	sand.u32 $0x4000, s31;
	s1 =	sadd.s32 s1, s30  }
0xba: {  	s0 =	sor.u32 s3, s0;
	s1 =	sshll.u32 s1, $0x11  }
0xbb: {  	s0 =	sor.u32 s1, s0  }
0xbc: {  	s0 =	sadd.s32 $0x8F2B, s0  }
0xbd: {  	[sflag:s0] =	ssyncadd.remote.s32 $0x1  }
0xbe: {  	_ =	sfence.sel $0xFFFF  }
0xbf: {  	[dreg:$0x0] =	wrdreg $0xFFFFFFFF;
	(pc) =	sbr.abs _section_cstart, $3  }
0xc0: {  	[dreg:$0x1] =	wrdreg $0xFFFFFFFF  }
0xc1: {  	_ =	task.clear_ibuf [dreg:s6], $0x2FFFF;
	_ =	strace $0x9FFFFFFF  }
0xc2: {  	(tm) =	ssettm $0x7FFFFFFF  }
0xc3: {  	_ =	shalt  }
tec
execute0_lowered:
.L_overlay_start_1:
0x0: {  	(tag) =	ssettag $0x1  }
0x1: {  	s0 =	srdreg.scid;
	s6 =	rddreg [dreg:$0x0]  }
0x2: {  	s2 =	rddreg [dreg:$0x1];
	s3 =	simm.s32 $0x0;
	s14 =	simm.s32 $0x80  }
0x3: {  	s15 =	simm.s32 $0x5000;
	s5 =	sand.u32 $0x1, s0;
	s0 =	stileid.u32  }
0x4: {  	s16 =	simm.s32 $0x1;
	s17 =	simm.s32 $0x0;
	s8 =	smul.u32 $0x14000, s0  }
0x5: {  	[smem:$0x7FF] =	sst s3;
	s1 =	sshll.u32 s5, $0x4;
	s9 =	smul.u32 $0x140000, s5  }
0x6: {  	s5 =	ssub.s32 $0x2, s5;
	s31 =	smul.u32 $0x50000, s0;
	s12 =	sshll.u32 s0, $0x6  }
0x7: {  	s4 =	sor.u32 s0, s1;
	s1 =	rddreg [dreg:$0x2];
	_ =	strace $0x80000050  }
0x8: {  	s11 =	sshrl.u32 s5, $0x1;
	s12 =	sor.u32 $0x1C02, s12;
	s7 =	smul.u32 $0x500, s4  }
0x9: {  	s4 =	sadd.s32 $0x40400, s6;
	s10 =	sshrl.u32 s8, $0x3;
	s8 =	sadd.s32 s8, s9  }
0xa: {  	s11 =	ssub.s32 s5, s11;
	s9 =	sshrl.u32 s31, $0x2;
	s10 =	sadd.s32 s10, s6  }
0xb: {  	s8 =	sshrl.u32 s8, $0x3;
	s13 =	sadd.s32 s9, s2;
	s9 =	smax.u32 s11, $0x1  }
0xc: {  	s11 =	simm.s32 $0x2800;
	s7 =	sadd.s32 s7, s6;
	s8 =	sadd.s32 s8, s6  }
0xd: {  	s13 =	sshrl.u32 s13, $0x3;
	s5 =	sadd.s32 $0xE400, s7;
	s6 =	sadd.s32 $0x4400, s7  }
0xe: {  	s7 =	sadd.s32 $0x18400, s10;
	s8 =	sadd.s32 $0x68400, s8;
	s10 =	simm.s32 $0x2  }
.LBB2_1:
0xf: {  	[tilespmem:s3], [sflag:$0x2] =	stream.linear.gather [hbm4b:s5+s3], $0x2800, $0x38;
	[tilespmem:$0x1D000] =	vst v63  }
0x10: {  	_ =	swait.ge [sflag:s10], $0x2800  }
0x11: {  	[sflag:s10] =	ssyncset.done $0x0  }
0x12: {  	[sflag:s10] =	ssyncadd.s32 $0xFFFFD800  }
0x13: {  	[tilespmem:s11], [sflag:$0x2] =	stream.linear.gather [hbm4b:s6+s3], $0x2800, $0x38;
	[tilespmem:$0x1D000] =	vst v63  }
0x14: {  	_ =	swait.ge [sflag:s10], $0x2800  }
0x15: {  	[sflag:s10] =	ssyncset.done $0x0  }
0x16: {  	[sflag:s10] =	ssyncadd.s32 $0xFFFFD800  }
0x17: {  	[spmem:s13], [sflag:s12] =	dma.local [hbm:s7], $0x2800  }
0x18: {  	_ =	swait.ge [sflag:s10], $0x2800  }
0x19: {  	[sflag:s10] =	ssyncset.done $0x0  }
0x1a: {  	[sflag:s10] =	ssyncadd.s32 $0xFFFFD800  }
0x1b: {  	s18 =	simm.s32 $0x0;
	[bflag:$0x0] =	sbarrier.arrive $0xFFFF  }
0x1c: {  	[tilespmem:s15], [sflag:$0x1] =	stream.indirect.gather [hbm4b:s4+s14], $0x80, s18, s14, $0xb8;
	[tilespmem:$0x1D000] =	vst v63  }
0x1d: {  	_ =	swait.ge [sflag:s16], $0x4000  }
0x1e: {  	[sflag:s16] =	ssyncset.done $0x0  }
0x1f: {  	s29 =	simm.s32 $0x2800;
	[sflag:s16] =	ssyncadd.s32 $0xFFFFC000  }
0x20: {  	[spmem:s2] =	stream.indirect.scatter.add.f32 [tilespmem:s15], [sflag:$0x2], $0x80, s29, s14, $0xb8;
	[tilespmem:$0x1D000] =	vst v63  }
0x21: {  	_ =	swait.ge [sflag:s10], $0x4000  }
0x22: {  	[sflag:s10] =	ssyncset.done $0x0  }
0x23: {  	s30 =	simm.s32 $0x80;
	[sflag:s10] =	ssyncadd.s32 $0xFFFFC000  }
0x24: {  	[tilespmem:s15], [sflag:$0x1] =	stream.indirect.gather [hbm4b:s4+s14], $0x80, s30, s14, $0xb8;
	[tilespmem:$0x1D000] =	vst v63  }
0x25: {  	_ =	swait.ge [sflag:s16], $0x4000  }
0x26: {  	[sflag:s16] =	ssyncset.done $0x0  }
0x27: {  	s31 =	simm.s32 $0x2880;
	[sflag:s16] =	ssyncadd.s32 $0xFFFFC000  }
0x28: {  	[spmem:s2] =	stream.indirect.scatter.add.f32 [tilespmem:s15], [sflag:$0x2], $0x80, s31, s14, $0xb8;
	[tilespmem:$0x1D000] =	vst v63  }
0x29: {  	_ =	swait.ge [sflag:s10], $0x4000  }
0x2a: {  	[sflag:s10] =	ssyncset.done $0x0  }
0x2b: {  	s19 =	simm.s32 $0x100;
	[sflag:s10] =	ssyncadd.s32 $0xFFFFC000  }
0x2c: {  	[tilespmem:s15], [sflag:$0x1] =	stream.indirect.gather [hbm4b:s4+s14], $0x80, s19, s14, $0xb8;
	[tilespmem:$0x1D000] =	vst v63  }
0x2d: {  	_ =	swait.ge [sflag:s16], $0x4000  }
0x2e: {  	[sflag:s16] =	ssyncset.done $0x0  }
0x2f: {  	s20 =	simm.s32 $0x2900;
	[sflag:s16] =	ssyncadd.s32 $0xFFFFC000  }
0x30: {  	[spmem:s2] =	stream.indirect.scatter.add.f32 [tilespmem:s15], [sflag:$0x2], $0x80, s20, s14, $0xb8;
	[tilespmem:$0x1D000] =	vst v63  }
0x31: {  	_ =	swait.ge [sflag:s10], $0x4000  }
0x32: {  	[sflag:s10] =	ssyncset.done $0x0  }
0x33: {  	s21 =	simm.s32 $0x180;
	[sflag:s10] =	ssyncadd.s32 $0xFFFFC000  }
0x34: {  	[tilespmem:s15], [sflag:$0x1] =	stream.indirect.gather [hbm4b:s4+s14], $0x80, s21, s14, $0xb8;
	[tilespmem:$0x1D000] =	vst v63  }
0x35: {  	_ =	swait.ge [sflag:s16], $0x4000  }
0x36: {  	[sflag:s16] =	ssyncset.done $0x0  }
0x37: {  	s22 =	simm.s32 $0x2980;
	[sflag:s16] =	ssyncadd.s32 $0xFFFFC000  }
0x38: {  	[spmem:s2] =	stream.indirect.scatter.add.f32 [tilespmem:s15], [sflag:$0x2], $0x80, s22, s14, $0xb8;
	[tilespmem:$0x1D000] =	vst v63  }
0x39: {  	_ =	swait.ge [sflag:s10], $0x4000  }
0x3a: {  	[sflag:s10] =	ssyncset.done $0x0  }
0x3b: {  	s23 =	simm.s32 $0x200;
	[sflag:s10] =	ssyncadd.s32 $0xFFFFC000  }
0x3c: {  	[tilespmem:s15], [sflag:$0x1] =	stream.indirect.gather [hbm4b:s4+s14], $0x80, s23, s14, $0xb8;
	[tilespmem:$0x1D000] =	vst v63  }
0x3d: {  	_ =	swait.ge [sflag:s16], $0x4000  }
0x3e: {  	[sflag:s16] =	ssyncset.done $0x0  }
0x3f: {  	s24 =	simm.s32 $0x2A00;
	[sflag:s16] =	ssyncadd.s32 $0xFFFFC000  }
0x40: {  	[spmem:s2] =	stream.indirect.scatter.add.f32 [tilespmem:s15], [sflag:$0x2], $0x80, s24, s14, $0xb8;
	[tilespmem:$0x1D000] =	vst v63  }
0x41: {  	_ =	swait.ge [sflag:s10], $0x4000  }
0x42: {  	[sflag:s10] =	ssyncset.done $0x0  }
0x43: {  	s25 =	simm.s32 $0x280;
	[sflag:s10] =	ssyncadd.s32 $0xFFFFC000  }
0x44: {  	[tilespmem:s15], [sflag:$0x1] =	stream.indirect.gather [hbm4b:s4+s14], $0x80, s25, s14, $0xb8;
	[tilespmem:$0x1D000] =	vst v63  }
0x45: {  	_ =	swait.ge [sflag:s16], $0x4000  }
0x46: {  	[sflag:s16] =	ssyncset.done $0x0  }
0x47: {  	s26 =	simm.s32 $0x2A80;
	[sflag:s16] =	ssyncadd.s32 $0xFFFFC000  }
0x48: {  	[spmem:s2] =	stream.indirect.scatter.add.f32 [tilespmem:s15], [sflag:$0x2], $0x80, s26, s14, $0xb8;
	[tilespmem:$0x1D000] =	vst v63  }
0x49: {  	_ =	swait.ge [sflag:s10], $0x4000  }
0x4a: {  	[sflag:s10] =	ssyncset.done $0x0  }
0x4b: {  	s28 =	simm.s32 $0x300;
	[sflag:s10] =	ssyncadd.s32 $0xFFFFC000  }
0x4c: {  	[tilespmem:s15], [sflag:$0x1] =	stream.indirect.gather [hbm4b:s4+s14], $0x80, s28, s14, $0xb8;
	[tilespmem:$0x1D000] =	vst v63  }
0x4d: {  	_ =	swait.ge [sflag:s16], $0x4000  }
0x4e: {  	[sflag:s16] =	ssyncset.done $0x0  }
0x4f: {  	s29 =	simm.s32 $0x2B00;
	[sflag:s16] =	ssyncadd.s32 $0xFFFFC000  }
0x50: {  	[spmem:s2] =	stream.indirect.scatter.add.f32 [tilespmem:s15], [sflag:$0x2], $0x80, s29, s14, $0xb8;
	[tilespmem:$0x1D000] =	vst v63  }
0x51: {  	_ =	swait.ge [sflag:s10], $0x4000  }
0x52: {  	[sflag:s10] =	ssyncset.done $0x0  }
0x53: {  	s30 =	simm.s32 $0x380;
	[sflag:s10] =	ssyncadd.s32 $0xFFFFC000  }
0x54: {  	[tilespmem:s15], [sflag:$0x1] =	stream.indirect.gather [hbm4b:s4+s14], $0x80, s30, s14, $0xb8;
	[tilespmem:$0x1D000] =	vst v63  }
0x55: {  	_ =	swait.ge [sflag:s16], $0x4000  }
0x56: {  	[sflag:s16] =	ssyncset.done $0x0  }
0x57: {  	s31 =	simm.s32 $0x2B80;
	[sflag:s16] =	ssyncadd.s32 $0xFFFFC000  }
0x58: {  	[spmem:s2] =	stream.indirect.scatter.add.f32 [tilespmem:s15], [sflag:$0x2], $0x80, s31, s14, $0xb8;
	[tilespmem:$0x1D000] =	vst v63  }
0x59: {  	_ =	swait.ge [sflag:s10], $0x4000  }
0x5a: {  	s18 =	simm.s32 $0x1000;
	s21 =	simm.s32 $0x2000;
	[sflag:s10] =	ssyncset.done $0x0  }
.LBB2_2:
0x5b: {  	s20 =	sshra.s32 s18, $0x2  }
0x5c: {  	[sflag:s10] =	ssyncadd.s32 $0xFFFFC000;
	s18 =	smov.u32 s21;
	s19 =	sadd.s32 $0x1000, s21  }
0x5d: {  	[tilespmem:s15], [sflag:$0x1] =	stream.indirect.gather [hbm4b:s4+s14], $0x80, s20, s14, $0xb8;
	[tilespmem:$0x1D000] =	vst v63  }
0x5e: {  	p0 =	sne.s32 s21, $0x9000;
	_ =	swait.ge [sflag:s16], $0x4000  }
0x5f: {  	[sflag:s16] =	ssyncset.done $0x0  }
0x60: {  	s21 =	sadd.s32 $0x2800, s20;
	[sflag:s16] =	ssyncadd.s32 $0xFFFFC000  }
0x61: {  	[spmem:s2] =	stream.indirect.scatter.add.f32 [tilespmem:s15], [sflag:$0x2], $0x80, s21, s14, $0xb8;
	[tilespmem:$0x1D000] =	vst v63  }
0x62: {  	_ =	swait.ge [sflag:s10], $0x4000  }
0x63: {  	[sflag:s10] =	ssyncset.done $0x0  }
0x64: {  	s21 =	sadd.s32 $0x80, s20;
	[sflag:s10] =	ssyncadd.s32 $0xFFFFC000  }
0x65: {  	[tilespmem:s15], [sflag:$0x1] =	stream.indirect.gather [hbm4b:s4+s14], $0x80, s21, s14, $0xb8;
	[tilespmem:$0x1D000] =	vst v63  }
0x66: {  	_ =	swait.ge [sflag:s16], $0x4000  }
0x67: {  	[sflag:s16] =	ssyncset.done $0x0  }
0x68: {  	s21 =	sadd.s32 $0x2880, s20;
	[sflag:s16] =	ssyncadd.s32 $0xFFFFC000  }
0x69: {  	[spmem:s2] =	stream.indirect.scatter.add.f32 [tilespmem:s15], [sflag:$0x2], $0x80, s21, s14, $0xb8;
	[tilespmem:$0x1D000] =	vst v63  }
0x6a: {  	_ =	swait.ge [sflag:s10], $0x4000  }
0x6b: {  	[sflag:s10] =	ssyncset.done $0x0  }
0x6c: {  	s21 =	sadd.s32 $0x100, s20;
	[sflag:s10] =	ssyncadd.s32 $0xFFFFC000  }
0x6d: {  	[tilespmem:s15], [sflag:$0x1] =	stream.indirect.gather [hbm4b:s4+s14], $0x80, s21, s14, $0xb8;
	[tilespmem:$0x1D000] =	vst v63  }
0x6e: {  	_ =	swait.ge [sflag:s16], $0x4000  }
0x6f: {  	[sflag:s16] =	ssyncset.done $0x0  }
0x70: {  	s21 =	sadd.s32 $0x2900, s20;
	[sflag:s16] =	ssyncadd.s32 $0xFFFFC000  }
0x71: {  	[spmem:s2] =	stream.indirect.scatter.add.f32 [tilespmem:s15], [sflag:$0x2], $0x80, s21, s14, $0xb8;
	[tilespmem:$0x1D000] =	vst v63  }
0x72: {  	_ =	swait.ge [sflag:s10], $0x4000  }
0x73: {  	[sflag:s10] =	ssyncset.done $0x0  }
0x74: {  	s21 =	sadd.s32 $0x180, s20;
	[sflag:s10] =	ssyncadd.s32 $0xFFFFC000  }
0x75: {  	[tilespmem:s15], [sflag:$0x1] =	stream.indirect.gather [hbm4b:s4+s14], $0x80, s21, s14, $0xb8;
	[tilespmem:$0x1D000] =	vst v63  }
0x76: {  	_ =	swait.ge [sflag:s16], $0x4000  }
0x77: {  	[sflag:s16] =	ssyncset.done $0x0  }
0x78: {  	s21 =	sadd.s32 $0x2980, s20;
	[sflag:s16] =	ssyncadd.s32 $0xFFFFC000  }
0x79: {  	[spmem:s2] =	stream.indirect.scatter.add.f32 [tilespmem:s15], [sflag:$0x2], $0x80, s21, s14, $0xb8;
	[tilespmem:$0x1D000] =	vst v63  }
0x7a: {  	_ =	swait.ge [sflag:s10], $0x4000  }
0x7b: {  	[sflag:s10] =	ssyncset.done $0x0  }
0x7c: {  	s21 =	sadd.s32 $0x200, s20;
	[sflag:s10] =	ssyncadd.s32 $0xFFFFC000  }
0x7d: {  	[tilespmem:s15], [sflag:$0x1] =	stream.indirect.gather [hbm4b:s4+s14], $0x80, s21, s14, $0xb8;
	[tilespmem:$0x1D000] =	vst v63  }
0x7e: {  	_ =	swait.ge [sflag:s16], $0x4000  }
0x7f: {  	[sflag:s16] =	ssyncset.done $0x0  }
0x80: {  	s21 =	sadd.s32 $0x2A00, s20;
	[sflag:s16] =	ssyncadd.s32 $0xFFFFC000  }
0x81: {  	[spmem:s2] =	stream.indirect.scatter.add.f32 [tilespmem:s15], [sflag:$0x2], $0x80, s21, s14, $0xb8;
	[tilespmem:$0x1D000] =	vst v63  }
0x82: {  	_ =	swait.ge [sflag:s10], $0x4000  }
0x83: {  	[sflag:s10] =	ssyncset.done $0x0  }
0x84: {  	s21 =	sadd.s32 $0x280, s20;
	[sflag:s10] =	ssyncadd.s32 $0xFFFFC000  }
0x85: {  	[tilespmem:s15], [sflag:$0x1] =	stream.indirect.gather [hbm4b:s4+s14], $0x80, s21, s14, $0xb8;
	[tilespmem:$0x1D000] =	vst v63  }
0x86: {  	_ =	swait.ge [sflag:s16], $0x4000  }
0x87: {  	[sflag:s16] =	ssyncset.done $0x0  }
0x88: {  	s21 =	sadd.s32 $0x2A80, s20;
	[sflag:s16] =	ssyncadd.s32 $0xFFFFC000  }
0x89: {  	[spmem:s2] =	stream.indirect.scatter.add.f32 [tilespmem:s15], [sflag:$0x2], $0x80, s21, s14, $0xb8;
	[tilespmem:$0x1D000] =	vst v63  }
0x8a: {  	_ =	swait.ge [sflag:s10], $0x4000  }
0x8b: {  	[sflag:s10] =	ssyncset.done $0x0  }
0x8c: {  	s21 =	sadd.s32 $0x300, s20;
	[sflag:s10] =	ssyncadd.s32 $0xFFFFC000  }
0x8d: {  	[tilespmem:s15], [sflag:$0x1] =	stream.indirect.gather [hbm4b:s4+s14], $0x80, s21, s14, $0xb8;
	[tilespmem:$0x1D000] =	vst v63  }
0x8e: {  	_ =	swait.ge [sflag:s16], $0x4000  }
0x8f: {  	[sflag:s16] =	ssyncset.done $0x0  }
0x90: {  	s21 =	sadd.s32 $0x2B00, s20;
	[sflag:s16] =	ssyncadd.s32 $0xFFFFC000  }
0x91: {  	[spmem:s2] =	stream.indirect.scatter.add.f32 [tilespmem:s15], [sflag:$0x2], $0x80, s21, s14, $0xb8;
	[tilespmem:$0x1D000] =	vst v63  }
0x92: {  	_ =	swait.ge [sflag:s10], $0x4000  }
0x93: {  	[sflag:s10] =	ssyncset.done $0x0  }
0x94: {  	s21 =	sadd.s32 $0x380, s20;
	[sflag:s10] =	ssyncadd.s32 $0xFFFFC000  }
0x95: {  	[tilespmem:s15], [sflag:$0x1] =	stream.indirect.gather [hbm4b:s4+s14], $0x80, s21, s14, $0xb8;
	[tilespmem:$0x1D000] =	vst v63  }
0x96: {  	_ =	swait.ge [sflag:s16], $0x4000  }
.Ltmp0:
0x97: {  	[sflag:s16] =	ssyncset.done $0x0;
	(pc) =	sbr.rel @p0 .LBB2_2-.Ltmp0, $4  }
0x98: {  	s20 =	sadd.s32 $0x2B80, s20;
	[sflag:s16] =	ssyncadd.s32 $0xFFFFC000  }
0x99: {  	[spmem:s2] =	stream.indirect.scatter.add.f32 [tilespmem:s15], [sflag:$0x2], $0x80, s20, s14, $0xb8;
	[tilespmem:$0x1D000] =	vst v63  }
0x9a: {  	_ =	swait.ge [sflag:s10], $0x4000  }
0x9b: {  	s21 =	smov.u32 s19;
	[sflag:s10] =	ssyncset.done $0x0  }
0x9c: {  	s18 =	sshra.s32 s18, $0x2;
	[sflag:s10] =	ssyncadd.s32 $0xFFFFC000  }
0x9d: {  	[tilespmem:s15], [sflag:$0x1] =	stream.indirect.gather [hbm4b:s4+s14], $0x80, s18, s14, $0xb8;
	[tilespmem:$0x1D000] =	vst v63  }
0x9e: {  	_ =	swait.ge [sflag:s16], $0x4000  }
0x9f: {  	[sflag:s16] =	ssyncset.done $0x0  }
0xa0: {  	s19 =	sadd.s32 $0x2800, s18;
	[sflag:s16] =	ssyncadd.s32 $0xFFFFC000  }
0xa1: {  	[spmem:s2] =	stream.indirect.scatter.add.f32 [tilespmem:s15], [sflag:$0x2], $0x80, s19, s14, $0xb8;
	[tilespmem:$0x1D000] =	vst v63  }
0xa2: {  	_ =	swait.ge [sflag:s10], $0x4000  }
0xa3: {  	[sflag:s10] =	ssyncset.done $0x0  }
0xa4: {  	s30 =	sadd.s32 $0x80, s18;
	[sflag:s10] =	ssyncadd.s32 $0xFFFFC000  }
0xa5: {  	[tilespmem:s15], [sflag:$0x1] =	stream.indirect.gather [hbm4b:s4+s14], $0x80, s30, s14, $0xb8;
	[tilespmem:$0x1D000] =	vst v63  }
0xa6: {  	_ =	swait.ge [sflag:s16], $0x4000  }
0xa7: {  	[sflag:s16] =	ssyncset.done $0x0  }
0xa8: {  	s31 =	sadd.s32 $0x2880, s18;
	[sflag:s16] =	ssyncadd.s32 $0xFFFFC000  }
0xa9: {  	[spmem:s2] =	stream.indirect.scatter.add.f32 [tilespmem:s15], [sflag:$0x2], $0x80, s31, s14, $0xb8;
	[tilespmem:$0x1D000] =	vst v63  }
0xaa: {  	_ =	swait.ge [sflag:s10], $0x4000  }
0xab: {  	[sflag:s10] =	ssyncset.done $0x0  }
0xac: {  	s20 =	sadd.s32 $0x100, s18;
	[sflag:s10] =	ssyncadd.s32 $0xFFFFC000  }
0xad: {  	[tilespmem:s15], [sflag:$0x1] =	stream.indirect.gather [hbm4b:s4+s14], $0x80, s20, s14, $0xb8;
	[tilespmem:$0x1D000] =	vst v63  }
0xae: {  	_ =	swait.ge [sflag:s16], $0x4000  }
0xaf: {  	[sflag:s16] =	ssyncset.done $0x0  }
0xb0: {  	s21 =	sadd.s32 $0x2900, s18;
	[sflag:s16] =	ssyncadd.s32 $0xFFFFC000  }
0xb1: {  	[spmem:s2] =	stream.indirect.scatter.add.f32 [tilespmem:s15], [sflag:$0x2], $0x80, s21, s14, $0xb8;
	[tilespmem:$0x1D000] =	vst v63  }
0xb2: {  	_ =	swait.ge [sflag:s10], $0x4000  }
0xb3: {  	[sflag:s10] =	ssyncset.done $0x0  }
0xb4: {  	s22 =	sadd.s32 $0x180, s18;
	[sflag:s10] =	ssyncadd.s32 $0xFFFFC000  }
0xb5: {  	[tilespmem:s15], [sflag:$0x1] =	stream.indirect.gather [hbm4b:s4+s14], $0x80, s22, s14, $0xb8;
	[tilespmem:$0x1D000] =	vst v63  }
0xb6: {  	_ =	swait.ge [sflag:s16], $0x4000  }
0xb7: {  	[sflag:s16] =	ssyncset.done $0x0  }
0xb8: {  	s23 =	sadd.s32 $0x2980, s18;
	[sflag:s16] =	ssyncadd.s32 $0xFFFFC000  }
0xb9: {  	[spmem:s2] =	stream.indirect.scatter.add.f32 [tilespmem:s15], [sflag:$0x2], $0x80, s23, s14, $0xb8;
	[tilespmem:$0x1D000] =	vst v63  }
0xba: {  	_ =	swait.ge [sflag:s10], $0x4000  }
0xbb: {  	[sflag:s10] =	ssyncset.done $0x0  }
0xbc: {  	s24 =	sadd.s32 $0x200, s18;
	[sflag:s10] =	ssyncadd.s32 $0xFFFFC000  }
0xbd: {  	[tilespmem:s15], [sflag:$0x1] =	stream.indirect.gather [hbm4b:s4+s14], $0x80, s24, s14, $0xb8;
	[tilespmem:$0x1D000] =	vst v63  }
0xbe: {  	_ =	swait.ge [sflag:s16], $0x4000  }
0xbf: {  	[sflag:s16] =	ssyncset.done $0x0  }
0xc0: {  	s25 =	sadd.s32 $0x2A00, s18;
	[sflag:s16] =	ssyncadd.s32 $0xFFFFC000  }
0xc1: {  	[spmem:s2] =	stream.indirect.scatter.add.f32 [tilespmem:s15], [sflag:$0x2], $0x80, s25, s14, $0xb8;
	[tilespmem:$0x1D000] =	vst v63  }
0xc2: {  	_ =	swait.ge [sflag:s10], $0x4000  }
0xc3: {  	[sflag:s10] =	ssyncset.done $0x0  }
0xc4: {  	s26 =	sadd.s32 $0x280, s18;
	[sflag:s10] =	ssyncadd.s32 $0xFFFFC000  }
0xc5: {  	[tilespmem:s15], [sflag:$0x1] =	stream.indirect.gather [hbm4b:s4+s14], $0x80, s26, s14, $0xb8;
	[tilespmem:$0x1D000] =	vst v63  }
0xc6: {  	_ =	swait.ge [sflag:s16], $0x4000  }
0xc7: {  	[sflag:s16] =	ssyncset.done $0x0  }
0xc8: {  	s28 =	sadd.s32 $0x2A80, s18;
	[sflag:s16] =	ssyncadd.s32 $0xFFFFC000  }
0xc9: {  	[spmem:s2] =	stream.indirect.scatter.add.f32 [tilespmem:s15], [sflag:$0x2], $0x80, s28, s14, $0xb8;
	[tilespmem:$0x1D000] =	vst v63  }
0xca: {  	_ =	swait.ge [sflag:s10], $0x4000  }
0xcb: {  	[sflag:s10] =	ssyncset.done $0x0  }
0xcc: {  	s29 =	sadd.s32 $0x300, s18;
	[sflag:s10] =	ssyncadd.s32 $0xFFFFC000  }
0xcd: {  	[tilespmem:s15], [sflag:$0x1] =	stream.indirect.gather [hbm4b:s4+s14], $0x80, s29, s14, $0xb8;
	[tilespmem:$0x1D000] =	vst v63  }
0xce: {  	_ =	swait.ge [sflag:s16], $0x4000  }
0xcf: {  	[sflag:s16] =	ssyncset.done $0x0  }
0xd0: {  	s30 =	sadd.s32 $0x2B00, s18;
	[sflag:s16] =	ssyncadd.s32 $0xFFFFC000  }
0xd1: {  	[spmem:s2] =	stream.indirect.scatter.add.f32 [tilespmem:s15], [sflag:$0x2], $0x80, s30, s14, $0xb8;
	[tilespmem:$0x1D000] =	vst v63  }
0xd2: {  	_ =	swait.ge [sflag:s10], $0x4000  }
0xd3: {  	[sflag:s10] =	ssyncset.done $0x0  }
0xd4: {  	s31 =	sadd.s32 $0x380, s18;
	[sflag:s10] =	ssyncadd.s32 $0xFFFFC000  }
0xd5: {  	[tilespmem:s15], [sflag:$0x1] =	stream.indirect.gather [hbm4b:s4+s14], $0x80, s31, s14, $0xb8;
	[tilespmem:$0x1D000] =	vst v63  }
0xd6: {  	_ =	swait.ge [sflag:s16], $0x4000  }
0xd7: {  	[sflag:s16] =	ssyncset.done $0x0  }
0xd8: {  	s18 =	sadd.s32 $0x2B80, s18;
	[sflag:s16] =	ssyncadd.s32 $0xFFFFC000  }
0xd9: {  	[spmem:s2] =	stream.indirect.scatter.add.f32 [tilespmem:s15], [sflag:$0x2], $0x80, s18, s14, $0xb8;
	[tilespmem:$0x1D000] =	vst v63  }
0xda: {  	_ =	swait.ge [sflag:s10], $0x4000  }
0xdb: {  	s17 =	sadd.s32 $0x1, s17;
	[sflag:s10] =	ssyncset.done $0x0  }
0xdc: {  	p0 =	sne.s32 s17, s9;
	[sflag:s10] =	ssyncadd.s32 $0xFFFFC000  }
.Ltmp1:
0xdd: {  	[bflag:$0x0] =	sbarrier.arrive $0xFFFF;
	(pc) =	sbr.rel @p0 .LBB2_1-.Ltmp1, $4  }
0xde: {  	[hbm:s8], [sflag:s12] =	dma.local [spmem:s13], $0x2800  }
0xdf: {  	_ =	swait.ge [sflag:s10], $0x2800  }
0xe0: {  	[sflag:s10] =	ssyncset.done $0x0  }
0xe1: {  	[sflag:s10] =	ssyncadd.s32 $0xFFFFD800  }
0xe2: {  	_ =	sfence.sel $0x180000  }
0xe3: {  	[bflag:$0x0] =	sbarrier.arrive $0xFFFF  }
0xe4: {  	p0 =	sne.s32 s0, $0x0;
	_ =	strace $0x90000050  }
0xe5: {  	s0 =	sadd.s32 @!p0 $0x100000, s1;
	[bflag:$0x2] =	sbarrier.arrive $0xFFFF  }
0xe6: {  	[sflag:s0] =	ssyncadd.tile.s32 @!p0 $0x1;
	_ =	shalt  }
.Lfunc_end2:
_tile_overlayer_lowered:
.L_overlay_start_2:
0xe7: {  	(tag) =	ssettag $0x2  }
0xe8: {  	s0 =	rddreg [dreg:$0x0];
	s2 =	stileid.u32  }
0xe9: {  	s1 =	rddreg [dreg:$0x1];
	p0 =	sne.s32 s2, $0x0  }
0xea: {  	s3 =	rddreg [dreg:$0x2];
	[bflag:$0x3] =	sbarrier.arrive $0xFFFF;
	s2 =	simm.s32 @!p0 $0x1C02  }
0xeb: {  	[timem:s3], [sflag:s2] =	dma.local @!p0 [hbm:s0], s1  }
0xec: {  	s0 =	simm.s32 @!p0 $0x2  }
0xed: {  	_ =	swait.ge @!p0 [sflag:s0], s1  }
0xee: {  	s1 =	ssub.s32 @!p0 $0x0, s1;
	[sflag:s0] =	ssyncset.done @!p0 $0x0  }
0xef: {  	[sflag:s0] =	ssyncadd.s32 @!p0 s1  }
0xf0: {  	[bflag:$0x3] =	sbarrier.arrive $0xFFFF  }
0xf1: {  	_ =	shalt  }

</sc_bundles>
